<compile_context>
chip_gen: v7x
topology: tpu7x:2x2x1
jax: 0.10.2.dev20260603
libtpu: 0.0.44.dev20260713+nightly
codegen_flags: <defaults>
</compile_context>

<pallas_src>
import functools

import jax
import jax.numpy as jnp
from jax import lax
from jax.experimental import pallas as pl
from jax.experimental.pallas import tpu as pltpu
from jax.experimental.pallas import tpu_sc as plsc

B, N, T = 16384, 64, 16
CW = N * 3
PB = 1024
BS = 2048
BT = B - BS
NC, NS = 2, 16
NW = NC * NS
PWS = BS // NW
CH = 16
NCHUNK = PWS // CH


def _rnd(x):
    return x.astype(jnp.bfloat16).astype(jnp.float32)



def _tc_body(c_ref, t_ref, o_ref):
    ct = jnp.swapaxes(c_ref[...], 0, 1)
    X = ct[0:N]
    Y = ct[N:2 * N]
    Z = ct[2 * N:3 * N]
    th = jnp.swapaxes(t_ref[...], 0, 1)
    S = jnp.sin(th)
    C = jnp.cos(th)
    riota = lax.broadcasted_iota(jnp.int32, (N, PB), 0)
    for i in range(T):
        px, py, pz = X[i:i + 1], Y[i:i + 1], Z[i:i + 1]
        ux = X[i + 1:i + 2] - px
        uy = Y[i + 1:i + 2] - py
        uz = Z[i + 1:i + 2] - pz
        nrm = jnp.maximum(jnp.sqrt(ux * ux + uy * uy + uz * uz), 1e-12)
        a = ux / nrm
        b = uy / nrm
        c = uz / nrm
        s = S[i:i + 1]
        cth = C[i:i + 1]
        o = 1.0 - cth
        r00 = _rnd(cth + a * a * o)
        r01 = _rnd(a * b * o - c * s)
        r02 = _rnd(a * c * o + b * s)
        r10 = _rnd(a * b * o + c * s)
        r11 = _rnd(cth + b * b * o)
        r12 = _rnd(b * c * o - a * s)
        r20 = _rnd(a * c * o - b * s)
        r21 = _rnd(b * c * o + a * s)
        r22 = _rnd(cth + c * c * o)
        vx = _rnd(X - px)
        vy = _rnd(Y - py)
        vz = _rnd(Z - pz)
        rx = vx * r00 + vy * r01 + vz * r02 + px
        ry = vx * r10 + vy * r11 + vz * r12 + py
        rz = vx * r20 + vy * r21 + vz * r22 + pz
        mask = riota >= (i + 2)
        X = jnp.where(mask, rx, X)
        Y = jnp.where(mask, ry, Y)
        Z = jnp.where(mask, rz, Z)
    out = jnp.concatenate([X, Y, Z], axis=0)
    o_ref[...] = jnp.swapaxes(out, 0, 1)


def _tc_kinematics(coords_cm, thetas):
    grid = (coords_cm.shape[0] // PB,)
    cspec = pl.BlockSpec((PB, 3 * N), lambda g: (g, 0))
    return pl.pallas_call(
        _tc_body,
        grid=grid,
        in_specs=[cspec, pl.BlockSpec((PB, T), lambda g: (g, 0))],
        out_specs=cspec,
        out_shape=jax.ShapeDtypeStruct(coords_cm.shape, jnp.float32),
    )(coords_cm, thetas)



def _trig_body(t_ref, s_ref, c_ref):
    x = t_ref[...]
    s_ref[...] = jnp.sin(x)
    c_ref[...] = jnp.cos(x)



def _rsqrt_sc(x):
    xi = lax.bitcast_convert_type(x, jnp.int32)
    yi = jnp.int32(0x5F3759DF) - lax.shift_right_arithmetic(xi, jnp.int32(1))
    y = lax.bitcast_convert_type(yi, jnp.float32)
    for _ in range(3):
        y = y * (1.5 - 0.5 * x * y * y)
    return y


def _rnd_sc(x):
    xi = lax.bitcast_convert_type(x, jnp.int32)
    odd = lax.shift_right_logical(xi, jnp.int32(16)) & jnp.int32(1)
    ri = (xi + jnp.int32(0x7FFF) + odd) & jnp.int32(-65536)
    return lax.bitcast_convert_type(ri, jnp.float32)


def _sc_body(coords, sinv, cosv, out, cbuf, sbuf, qbuf):
    wid = lax.axis_index("s") * NC + lax.axis_index("c")
    piota = lax.iota(jnp.int32, CH)
    cidx = piota * CW
    tidx = piota * T

    def chunk_body(ch, _):
        base = wid * PWS + ch * CH
        pltpu.sync_copy(coords.at[pl.ds(base * CW, CH * CW)], cbuf)
        pltpu.sync_copy(sinv.at[pl.ds(base * T, CH * T)], sbuf)
        pltpu.sync_copy(cosv.at[pl.ds(base * T, CH * T)], qbuf)

        def g(off):
            return plsc.load_gather(cbuf, [cidx + off])

        def st(off, v):
            plsc.store_scatter(cbuf, [cidx + off], v)

        def tors_body(i, _):
            o0 = i * 3
            px, py, pz = g(o0), g(o0 + 1), g(o0 + 2)
            qx, qy, qz = g(o0 + 3), g(o0 + 4), g(o0 + 5)
            ux = qx - px
            uy = qy - py
            uz = qz - pz
            d = ux * ux + uy * uy + uz * uz
            rs = _rsqrt_sc(jnp.maximum(d, 1e-38))
            inv = 1.0 / jnp.maximum(d * rs, 1e-12)
            a = ux * inv
            b = uy * inv
            cc = uz * inv
            s = plsc.load_gather(sbuf, [tidx + i])
            ct = plsc.load_gather(qbuf, [tidx + i])
            o = 1.0 - ct
            ao = a * o
            bo = b * o
            co = cc * o
            r00 = _rnd_sc(ct + a * ao)
            r01 = _rnd_sc(a * bo - cc * s)
            r02 = _rnd_sc(a * co + b * s)
            r10 = _rnd_sc(a * bo + cc * s)
            r11 = _rnd_sc(ct + b * bo)
            r12 = _rnd_sc(b * co - a * s)
            r20 = _rnd_sc(a * co - b * s)
            r21 = _rnd_sc(b * co + a * s)
            r22 = _rnd_sc(ct + cc * co)

            @plsc.parallel_loop(i + 2, N, unroll=4)
            def atom_body(j):
                off = j * 3
                cx, cy, cz = g(off), g(off + 1), g(off + 2)
                bx = _rnd_sc(cx - px)
                by = _rnd_sc(cy - py)
                bz = _rnd_sc(cz - pz)
                rx = bx * r00 + by * r01 + bz * r02 + px
                ry = bx * r10 + by * r11 + bz * r12 + py
                rz = bx * r20 + by * r21 + bz * r22 + pz
                st(off, rx)
                st(off + 1, ry)
                st(off + 2, rz)

            return 0

        lax.fori_loop(0, T, tors_body, 0)
        pltpu.sync_copy(cbuf, out.at[pl.ds(base * CW, CH * CW)])
        return 0

    lax.fori_loop(0, NCHUNK, chunk_body, 0)


@functools.cache
def _make_sc_kinematics():
    return pl.kernel(
        _sc_body,
        out_type=jax.ShapeDtypeStruct((BS * CW,), jnp.float32),
        mesh=plsc.VectorSubcoreMesh(core_axis_name="c", subcore_axis_name="s"),
        compiler_params=pltpu.CompilerParams(needs_layout_passes=False),
        scratch_types=[
            pltpu.VMEM((CH * CW,), jnp.float32),
            pltpu.VMEM((CH * T,), jnp.float32),
            pltpu.VMEM((CH * T,), jnp.float32),
        ],
    )


def kernel(base_coords, thetas, parent_atoms, child_atoms, rotate_start):
    del parent_atoms, child_atoms, rotate_start
    th_sc = thetas[BT:].reshape(BS * T // 128, 128)
    s2, c2 = pl.pallas_call(
        _trig_body,
        out_shape=[jax.ShapeDtypeStruct(th_sc.shape, jnp.float32)] * 2,
    )(th_sc)
    out_sc = _make_sc_kinematics()(
        base_coords[BT:].reshape(BS * CW),
        s2.reshape(BS * T), c2.reshape(BS * T))
    coords_cm = jnp.swapaxes(base_coords[:BT], 1, 2).reshape(BT, 3 * N)
    out_tc = _tc_kinematics(coords_cm, thetas[:BT])
    out_tc = jnp.swapaxes(out_tc.reshape(BT, 3, N), 1, 2)
    return jnp.concatenate([out_tc, out_sc.reshape(BS, N, 3)], axis=0)

# --- scband reference (transcript-rebuilt; emitter-appended) ---
"""Pipeline reference for scband-ligand-kinematics-12945031430231 (READ-ONLY COPY).

The authoritative reference and input builder live on the scoring server;
editing this copy changes nothing except your own understanding.
"""

import jax, jax.numpy as jnp
import numpy as np

B, N, T = 16384, 64, 16


def _rot(axis, theta):
    # Rodrigues rotation matrices. axis: [B,3], theta: [B] -> [B,3,3]
    axis = axis / jnp.maximum(jnp.linalg.norm(axis, axis=1, keepdims=True), 1e-12)
    a, b, c = axis[:, 0], axis[:, 1], axis[:, 2]
    s = jnp.sin(theta)
    ct = jnp.cos(theta)
    o = 1.0 - ct
    R = jnp.stack([
        ct + a * a * o, a * b * o - c * s, a * c * o + b * s,
        a * b * o + c * s, ct + b * b * o, b * c * o - a * s,
        a * c * o - b * s, b * c * o + a * s, ct + c * c * o
    ], axis=1).reshape(-1, 3, 3)
    return R


def setup_inputs(seed: int = 0) -> dict:
    key = jax.random.key(seed)
    k1, k2 = jax.random.split(key)
    base_coords = jax.random.normal(k1, (B, N, 3), dtype=jnp.float32) * 2.0
    # thetas are the learned nn.Parameter (torsion angles)
    thetas = jax.random.normal(k2, (B, T), dtype=jnp.float32) * 0.5
    # Synthetic chain kinematic topology: torsion i rotates about bond (i, i+1)
    # and moves all atoms with index >= i+2 (frame descendants).
    parent_atoms = jnp.arange(T, dtype=jnp.int32)
    child_atoms = parent_atoms + 1
    rotate_start = parent_atoms + 2
    return {
        'base_coords': base_coords,
        'thetas': thetas,
        'parent_atoms': parent_atoms,
        'child_atoms': child_atoms,
        'rotate_start': rotate_start,
    }


def reference(base_coords, thetas, parent_atoms, child_atoms, rotate_start):
    coords = base_coords
    Nn = coords.shape[1]
    Tt = thetas.shape[1]
    atom_idx = jnp.arange(Nn, dtype=jnp.int32)
    for i in range(Tt):
        ip = parent_atoms[i]
        ic = child_atoms[i]
        start = rotate_start[i]
        theta = thetas[:, i]
        origin = coords[:, ip, :]
        axis = coords[:, ic, :] - origin
        R = _rot(axis, theta)
        vecs = coords - origin[:, None, :]
        new_vecs = jnp.matmul(vecs, jnp.transpose(R, (0, 2, 1)))
        rotated = new_vecs + origin[:, None, :]
        mask = (atom_idx >= start)[None, :, None]
        coords = jnp.where(mask, rotated, coords)
    return coords

if __name__ == "__main__":
    import jax
    _d = setup_inputs()
    print(jax.jit(kernel)(*tuple(_d.values())))

</pallas_src>

<mosaic_0001>
#map = affine_map<(d0, d1) -> (0)>
module attributes {stable_mosaic.version = 14 : i64} {
  func.func @_sc_body(%arg0: i32, %arg1: i32, %arg2: memref<393216xf32, #tpu.memory_space<hbm>>, %arg3: memref<32768xf32, #tpu.memory_space<hbm>>, %arg4: memref<32768xf32, #tpu.memory_space<hbm>>, %arg5: memref<393216xf32, #tpu.memory_space<hbm>>, %arg6: memref<3072xf32, #tpu.memory_space<vmem>>, %arg7: memref<256xf32, #tpu.memory_space<vmem>>, %arg8: memref<256xf32, #tpu.memory_space<vmem>>) attributes {dimension_semantics = [#tpu.dimension_semantics<core_parallel>, #tpu.dimension_semantics<subcore_parallel>], iteration_bounds = array<i64: 2, 16>, scalar_prefetch = 0 : i64, scratch_operands = 3 : i64, tpu.core_type = #tpu.core_type<sc_vector_subcore>, window_params = [{transform_indices = #map}, {transform_indices = #map}, {transform_indices = #map}, {transform_indices = #map}]} {
    %mul3A = arith.constant 2 : i32
    %mul3A_0 = arith.muli %arg1, %mul3A : i32
    %add3A = arith.addi %mul3A_0, %arg0 : i32
    %iota3A = tpu.iota {dimensions = array<i32: 0>} : vector<16xi32>
    %mul3A_1 = arith.constant 192 : i32
    %mul3A_2 = vector.broadcast %mul3A_1 : i32 to vector<16xi32>
    %mul3A_3 = arith.muli %iota3A, %mul3A_2 : vector<16xi32>
    %mul3A_4 = arith.constant 16 : i32
    %mul3A_5 = vector.broadcast %mul3A_4 : i32 to vector<16xi32>
    %mul3A_6 = arith.muli %iota3A, %mul3A_5 : vector<16xi32>
    %scan3A = arith.constant 0 : i32
    %scan3A_7 = arith.constant 0 : i32
    %scan3A_8 = arith.constant 4 : i32
    %scan3A_9 = arith.addi %scan3A_7, %scan3A_8 : i32
    %scan3A_10 = arith.constant 1 : i32
    %scan3A_11 = scf.for %scan3A_13 = %scan3A_7 to %scan3A_9 step %scan3A_10 iter_args(%scan3A_14 = %scan3A) -> (i32)  : i32 {
      %mul3A_15 = arith.constant 64 : i32
      %mul3A_16 = arith.muli %add3A, %mul3A_15 : i32
      %mul3A_17 = arith.constant 16 : i32
      %mul3A_18 = arith.muli %scan3A_13, %mul3A_17 : i32
      %add3A_19 = arith.addi %mul3A_16, %mul3A_18 : i32
      %mul3A_20 = arith.constant 192 : i32
      %mul3A_21 = arith.muli %add3A_19, %mul3A_20 : i32
      "tpu.region"() ({
        %run_scoped3A = tpu.sem_alloc : memref<!tpu.dma_semaphore, #tpu.memory_space<semaphore_mem>>
        %dma_start3A = tpu.memref_slice %arg2[%mul3A_21] : memref<393216xf32, #tpu.memory_space<hbm>> -> memref<3072xf32, #tpu.memory_space<hbm>>
        %dma_start3A_36 = tpu.memref_slice %arg2[%mul3A_21] : memref<393216xf32, #tpu.memory_space<hbm>> -> memref<3072xf32, #tpu.memory_space<hbm>>
        tpu.enqueue_dma source(%dma_start3A_36 : memref<3072xf32, #tpu.memory_space<hbm>>) target(%arg6 : memref<3072xf32, #tpu.memory_space<vmem>>) target_semaphore(%run_scoped3A : memref<!tpu.dma_semaphore, #tpu.memory_space<semaphore_mem>>)
        %dma_wait3A = tpu.memref_slice %arg2[%mul3A_21] : memref<393216xf32, #tpu.memory_space<hbm>> -> memref<3072xf32, #tpu.memory_space<hbm>>
        %dma_wait3A_37 = tpu.memref_slice %arg2[%mul3A_21] : memref<393216xf32, #tpu.memory_space<hbm>> -> memref<3072xf32, #tpu.memory_space<hbm>>
        tpu.wait_dma2 semaphore(%run_scoped3A : memref<!tpu.dma_semaphore, #tpu.memory_space<semaphore_mem>>) src(%dma_wait3A_37 : memref<3072xf32, #tpu.memory_space<hbm>>) dst(%arg6 : memref<3072xf32, #tpu.memory_space<vmem>>)
        tpu.yield
      }) : () -> ()
      %mul3A_22 = arith.constant 16 : i32
      %mul3A_23 = arith.muli %add3A_19, %mul3A_22 : i32
      "tpu.region"() ({
        %run_scoped3A = tpu.sem_alloc : memref<!tpu.dma_semaphore, #tpu.memory_space<semaphore_mem>>
        %dma_start3A = tpu.memref_slice %arg3[%mul3A_23] : memref<32768xf32, #tpu.memory_space<hbm>> -> memref<256xf32, #tpu.memory_space<hbm>>
        %dma_start3A_36 = tpu.memref_slice %arg3[%mul3A_23] : memref<32768xf32, #tpu.memory_space<hbm>> -> memref<256xf32, #tpu.memory_space<hbm>>
        tpu.enqueue_dma source(%dma_start3A_36 : memref<256xf32, #tpu.memory_space<hbm>>) target(%arg7 : memref<256xf32, #tpu.memory_space<vmem>>) target_semaphore(%run_scoped3A : memref<!tpu.dma_semaphore, #tpu.memory_space<semaphore_mem>>)
        %dma_wait3A = tpu.memref_slice %arg3[%mul3A_23] : memref<32768xf32, #tpu.memory_space<hbm>> -> memref<256xf32, #tpu.memory_space<hbm>>
        %dma_wait3A_37 = tpu.memref_slice %arg3[%mul3A_23] : memref<32768xf32, #tpu.memory_space<hbm>> -> memref<256xf32, #tpu.memory_space<hbm>>
        tpu.wait_dma2 semaphore(%run_scoped3A : memref<!tpu.dma_semaphore, #tpu.memory_space<semaphore_mem>>) src(%dma_wait3A_37 : memref<256xf32, #tpu.memory_space<hbm>>) dst(%arg7 : memref<256xf32, #tpu.memory_space<vmem>>)
        tpu.yield
      }) : () -> ()
      %mul3A_24 = arith.constant 16 : i32
      %mul3A_25 = arith.muli %add3A_19, %mul3A_24 : i32
      "tpu.region"() ({
        %run_scoped3A = tpu.sem_alloc : memref<!tpu.dma_semaphore, #tpu.memory_space<semaphore_mem>>
        %dma_start3A = tpu.memref_slice %arg4[%mul3A_25] : memref<32768xf32, #tpu.memory_space<hbm>> -> memref<256xf32, #tpu.memory_space<hbm>>
        %dma_start3A_36 = tpu.memref_slice %arg4[%mul3A_25] : memref<32768xf32, #tpu.memory_space<hbm>> -> memref<256xf32, #tpu.memory_space<hbm>>
        tpu.enqueue_dma source(%dma_start3A_36 : memref<256xf32, #tpu.memory_space<hbm>>) target(%arg8 : memref<256xf32, #tpu.memory_space<vmem>>) target_semaphore(%run_scoped3A : memref<!tpu.dma_semaphore, #tpu.memory_space<semaphore_mem>>)
        %dma_wait3A = tpu.memref_slice %arg4[%mul3A_25] : memref<32768xf32, #tpu.memory_space<hbm>> -> memref<256xf32, #tpu.memory_space<hbm>>
        %dma_wait3A_37 = tpu.memref_slice %arg4[%mul3A_25] : memref<32768xf32, #tpu.memory_space<hbm>> -> memref<256xf32, #tpu.memory_space<hbm>>
        tpu.wait_dma2 semaphore(%run_scoped3A : memref<!tpu.dma_semaphore, #tpu.memory_space<semaphore_mem>>) src(%dma_wait3A_37 : memref<256xf32, #tpu.memory_space<hbm>>) dst(%arg8 : memref<256xf32, #tpu.memory_space<vmem>>)
        tpu.yield
      }) : () -> ()
      %scan3A_26 = arith.constant 0 : i32
      %scan3A_27 = arith.constant 0 : i32
      %scan3A_28 = arith.constant 16 : i32
      %scan3A_29 = arith.addi %scan3A_27, %scan3A_28 : i32
      %scan3A_30 = arith.constant 1 : i32
      %scan3A_31 = scf.for %scan3A_36 = %scan3A_27 to %scan3A_29 step %scan3A_30 iter_args(%scan3A_37 = %scan3A_26) -> (i32)  : i32 {
        %mul3A_38 = arith.constant 3 : i32
        %mul3A_39 = arith.muli %scan3A_36, %mul3A_38 : i32
        %add3A_40 = vector.broadcast %mul3A_39 : i32 to vector<16xi32>
        %add3A_41 = arith.addi %mul3A_3, %add3A_40 : vector<16xi32>
        %gather3A = tpu.vector_load_idx %arg6[%add3A_41] : memref<3072xf32, #tpu.memory_space<vmem>>[vector<16xi32>], vector<16xf32>,
        %add3A_42 = arith.constant 1 : i32
        %add3A_43 = arith.addi %mul3A_39, %add3A_42 : i32
        %add3A_44 = vector.broadcast %add3A_43 : i32 to vector<16xi32>
        %add3A_45 = arith.addi %mul3A_3, %add3A_44 : vector<16xi32>
        %gather3A_46 = tpu.vector_load_idx %arg6[%add3A_45] : memref<3072xf32, #tpu.memory_space<vmem>>[vector<16xi32>], vector<16xf32>,
        %add3A_47 = arith.constant 2 : i32
        %add3A_48 = arith.addi %mul3A_39, %add3A_47 : i32
        %add3A_49 = vector.broadcast %add3A_48 : i32 to vector<16xi32>
        %add3A_50 = arith.addi %mul3A_3, %add3A_49 : vector<16xi32>
        %gather3A_51 = tpu.vector_load_idx %arg6[%add3A_50] : memref<3072xf32, #tpu.memory_space<vmem>>[vector<16xi32>], vector<16xf32>,
        %add3A_52 = arith.constant 3 : i32
        %add3A_53 = arith.addi %mul3A_39, %add3A_52 : i32
        %add3A_54 = vector.broadcast %add3A_53 : i32 to vector<16xi32>
        %add3A_55 = arith.addi %mul3A_3, %add3A_54 : vector<16xi32>
        %gather3A_56 = tpu.vector_load_idx %arg6[%add3A_55] : memref<3072xf32, #tpu.memory_space<vmem>>[vector<16xi32>], vector<16xf32>,
        %add3A_57 = arith.constant 4 : i32
        %add3A_58 = arith.addi %mul3A_39, %add3A_57 : i32
        %add3A_59 = vector.broadcast %add3A_58 : i32 to vector<16xi32>
        %add3A_60 = arith.addi %mul3A_3, %add3A_59 : vector<16xi32>
        %gather3A_61 = tpu.vector_load_idx %arg6[%add3A_60] : memref<3072xf32, #tpu.memory_space<vmem>>[vector<16xi32>], vector<16xf32>,
        %add3A_62 = arith.constant 5 : i32
        %add3A_63 = arith.addi %mul3A_39, %add3A_62 : i32
        %add3A_64 = vector.broadcast %add3A_63 : i32 to vector<16xi32>
        %add3A_65 = arith.addi %mul3A_3, %add3A_64 : vector<16xi32>
        %gather3A_66 = tpu.vector_load_idx %arg6[%add3A_65] : memref<3072xf32, #tpu.memory_space<vmem>>[vector<16xi32>], vector<16xf32>,
        %sub3A = arith.subf %gather3A_56, %gather3A : vector<16xf32>
        %sub3A_67 = arith.subf %gather3A_61, %gather3A_46 : vector<16xf32>
        %sub3A_68 = arith.subf %gather3A_66, %gather3A_51 : vector<16xf32>
        %mul3A_69 = arith.mulf %sub3A, %sub3A : vector<16xf32>
        %mul3A_70 = arith.mulf %sub3A_67, %sub3A_67 : vector<16xf32>
        %add3A_71 = arith.addf %mul3A_69, %mul3A_70 : vector<16xf32>
        %mul3A_72 = arith.mulf %sub3A_68, %sub3A_68 : vector<16xf32>
        %add3A_73 = arith.addf %add3A_71, %mul3A_72 : vector<16xf32>
        %max3A = arith.constant 9.99999935E-39 : f32
        %max3A_74 = vector.broadcast %max3A : f32 to vector<16xf32>
        %max3A_75 = arith.maximumf %add3A_73, %max3A_74 : vector<16xf32>
        %bitcast_convert_type3A = tpu.bitcast %max3A_75 : vector<16xf32> -> vector<16xi32>
        %shift_right_arithmetic3A = arith.constant 1 : i32
        %shift_right_arithmetic3A_76 = vector.broadcast %shift_right_arithmetic3A : i32 to vector<16xi32>
        %shift_right_arithmetic3A_77 = arith.shrsi %bitcast_convert_type3A, %shift_right_arithmetic3A_76 : vector<16xi32>
        %sub3A_78 = arith.constant 1597463007 : i32
        %sub3A_79 = vector.broadcast %sub3A_78 : i32 to vector<16xi32>
        %sub3A_80 = arith.subi %sub3A_79, %shift_right_arithmetic3A_77 : vector<16xi32>
        %bitcast_convert_type3A_81 = tpu.bitcast %sub3A_80 : vector<16xi32> -> vector<16xf32>
        %mul3A_82 = arith.constant 5.000000e-01 : f32
        %mul3A_83 = vector.broadcast %mul3A_82 : f32 to vector<16xf32>
        %mul3A_84 = arith.mulf %mul3A_83, %max3A_75 : vector<16xf32>
        %mul3A_85 = arith.mulf %mul3A_84, %bitcast_convert_type3A_81 : vector<16xf32>
        %mul3A_86 = arith.mulf %mul3A_85, %bitcast_convert_type3A_81 : vector<16xf32>
        %sub3A_87 = arith.constant 1.500000e+00 : f32
        %sub3A_88 = vector.broadcast %sub3A_87 : f32 to vector<16xf32>
        %sub3A_89 = arith.subf %sub3A_88, %mul3A_86 : vector<16xf32>
        %mul3A_90 = arith.mulf %bitcast_convert_type3A_81, %sub3A_89 : vector<16xf32>
        %mul3A_91 = arith.constant 5.000000e-01 : f32
        %mul3A_92 = vector.broadcast %mul3A_91 : f32 to vector<16xf32>
        %mul3A_93 = arith.mulf %mul3A_92, %max3A_75 : vector<16xf32>
        %mul3A_94 = arith.mulf %mul3A_93, %mul3A_90 : vector<16xf32>
        %mul3A_95 = arith.mulf %mul3A_94, %mul3A_90 : vector<16xf32>
        %sub3A_96 = arith.constant 1.500000e+00 : f32
        %sub3A_97 = vector.broadcast %sub3A_96 : f32 to vector<16xf32>
        %sub3A_98 = arith.subf %sub3A_97, %mul3A_95 : vector<16xf32>
        %mul3A_99 = arith.mulf %mul3A_90, %sub3A_98 : vector<16xf32>
        %mul3A_100 = arith.constant 5.000000e-01 : f32
        %mul3A_101 = vector.broadcast %mul3A_100 : f32 to vector<16xf32>
        %mul3A_102 = arith.mulf %mul3A_101, %max3A_75 : vector<16xf32>
        %mul3A_103 = arith.mulf %mul3A_102, %mul3A_99 : vector<16xf32>
        %mul3A_104 = arith.mulf %mul3A_103, %mul3A_99 : vector<16xf32>
        %sub3A_105 = arith.constant 1.500000e+00 : f32
        %sub3A_106 = vector.broadcast %sub3A_105 : f32 to vector<16xf32>
        %sub3A_107 = arith.subf %sub3A_106, %mul3A_104 : vector<16xf32>
        %mul3A_108 = arith.mulf %mul3A_99, %sub3A_107 : vector<16xf32>
        %mul3A_109 = arith.mulf %add3A_73, %mul3A_108 : vector<16xf32>
        %max3A_110 = arith.constant 9.99999996E-13 : f32
        %max3A_111 = vector.broadcast %max3A_110 : f32 to vector<16xf32>
        %max3A_112 = arith.maximumf %mul3A_109, %max3A_111 : vector<16xf32>
        %div3A = arith.constant 1.000000e+00 : f32
        %div3A_113 = vector.broadcast %div3A : f32 to vector<16xf32>
        %div3A_114 = arith.divf %div3A_113, %max3A_112 : vector<16xf32>
        %mul3A_115 = arith.mulf %sub3A, %div3A_114 : vector<16xf32>
        %mul3A_116 = arith.mulf %sub3A_67, %div3A_114 : vector<16xf32>
        %mul3A_117 = arith.mulf %sub3A_68, %div3A_114 : vector<16xf32>
        %add3A_118 = vector.broadcast %scan3A_36 : i32 to vector<16xi32>
        %add3A_119 = arith.addi %mul3A_6, %add3A_118 : vector<16xi32>
        %gather3A_120 = tpu.vector_load_idx %arg7[%add3A_119] : memref<256xf32, #tpu.memory_space<vmem>>[vector<16xi32>], vector<16xf32>,
        %add3A_121 = vector.broadcast %scan3A_36 : i32 to vector<16xi32>
        %add3A_122 = arith.addi %mul3A_6, %add3A_121 : vector<16xi32>
        %gather3A_123 = tpu.vector_load_idx %arg8[%add3A_122] : memref<256xf32, #tpu.memory_space<vmem>>[vector<16xi32>], vector<16xf32>,
        %sub3A_124 = arith.constant 1.000000e+00 : f32
        %sub3A_125 = vector.broadcast %sub3A_124 : f32 to vector<16xf32>
        %sub3A_126 = arith.subf %sub3A_125, %gather3A_123 : vector<16xf32>
        %mul3A_127 = arith.mulf %mul3A_115, %sub3A_126 : vector<16xf32>
        %mul3A_128 = arith.mulf %mul3A_116, %sub3A_126 : vector<16xf32>
        %mul3A_129 = arith.mulf %mul3A_117, %sub3A_126 : vector<16xf32>
        %mul3A_130 = arith.mulf %mul3A_115, %mul3A_127 : vector<16xf32>
        %add3A_131 = arith.addf %gather3A_123, %mul3A_130 : vector<16xf32>
        %bitcast_convert_type3A_132 = tpu.bitcast %add3A_131 : vector<16xf32> -> vector<16xi32>
        %shift_right_logical3A = arith.constant 16 : i32
        %shift_right_logical3A_133 = vector.broadcast %shift_right_logical3A : i32 to vector<16xi32>
        %shift_right_logical3A_134 = arith.shrui %bitcast_convert_type3A_132, %shift_right_logical3A_133 : vector<16xi32>
        %and3A = arith.constant 1 : i32
        %and3A_135 = vector.broadcast %and3A : i32 to vector<16xi32>
        %and3A_136 = arith.andi %shift_right_logical3A_134, %and3A_135 : vector<16xi32>
        %add3A_137 = arith.constant 32767 : i32
        %add3A_138 = vector.broadcast %add3A_137 : i32 to vector<16xi32>
        %add3A_139 = arith.addi %bitcast_convert_type3A_132, %add3A_138 : vector<16xi32>
        %add3A_140 = arith.addi %add3A_139, %and3A_136 : vector<16xi32>
        %and3A_141 = arith.constant -65536 : i32
        %and3A_142 = vector.broadcast %and3A_141 : i32 to vector<16xi32>
        %and3A_143 = arith.andi %add3A_140, %and3A_142 : vector<16xi32>
        %bitcast_convert_type3A_144 = tpu.bitcast %and3A_143 : vector<16xi32> -> vector<16xf32>
        %mul3A_145 = arith.mulf %mul3A_115, %mul3A_128 : vector<16xf32>
        %mul3A_146 = arith.mulf %mul3A_117, %gather3A_120 : vector<16xf32>
        %sub3A_147 = arith.subf %mul3A_145, %mul3A_146 : vector<16xf32>
        %bitcast_convert_type3A_148 = tpu.bitcast %sub3A_147 : vector<16xf32> -> vector<16xi32>
        %shift_right_logical3A_149 = arith.constant 16 : i32
        %shift_right_logical3A_150 = vector.broadcast %shift_right_logical3A_149 : i32 to vector<16xi32>
        %shift_right_logical3A_151 = arith.shrui %bitcast_convert_type3A_148, %shift_right_logical3A_150 : vector<16xi32>
        %and3A_152 = arith.constant 1 : i32
        %and3A_153 = vector.broadcast %and3A_152 : i32 to vector<16xi32>
        %and3A_154 = arith.andi %shift_right_logical3A_151, %and3A_153 : vector<16xi32>
        %add3A_155 = arith.constant 32767 : i32
        %add3A_156 = vector.broadcast %add3A_155 : i32 to vector<16xi32>
        %add3A_157 = arith.addi %bitcast_convert_type3A_148, %add3A_156 : vector<16xi32>
        %add3A_158 = arith.addi %add3A_157, %and3A_154 : vector<16xi32>
        %and3A_159 = arith.constant -65536 : i32
        %and3A_160 = vector.broadcast %and3A_159 : i32 to vector<16xi32>
        %and3A_161 = arith.andi %add3A_158, %and3A_160 : vector<16xi32>
        %bitcast_convert_type3A_162 = tpu.bitcast %and3A_161 : vector<16xi32> -> vector<16xf32>
        %mul3A_163 = arith.mulf %mul3A_115, %mul3A_129 : vector<16xf32>
        %mul3A_164 = arith.mulf %mul3A_116, %gather3A_120 : vector<16xf32>
        %add3A_165 = arith.addf %mul3A_163, %mul3A_164 : vector<16xf32>
        %bitcast_convert_type3A_166 = tpu.bitcast %add3A_165 : vector<16xf32> -> vector<16xi32>
        %shift_right_logical3A_167 = arith.constant 16 : i32
        %shift_right_logical3A_168 = vector.broadcast %shift_right_logical3A_167 : i32 to vector<16xi32>
        %shift_right_logical3A_169 = arith.shrui %bitcast_convert_type3A_166, %shift_right_logical3A_168 : vector<16xi32>
        %and3A_170 = arith.constant 1 : i32
        %and3A_171 = vector.broadcast %and3A_170 : i32 to vector<16xi32>
        %and3A_172 = arith.andi %shift_right_logical3A_169, %and3A_171 : vector<16xi32>
        %add3A_173 = arith.constant 32767 : i32
        %add3A_174 = vector.broadcast %add3A_173 : i32 to vector<16xi32>
        %add3A_175 = arith.addi %bitcast_convert_type3A_166, %add3A_174 : vector<16xi32>
        %add3A_176 = arith.addi %add3A_175, %and3A_172 : vector<16xi32>
        %and3A_177 = arith.constant -65536 : i32
        %and3A_178 = vector.broadcast %and3A_177 : i32 to vector<16xi32>
        %and3A_179 = arith.andi %add3A_176, %and3A_178 : vector<16xi32>
        %bitcast_convert_type3A_180 = tpu.bitcast %and3A_179 : vector<16xi32> -> vector<16xf32>
        %mul3A_181 = arith.mulf %mul3A_115, %mul3A_128 : vector<16xf32>
        %mul3A_182 = arith.mulf %mul3A_117, %gather3A_120 : vector<16xf32>
        %add3A_183 = arith.addf %mul3A_181, %mul3A_182 : vector<16xf32>
        %bitcast_convert_type3A_184 = tpu.bitcast %add3A_183 : vector<16xf32> -> vector<16xi32>
        %shift_right_logical3A_185 = arith.constant 16 : i32
        %shift_right_logical3A_186 = vector.broadcast %shift_right_logical3A_185 : i32 to vector<16xi32>
        %shift_right_logical3A_187 = arith.shrui %bitcast_convert_type3A_184, %shift_right_logical3A_186 : vector<16xi32>
        %and3A_188 = arith.constant 1 : i32
        %and3A_189 = vector.broadcast %and3A_188 : i32 to vector<16xi32>
        %and3A_190 = arith.andi %shift_right_logical3A_187, %and3A_189 : vector<16xi32>
        %add3A_191 = arith.constant 32767 : i32
        %add3A_192 = vector.broadcast %add3A_191 : i32 to vector<16xi32>
        %add3A_193 = arith.addi %bitcast_convert_type3A_184, %add3A_192 : vector<16xi32>
        %add3A_194 = arith.addi %add3A_193, %and3A_190 : vector<16xi32>
        %and3A_195 = arith.constant -65536 : i32
        %and3A_196 = vector.broadcast %and3A_195 : i32 to vector<16xi32>
        %and3A_197 = arith.andi %add3A_194, %and3A_196 : vector<16xi32>
        %bitcast_convert_type3A_198 = tpu.bitcast %and3A_197 : vector<16xi32> -> vector<16xf32>
        %mul3A_199 = arith.mulf %mul3A_116, %mul3A_128 : vector<16xf32>
        %add3A_200 = arith.addf %gather3A_123, %mul3A_199 : vector<16xf32>
        %bitcast_convert_type3A_201 = tpu.bitcast %add3A_200 : vector<16xf32> -> vector<16xi32>
        %shift_right_logical3A_202 = arith.constant 16 : i32
        %shift_right_logical3A_203 = vector.broadcast %shift_right_logical3A_202 : i32 to vector<16xi32>
        %shift_right_logical3A_204 = arith.shrui %bitcast_convert_type3A_201, %shift_right_logical3A_203 : vector<16xi32>
        %and3A_205 = arith.constant 1 : i32
        %and3A_206 = vector.broadcast %and3A_205 : i32 to vector<16xi32>
        %and3A_207 = arith.andi %shift_right_logical3A_204, %and3A_206 : vector<16xi32>
        %add3A_208 = arith.constant 32767 : i32
        %add3A_209 = vector.broadcast %add3A_208 : i32 to vector<16xi32>
        %add3A_210 = arith.addi %bitcast_convert_type3A_201, %add3A_209 : vector<16xi32>
        %add3A_211 = arith.addi %add3A_210, %and3A_207 : vector<16xi32>
        %and3A_212 = arith.constant -65536 : i32
        %and3A_213 = vector.broadcast %and3A_212 : i32 to vector<16xi32>
        %and3A_214 = arith.andi %add3A_211, %and3A_213 : vector<16xi32>
        %bitcast_convert_type3A_215 = tpu.bitcast %and3A_214 : vector<16xi32> -> vector<16xf32>
        %mul3A_216 = arith.mulf %mul3A_116, %mul3A_129 : vector<16xf32>
        %mul3A_217 = arith.mulf %mul3A_115, %gather3A_120 : vector<16xf32>
        %sub3A_218 = arith.subf %mul3A_216, %mul3A_217 : vector<16xf32>
        %bitcast_convert_type3A_219 = tpu.bitcast %sub3A_218 : vector<16xf32> -> vector<16xi32>
        %shift_right_logical3A_220 = arith.constant 16 : i32
        %shift_right_logical3A_221 = vector.broadcast %shift_right_logical3A_220 : i32 to vector<16xi32>
        %shift_right_logical3A_222 = arith.shrui %bitcast_convert_type3A_219, %shift_right_logical3A_221 : vector<16xi32>
        %and3A_223 = arith.constant 1 : i32
        %and3A_224 = vector.broadcast %and3A_223 : i32 to vector<16xi32>
        %and3A_225 = arith.andi %shift_right_logical3A_222, %and3A_224 : vector<16xi32>
        %add3A_226 = arith.constant 32767 : i32
        %add3A_227 = vector.broadcast %add3A_226 : i32 to vector<16xi32>
        %add3A_228 = arith.addi %bitcast_convert_type3A_219, %add3A_227 : vector<16xi32>
        %add3A_229 = arith.addi %add3A_228, %and3A_225 : vector<16xi32>
        %and3A_230 = arith.constant -65536 : i32
        %and3A_231 = vector.broadcast %and3A_230 : i32 to vector<16xi32>
        %and3A_232 = arith.andi %add3A_229, %and3A_231 : vector<16xi32>
        %bitcast_convert_type3A_233 = tpu.bitcast %and3A_232 : vector<16xi32> -> vector<16xf32>
        %mul3A_234 = arith.mulf %mul3A_115, %mul3A_129 : vector<16xf32>
        %mul3A_235 = arith.mulf %mul3A_116, %gather3A_120 : vector<16xf32>
        %sub3A_236 = arith.subf %mul3A_234, %mul3A_235 : vector<16xf32>
        %bitcast_convert_type3A_237 = tpu.bitcast %sub3A_236 : vector<16xf32> -> vector<16xi32>
        %shift_right_logical3A_238 = arith.constant 16 : i32
        %shift_right_logical3A_239 = vector.broadcast %shift_right_logical3A_238 : i32 to vector<16xi32>
        %shift_right_logical3A_240 = arith.shrui %bitcast_convert_type3A_237, %shift_right_logical3A_239 : vector<16xi32>
        %and3A_241 = arith.constant 1 : i32
        %and3A_242 = vector.broadcast %and3A_241 : i32 to vector<16xi32>
        %and3A_243 = arith.andi %shift_right_logical3A_240, %and3A_242 : vector<16xi32>
        %add3A_244 = arith.constant 32767 : i32
        %add3A_245 = vector.broadcast %add3A_244 : i32 to vector<16xi32>
        %add3A_246 = arith.addi %bitcast_convert_type3A_237, %add3A_245 : vector<16xi32>
        %add3A_247 = arith.addi %add3A_246, %and3A_243 : vector<16xi32>
        %and3A_248 = arith.constant -65536 : i32
        %and3A_249 = vector.broadcast %and3A_248 : i32 to vector<16xi32>
        %and3A_250 = arith.andi %add3A_247, %and3A_249 : vector<16xi32>
        %bitcast_convert_type3A_251 = tpu.bitcast %and3A_250 : vector<16xi32> -> vector<16xf32>
        %mul3A_252 = arith.mulf %mul3A_116, %mul3A_129 : vector<16xf32>
        %mul3A_253 = arith.mulf %mul3A_115, %gather3A_120 : vector<16xf32>
        %add3A_254 = arith.addf %mul3A_252, %mul3A_253 : vector<16xf32>
        %bitcast_convert_type3A_255 = tpu.bitcast %add3A_254 : vector<16xf32> -> vector<16xi32>
        %shift_right_logical3A_256 = arith.constant 16 : i32
        %shift_right_logical3A_257 = vector.broadcast %shift_right_logical3A_256 : i32 to vector<16xi32>
        %shift_right_logical3A_258 = arith.shrui %bitcast_convert_type3A_255, %shift_right_logical3A_257 : vector<16xi32>
        %and3A_259 = arith.constant 1 : i32
        %and3A_260 = vector.broadcast %and3A_259 : i32 to vector<16xi32>
        %and3A_261 = arith.andi %shift_right_logical3A_258, %and3A_260 : vector<16xi32>
        %add3A_262 = arith.constant 32767 : i32
        %add3A_263 = vector.broadcast %add3A_262 : i32 to vector<16xi32>
        %add3A_264 = arith.addi %bitcast_convert_type3A_255, %add3A_263 : vector<16xi32>
        %add3A_265 = arith.addi %add3A_264, %and3A_261 : vector<16xi32>
        %and3A_266 = arith.constant -65536 : i32
        %and3A_267 = vector.broadcast %and3A_266 : i32 to vector<16xi32>
        %and3A_268 = arith.andi %add3A_265, %and3A_267 : vector<16xi32>
        %bitcast_convert_type3A_269 = tpu.bitcast %and3A_268 : vector<16xi32> -> vector<16xf32>
        %mul3A_270 = arith.mulf %mul3A_117, %mul3A_129 : vector<16xf32>
        %add3A_271 = arith.addf %gather3A_123, %mul3A_270 : vector<16xf32>
        %bitcast_convert_type3A_272 = tpu.bitcast %add3A_271 : vector<16xf32> -> vector<16xi32>
        %shift_right_logical3A_273 = arith.constant 16 : i32
        %shift_right_logical3A_274 = vector.broadcast %shift_right_logical3A_273 : i32 to vector<16xi32>
        %shift_right_logical3A_275 = arith.shrui %bitcast_convert_type3A_272, %shift_right_logical3A_274 : vector<16xi32>
        %and3A_276 = arith.constant 1 : i32
        %and3A_277 = vector.broadcast %and3A_276 : i32 to vector<16xi32>
        %and3A_278 = arith.andi %shift_right_logical3A_275, %and3A_277 : vector<16xi32>
        %add3A_279 = arith.constant 32767 : i32
        %add3A_280 = vector.broadcast %add3A_279 : i32 to vector<16xi32>
        %add3A_281 = arith.addi %bitcast_convert_type3A_272, %add3A_280 : vector<16xi32>
        %add3A_282 = arith.addi %add3A_281, %and3A_278 : vector<16xi32>
        %and3A_283 = arith.constant -65536 : i32
        %and3A_284 = vector.broadcast %and3A_283 : i32 to vector<16xi32>
        %and3A_285 = arith.andi %add3A_282, %and3A_284 : vector<16xi32>
        %bitcast_convert_type3A_286 = tpu.bitcast %and3A_285 : vector<16xi32> -> vector<16xf32>
        %add3A_287 = arith.constant 2 : i32
        %add3A_288 = arith.addi %scan3A_36, %add3A_287 : i32
        %parallel_loop3A = arith.constant 64 : i32
        %parallel_loop3A_289 = arith.constant 1 : i32
        scf.for %parallel_loop3A_291 = %add3A_288 to %parallel_loop3A step %parallel_loop3A_289  : i32 {
          %parallel_loop3A_292 = arith.constant 3 : i32
          %parallel_loop3A_293 = arith.muli %parallel_loop3A_291, %parallel_loop3A_292 : i32
          %parallel_loop3A_294 = vector.broadcast %parallel_loop3A_293 : i32 to vector<16xi32>
          %parallel_loop3A_295 = arith.addi %mul3A_3, %parallel_loop3A_294 : vector<16xi32>
          %parallel_loop3A_296 = tpu.vector_load_idx %arg6[%parallel_loop3A_295] : memref<3072xf32, #tpu.memory_space<vmem>>[vector<16xi32>], vector<16xf32>,
          %parallel_loop3A_297 = arith.constant 1 : i32
          %parallel_loop3A_298 = arith.addi %parallel_loop3A_293, %parallel_loop3A_297 : i32
          %parallel_loop3A_299 = vector.broadcast %parallel_loop3A_298 : i32 to vector<16xi32>
          %parallel_loop3A_300 = arith.addi %mul3A_3, %parallel_loop3A_299 : vector<16xi32>
          %parallel_loop3A_301 = tpu.vector_load_idx %arg6[%parallel_loop3A_300] : memref<3072xf32, #tpu.memory_space<vmem>>[vector<16xi32>], vector<16xf32>,
          %parallel_loop3A_302 = arith.constant 2 : i32
          %parallel_loop3A_303 = arith.addi %parallel_loop3A_293, %parallel_loop3A_302 : i32
          %parallel_loop3A_304 = vector.broadcast %parallel_loop3A_303 : i32 to vector<16xi32>
          %parallel_loop3A_305 = arith.addi %mul3A_3, %parallel_loop3A_304 : vector<16xi32>
          %parallel_loop3A_306 = tpu.vector_load_idx %arg6[%parallel_loop3A_305] : memref<3072xf32, #tpu.memory_space<vmem>>[vector<16xi32>], vector<16xf32>,
          %parallel_loop3A_307 = arith.subf %parallel_loop3A_296, %gather3A : vector<16xf32>
          %parallel_loop3A_308 = tpu.bitcast %parallel_loop3A_307 : vector<16xf32> -> vector<16xi32>
          %parallel_loop3A_309 = arith.constant 16 : i32
          %parallel_loop3A_310 = vector.broadcast %parallel_loop3A_309 : i32 to vector<16xi32>
          %parallel_loop3A_311 = arith.shrui %parallel_loop3A_308, %parallel_loop3A_310 : vector<16xi32>
          %parallel_loop3A_312 = arith.constant 1 : i32
          %parallel_loop3A_313 = vector.broadcast %parallel_loop3A_312 : i32 to vector<16xi32>
          %parallel_loop3A_314 = arith.andi %parallel_loop3A_311, %parallel_loop3A_313 : vector<16xi32>
          %parallel_loop3A_315 = arith.constant 32767 : i32
          %parallel_loop3A_316 = vector.broadcast %parallel_loop3A_315 : i32 to vector<16xi32>
          %parallel_loop3A_317 = arith.addi %parallel_loop3A_308, %parallel_loop3A_316 : vector<16xi32>
          %parallel_loop3A_318 = arith.addi %parallel_loop3A_317, %parallel_loop3A_314 : vector<16xi32>
          %parallel_loop3A_319 = arith.constant -65536 : i32
          %parallel_loop3A_320 = vector.broadcast %parallel_loop3A_319 : i32 to vector<16xi32>
          %parallel_loop3A_321 = arith.andi %parallel_loop3A_318, %parallel_loop3A_320 : vector<16xi32>
          %parallel_loop3A_322 = tpu.bitcast %parallel_loop3A_321 : vector<16xi32> -> vector<16xf32>
          %parallel_loop3A_323 = arith.subf %parallel_loop3A_301, %gather3A_46 : vector<16xf32>
          %parallel_loop3A_324 = tpu.bitcast %parallel_loop3A_323 : vector<16xf32> -> vector<16xi32>
          %parallel_loop3A_325 = arith.constant 16 : i32
          %parallel_loop3A_326 = vector.broadcast %parallel_loop3A_325 : i32 to vector<16xi32>
          %parallel_loop3A_327 = arith.shrui %parallel_loop3A_324, %parallel_loop3A_326 : vector<16xi32>
          %parallel_loop3A_328 = arith.constant 1 : i32
          %parallel_loop3A_329 = vector.broadcast %parallel_loop3A_328 : i32 to vector<16xi32>
          %parallel_loop3A_330 = arith.andi %parallel_loop3A_327, %parallel_loop3A_329 : vector<16xi32>
          %parallel_loop3A_331 = arith.constant 32767 : i32
          %parallel_loop3A_332 = vector.broadcast %parallel_loop3A_331 : i32 to vector<16xi32>
          %parallel_loop3A_333 = arith.addi %parallel_loop3A_324, %parallel_loop3A_332 : vector<16xi32>
          %parallel_loop3A_334 = arith.addi %parallel_loop3A_333, %parallel_loop3A_330 : vector<16xi32>
          %parallel_loop3A_335 = arith.constant -65536 : i32
          %parallel_loop3A_336 = vector.broadcast %parallel_loop3A_335 : i32 to vector<16xi32>
          %parallel_loop3A_337 = arith.andi %parallel_loop3A_334, %parallel_loop3A_336 : vector<16xi32>
          %parallel_loop3A_338 = tpu.bitcast %parallel_loop3A_337 : vector<16xi32> -> vector<16xf32>
          %parallel_loop3A_339 = arith.subf %parallel_loop3A_306, %gather3A_51 : vector<16xf32>
          %parallel_loop3A_340 = tpu.bitcast %parallel_loop3A_339 : vector<16xf32> -> vector<16xi32>
          %parallel_loop3A_341 = arith.constant 16 : i32
          %parallel_loop3A_342 = vector.broadcast %parallel_loop3A_341 : i32 to vector<16xi32>
          %parallel_loop3A_343 = arith.shrui %parallel_loop3A_340, %parallel_loop3A_342 : vector<16xi32>
          %parallel_loop3A_344 = arith.constant 1 : i32
          %parallel_loop3A_345 = vector.broadcast %parallel_loop3A_344 : i32 to vector<16xi32>
          %parallel_loop3A_346 = arith.andi %parallel_loop3A_343, %parallel_loop3A_345 : vector<16xi32>
          %parallel_loop3A_347 = arith.constant 32767 : i32
          %parallel_loop3A_348 = vector.broadcast %parallel_loop3A_347 : i32 to vector<16xi32>
          %parallel_loop3A_349 = arith.addi %parallel_loop3A_340, %parallel_loop3A_348 : vector<16xi32>
          %parallel_loop3A_350 = arith.addi %parallel_loop3A_349, %parallel_loop3A_346 : vector<16xi32>
          %parallel_loop3A_351 = arith.constant -65536 : i32
          %parallel_loop3A_352 = vector.broadcast %parallel_loop3A_351 : i32 to vector<16xi32>
          %parallel_loop3A_353 = arith.andi %parallel_loop3A_350, %parallel_loop3A_352 : vector<16xi32>
          %parallel_loop3A_354 = tpu.bitcast %parallel_loop3A_353 : vector<16xi32> -> vector<16xf32>
          %parallel_loop3A_355 = arith.mulf %parallel_loop3A_322, %bitcast_convert_type3A_144 : vector<16xf32>
          %parallel_loop3A_356 = arith.mulf %parallel_loop3A_338, %bitcast_convert_type3A_162 : vector<16xf32>
          %parallel_loop3A_357 = arith.addf %parallel_loop3A_355, %parallel_loop3A_356 : vector<16xf32>
          %parallel_loop3A_358 = arith.mulf %parallel_loop3A_354, %bitcast_convert_type3A_180 : vector<16xf32>
          %parallel_loop3A_359 = arith.addf %parallel_loop3A_357, %parallel_loop3A_358 : vector<16xf32>
          %parallel_loop3A_360 = arith.addf %parallel_loop3A_359, %gather3A : vector<16xf32>
          %parallel_loop3A_361 = arith.mulf %parallel_loop3A_322, %bitcast_convert_type3A_198 : vector<16xf32>
          %parallel_loop3A_362 = arith.mulf %parallel_loop3A_338, %bitcast_convert_type3A_215 : vector<16xf32>
          %parallel_loop3A_363 = arith.addf %parallel_loop3A_361, %parallel_loop3A_362 : vector<16xf32>
          %parallel_loop3A_364 = arith.mulf %parallel_loop3A_354, %bitcast_convert_type3A_233 : vector<16xf32>
          %parallel_loop3A_365 = arith.addf %parallel_loop3A_363, %parallel_loop3A_364 : vector<16xf32>
          %parallel_loop3A_366 = arith.addf %parallel_loop3A_365, %gather3A_46 : vector<16xf32>
          %parallel_loop3A_367 = arith.mulf %parallel_loop3A_322, %bitcast_convert_type3A_251 : vector<16xf32>
          %parallel_loop3A_368 = arith.mulf %parallel_loop3A_338, %bitcast_convert_type3A_269 : vector<16xf32>
          %parallel_loop3A_369 = arith.addf %parallel_loop3A_367, %parallel_loop3A_368 : vector<16xf32>
          %parallel_loop3A_370 = arith.mulf %parallel_loop3A_354, %bitcast_convert_type3A_286 : vector<16xf32>
          %parallel_loop3A_371 = arith.addf %parallel_loop3A_369, %parallel_loop3A_370 : vector<16xf32>
          %parallel_loop3A_372 = arith.addf %parallel_loop3A_371, %gather3A_51 : vector<16xf32>
          %parallel_loop3A_373 = vector.broadcast %parallel_loop3A_293 : i32 to vector<16xi32>
          %parallel_loop3A_374 = arith.addi %mul3A_3, %parallel_loop3A_373 : vector<16xi32>
          tpu.vector_store_idx %arg6[%parallel_loop3A_374], %parallel_loop3A_360 : memref<3072xf32, #tpu.memory_space<vmem>>[vector<16xi32>], vector<16xf32>,
          %parallel_loop3A_375 = arith.constant 1 : i32
          %parallel_loop3A_376 = arith.addi %parallel_loop3A_293, %parallel_loop3A_375 : i32
          %parallel_loop3A_377 = vector.broadcast %parallel_loop3A_376 : i32 to vector<16xi32>
          %parallel_loop3A_378 = arith.addi %mul3A_3, %parallel_loop3A_377 : vector<16xi32>
          tpu.vector_store_idx %arg6[%parallel_loop3A_378], %parallel_loop3A_366 : memref<3072xf32, #tpu.memory_space<vmem>>[vector<16xi32>], vector<16xf32>,
          %parallel_loop3A_379 = arith.constant 2 : i32
          %parallel_loop3A_380 = arith.addi %parallel_loop3A_293, %parallel_loop3A_379 : i32
          %parallel_loop3A_381 = vector.broadcast %parallel_loop3A_380 : i32 to vector<16xi32>
          %parallel_loop3A_382 = arith.addi %mul3A_3, %parallel_loop3A_381 : vector<16xi32>
          tpu.vector_store_idx %arg6[%parallel_loop3A_382], %parallel_loop3A_372 : memref<3072xf32, #tpu.memory_space<vmem>>[vector<16xi32>], vector<16xf32>,
        } {sc.loop_unroll_factor = 4 : i64, sc.parallel_access}
        %scan3A_290 = arith.constant 0 : i32
        scf.yield %scan3A_290 : i32
      }
      %scan3A_32 = arith.constant 16 : i32
      %mul3A_33 = arith.constant 192 : i32
      %mul3A_34 = arith.muli %add3A_19, %mul3A_33 : i32
      "tpu.region"() ({
        %run_scoped3A = tpu.sem_alloc : memref<!tpu.dma_semaphore, #tpu.memory_space<semaphore_mem>>
        %dma_start3A = tpu.memref_slice %arg5[%mul3A_34] : memref<393216xf32, #tpu.memory_space<hbm>> -> memref<3072xf32, #tpu.memory_space<hbm>>
        %dma_start3A_36 = tpu.memref_slice %arg5[%mul3A_34] : memref<393216xf32, #tpu.memory_space<hbm>> -> memref<3072xf32, #tpu.memory_space<hbm>>
        tpu.enqueue_dma source(%arg6 : memref<3072xf32, #tpu.memory_space<vmem>>) target(%dma_start3A_36 : memref<3072xf32, #tpu.memory_space<hbm>>) target_semaphore(%run_scoped3A : memref<!tpu.dma_semaphore, #tpu.memory_space<semaphore_mem>>)
        %dma_wait3A = tpu.memref_slice %arg5[%mul3A_34] : memref<393216xf32, #tpu.memory_space<hbm>> -> memref<3072xf32, #tpu.memory_space<hbm>>
        %dma_wait3A_37 = tpu.memref_slice %arg5[%mul3A_34] : memref<393216xf32, #tpu.memory_space<hbm>> -> memref<3072xf32, #tpu.memory_space<hbm>>
        tpu.wait_dma2 semaphore(%run_scoped3A : memref<!tpu.dma_semaphore, #tpu.memory_space<semaphore_mem>>) src(%arg6 : memref<3072xf32, #tpu.memory_space<vmem>>) dst(%dma_wait3A_37 : memref<3072xf32, #tpu.memory_space<hbm>>)
        tpu.yield
      }) : () -> ()
      %scan3A_35 = arith.constant 0 : i32
      scf.yield %scan3A_35 : i32
    }
    %scan3A_12 = arith.constant 4 : i32
    return
  }
}

module attributes {stable_mosaic.version = 14 : i64} {
  func.func @_trig_body(%arg0: memref<256x128xf32, #tpu.memory_space<vmem>>, %arg1: memref<256x128xf32, #tpu.memory_space<vmem>>, %arg2: memref<256x128xf32, #tpu.memory_space<vmem>>) attributes {dimension_semantics = [], scalar_prefetch = 0 : i64, scratch_operands = 0 : i64, tpu.core_type = #tpu.core_type<tc>} {
    %get3A = arith.constant 0 : index
    %get3A_0 = arith.constant 0 : index
    %get3A_1 = vector.load %arg0[%get3A, %get3A_0] : memref<256x128xf32, #tpu.memory_space<vmem>>, vector<256x128xf32>
    %sin3A = math.sin %get3A_1 : vector<256x128xf32>
    %swap3A = arith.constant 0 : index
    %swap3A_2 = arith.constant 0 : index
    %swap3A_3 = vector.load %arg1[%swap3A, %swap3A_2] : memref<256x128xf32, #tpu.memory_space<vmem>>, vector<256x128xf32>
    tpu.vector_store %arg1[%swap3A, %swap3A_2], %sin3A {strides = array<i32>} : memref<256x128xf32, #tpu.memory_space<vmem>>, vector<256x128xf32>,
    %cos3A = math.cos %get3A_1 : vector<256x128xf32>
    %swap3A_4 = arith.constant 0 : index
    %swap3A_5 = arith.constant 0 : index
    %swap3A_6 = vector.load %arg2[%swap3A_4, %swap3A_5] : memref<256x128xf32, #tpu.memory_space<vmem>>, vector<256x128xf32>
    tpu.vector_store %arg2[%swap3A_4, %swap3A_5], %cos3A {strides = array<i32>} : memref<256x128xf32, #tpu.memory_space<vmem>>, vector<256x128xf32>,
    return
  }
}

module attributes {stable_mosaic.version = 14 : i64} {
  func.func @_tc_body(%arg0: i32, %arg1: memref<1024x192xf32, #tpu.memory_space<vmem>>, %arg2: memref<1024x16xf32, #tpu.memory_space<vmem>>, %arg3: memref<1024x192xf32, #tpu.memory_space<vmem>>) attributes {dimension_semantics = [#tpu.dimension_semantics<arbitrary>], iteration_bounds = array<i64: 14>, scalar_prefetch = 0 : i64, scratch_operands = 0 : i64, tpu.core_type = #tpu.core_type<tc>, window_params = [{transform_indices = @transform_0, window_bounds = array<i64: 1024, 192>}, {transform_indices = @transform_1, window_bounds = array<i64: 1024, 16>}, {transform_indices = @transform_2, window_bounds = array<i64: 1024, 192>}]} {
    %get3A = arith.constant 0 : index
    %get3A_0 = arith.constant 0 : index
    %get3A_1 = vector.load %arg1[%get3A, %get3A_0] : memref<1024x192xf32, #tpu.memory_space<vmem>>, vector<1024x192xf32>
    %transpose3A = tpu.transpose %get3A_1, [1, 0] : vector<1024x192xf32> -> vector<192x1024xf32>
    %slice3A = vector.extract_strided_slice %transpose3A {offsets = [0, 0], sizes = [64, 1024], strides = [1, 1]} : vector<192x1024xf32> to vector<64x1024xf32>
    %slice3A_2 = vector.extract_strided_slice %transpose3A {offsets = [64, 0], sizes = [64, 1024], strides = [1, 1]} : vector<192x1024xf32> to vector<64x1024xf32>
    %slice3A_3 = vector.extract_strided_slice %transpose3A {offsets = [128, 0], sizes = [64, 1024], strides = [1, 1]} : vector<192x1024xf32> to vector<64x1024xf32>
    %get3A_4 = arith.constant 0 : index
    %get3A_5 = arith.constant 0 : index
    %get3A_6 = vector.load %arg2[%get3A_4, %get3A_5] : memref<1024x16xf32, #tpu.memory_space<vmem>>, vector<1024x16xf32>
    %transpose3A_7 = tpu.transpose %get3A_6, [1, 0] : vector<1024x16xf32> -> vector<16x1024xf32>
    %sin3A = math.sin %transpose3A_7 : vector<16x1024xf32>
    %cos3A = math.cos %transpose3A_7 : vector<16x1024xf32>
    %iota3A = tpu.iota {dimensions = array<i32: 0>} : vector<64x1024xi32>
    %slice3A_8 = vector.extract_strided_slice %slice3A {offsets = [0, 0], sizes = [1, 1024], strides = [1, 1]} : vector<64x1024xf32> to vector<1x1024xf32>
    %slice3A_9 = vector.extract_strided_slice %slice3A_2 {offsets = [0, 0], sizes = [1, 1024], strides = [1, 1]} : vector<64x1024xf32> to vector<1x1024xf32>
    %slice3A_10 = vector.extract_strided_slice %slice3A_3 {offsets = [0, 0], sizes = [1, 1024], strides = [1, 1]} : vector<64x1024xf32> to vector<1x1024xf32>
    %slice3A_11 = vector.extract_strided_slice %slice3A {offsets = [1, 0], sizes = [1, 1024], strides = [1, 1]} : vector<64x1024xf32> to vector<1x1024xf32>
    %sub3A = arith.subf %slice3A_11, %slice3A_8 : vector<1x1024xf32>
    %slice3A_12 = vector.extract_strided_slice %slice3A_2 {offsets = [1, 0], sizes = [1, 1024], strides = [1, 1]} : vector<64x1024xf32> to vector<1x1024xf32>
    %sub3A_13 = arith.subf %slice3A_12, %slice3A_9 : vector<1x1024xf32>
    %slice3A_14 = vector.extract_strided_slice %slice3A_3 {offsets = [1, 0], sizes = [1, 1024], strides = [1, 1]} : vector<64x1024xf32> to vector<1x1024xf32>
    %sub3A_15 = arith.subf %slice3A_14, %slice3A_10 : vector<1x1024xf32>
    %mul3A = arith.mulf %sub3A, %sub3A : vector<1x1024xf32>
    %mul3A_16 = arith.mulf %sub3A_13, %sub3A_13 : vector<1x1024xf32>
    %add3A = arith.addf %mul3A, %mul3A_16 : vector<1x1024xf32>
    %mul3A_17 = arith.mulf %sub3A_15, %sub3A_15 : vector<1x1024xf32>
    %add3A_18 = arith.addf %add3A, %mul3A_17 : vector<1x1024xf32>
    %sqrt3A = math.sqrt %add3A_18 : vector<1x1024xf32>
    %max3A = arith.constant 9.99999996E-13 : f32
    %max3A_19 = vector.broadcast %max3A : f32 to vector<1x1024xf32>
    %max3A_20 = arith.maximumf %sqrt3A, %max3A_19 : vector<1x1024xf32>
    %div3A = arith.divf %sub3A, %max3A_20 : vector<1x1024xf32>
    %div3A_21 = arith.divf %sub3A_13, %max3A_20 : vector<1x1024xf32>
    %div3A_22 = arith.divf %sub3A_15, %max3A_20 : vector<1x1024xf32>
    %slice3A_23 = vector.extract_strided_slice %sin3A {offsets = [0, 0], sizes = [1, 1024], strides = [1, 1]} : vector<16x1024xf32> to vector<1x1024xf32>
    %slice3A_24 = vector.extract_strided_slice %cos3A {offsets = [0, 0], sizes = [1, 1024], strides = [1, 1]} : vector<16x1024xf32> to vector<1x1024xf32>
    %sub3A_25 = arith.constant 1.000000e+00 : f32
    %sub3A_26 = vector.broadcast %sub3A_25 : f32 to vector<1x1024xf32>
    %sub3A_27 = arith.subf %sub3A_26, %slice3A_24 : vector<1x1024xf32>
    %mul3A_28 = arith.mulf %div3A, %div3A : vector<1x1024xf32>
    %mul3A_29 = arith.mulf %mul3A_28, %sub3A_27 : vector<1x1024xf32>
    %add3A_30 = arith.addf %slice3A_24, %mul3A_29 : vector<1x1024xf32>
    %convert_element_type3A = arith.truncf %add3A_30 : vector<1x1024xf32> to vector<1x1024xbf16>
    %convert_element_type3A_31 = arith.extf %convert_element_type3A : vector<1x1024xbf16> to vector<1x1024xf32>
    %mul3A_32 = arith.mulf %div3A, %div3A_21 : vector<1x1024xf32>
    %mul3A_33 = arith.mulf %mul3A_32, %sub3A_27 : vector<1x1024xf32>
    %mul3A_34 = arith.mulf %div3A_22, %slice3A_23 : vector<1x1024xf32>
    %sub3A_35 = arith.subf %mul3A_33, %mul3A_34 : vector<1x1024xf32>
    %convert_element_type3A_36 = arith.truncf %sub3A_35 : vector<1x1024xf32> to vector<1x1024xbf16>
    %convert_element_type3A_37 = arith.extf %convert_element_type3A_36 : vector<1x1024xbf16> to vector<1x1024xf32>
    %mul3A_38 = arith.mulf %div3A, %div3A_22 : vector<1x1024xf32>
    %mul3A_39 = arith.mulf %mul3A_38, %sub3A_27 : vector<1x1024xf32>
    %mul3A_40 = arith.mulf %div3A_21, %slice3A_23 : vector<1x1024xf32>
    %add3A_41 = arith.addf %mul3A_39, %mul3A_40 : vector<1x1024xf32>
    %convert_element_type3A_42 = arith.truncf %add3A_41 : vector<1x1024xf32> to vector<1x1024xbf16>
    %convert_element_type3A_43 = arith.extf %convert_element_type3A_42 : vector<1x1024xbf16> to vector<1x1024xf32>
    %mul3A_44 = arith.mulf %div3A, %div3A_21 : vector<1x1024xf32>
    %mul3A_45 = arith.mulf %mul3A_44, %sub3A_27 : vector<1x1024xf32>
    %mul3A_46 = arith.mulf %div3A_22, %slice3A_23 : vector<1x1024xf32>
    %add3A_47 = arith.addf %mul3A_45, %mul3A_46 : vector<1x1024xf32>
    %convert_element_type3A_48 = arith.truncf %add3A_47 : vector<1x1024xf32> to vector<1x1024xbf16>
    %convert_element_type3A_49 = arith.extf %convert_element_type3A_48 : vector<1x1024xbf16> to vector<1x1024xf32>
    %mul3A_50 = arith.mulf %div3A_21, %div3A_21 : vector<1x1024xf32>
    %mul3A_51 = arith.mulf %mul3A_50, %sub3A_27 : vector<1x1024xf32>
    %add3A_52 = arith.addf %slice3A_24, %mul3A_51 : vector<1x1024xf32>
    %convert_element_type3A_53 = arith.truncf %add3A_52 : vector<1x1024xf32> to vector<1x1024xbf16>
    %convert_element_type3A_54 = arith.extf %convert_element_type3A_53 : vector<1x1024xbf16> to vector<1x1024xf32>
    %mul3A_55 = arith.mulf %div3A_21, %div3A_22 : vector<1x1024xf32>
    %mul3A_56 = arith.mulf %mul3A_55, %sub3A_27 : vector<1x1024xf32>
    %mul3A_57 = arith.mulf %div3A, %slice3A_23 : vector<1x1024xf32>
    %sub3A_58 = arith.subf %mul3A_56, %mul3A_57 : vector<1x1024xf32>
    %convert_element_type3A_59 = arith.truncf %sub3A_58 : vector<1x1024xf32> to vector<1x1024xbf16>
    %convert_element_type3A_60 = arith.extf %convert_element_type3A_59 : vector<1x1024xbf16> to vector<1x1024xf32>
    %mul3A_61 = arith.mulf %div3A, %div3A_22 : vector<1x1024xf32>
    %mul3A_62 = arith.mulf %mul3A_61, %sub3A_27 : vector<1x1024xf32>
    %mul3A_63 = arith.mulf %div3A_21, %slice3A_23 : vector<1x1024xf32>
    %sub3A_64 = arith.subf %mul3A_62, %mul3A_63 : vector<1x1024xf32>
    %convert_element_type3A_65 = arith.truncf %sub3A_64 : vector<1x1024xf32> to vector<1x1024xbf16>
    %convert_element_type3A_66 = arith.extf %convert_element_type3A_65 : vector<1x1024xbf16> to vector<1x1024xf32>
    %mul3A_67 = arith.mulf %div3A_21, %div3A_22 : vector<1x1024xf32>
    %mul3A_68 = arith.mulf %mul3A_67, %sub3A_27 : vector<1x1024xf32>
    %mul3A_69 = arith.mulf %div3A, %slice3A_23 : vector<1x1024xf32>
    %add3A_70 = arith.addf %mul3A_68, %mul3A_69 : vector<1x1024xf32>
    %convert_element_type3A_71 = arith.truncf %add3A_70 : vector<1x1024xf32> to vector<1x1024xbf16>
    %convert_element_type3A_72 = arith.extf %convert_element_type3A_71 : vector<1x1024xbf16> to vector<1x1024xf32>
    %mul3A_73 = arith.mulf %div3A_22, %div3A_22 : vector<1x1024xf32>
    %mul3A_74 = arith.mulf %mul3A_73, %sub3A_27 : vector<1x1024xf32>
    %add3A_75 = arith.addf %slice3A_24, %mul3A_74 : vector<1x1024xf32>
    %convert_element_type3A_76 = arith.truncf %add3A_75 : vector<1x1024xf32> to vector<1x1024xbf16>
    %convert_element_type3A_77 = arith.extf %convert_element_type3A_76 : vector<1x1024xbf16> to vector<1x1024xf32>
    %sub3A_78 = vector.broadcast %slice3A_8 : vector<1x1024xf32> to vector<64x1024xf32>
    %sub3A_79 = arith.subf %slice3A, %sub3A_78 : vector<64x1024xf32>
    %convert_element_type3A_80 = arith.truncf %sub3A_79 : vector<64x1024xf32> to vector<64x1024xbf16>
    %convert_element_type3A_81 = arith.extf %convert_element_type3A_80 : vector<64x1024xbf16> to vector<64x1024xf32>
    %sub3A_82 = vector.broadcast %slice3A_9 : vector<1x1024xf32> to vector<64x1024xf32>
    %sub3A_83 = arith.subf %slice3A_2, %sub3A_82 : vector<64x1024xf32>
    %convert_element_type3A_84 = arith.truncf %sub3A_83 : vector<64x1024xf32> to vector<64x1024xbf16>
    %convert_element_type3A_85 = arith.extf %convert_element_type3A_84 : vector<64x1024xbf16> to vector<64x1024xf32>
    %sub3A_86 = vector.broadcast %slice3A_10 : vector<1x1024xf32> to vector<64x1024xf32>
    %sub3A_87 = arith.subf %slice3A_3, %sub3A_86 : vector<64x1024xf32>
    %convert_element_type3A_88 = arith.truncf %sub3A_87 : vector<64x1024xf32> to vector<64x1024xbf16>
    %convert_element_type3A_89 = arith.extf %convert_element_type3A_88 : vector<64x1024xbf16> to vector<64x1024xf32>
    %mul3A_90 = vector.broadcast %convert_element_type3A_31 : vector<1x1024xf32> to vector<64x1024xf32>
    %mul3A_91 = arith.mulf %convert_element_type3A_81, %mul3A_90 : vector<64x1024xf32>
    %mul3A_92 = vector.broadcast %convert_element_type3A_37 : vector<1x1024xf32> to vector<64x1024xf32>
    %mul3A_93 = arith.mulf %convert_element_type3A_85, %mul3A_92 : vector<64x1024xf32>
    %add3A_94 = arith.addf %mul3A_91, %mul3A_93 : vector<64x1024xf32>
    %mul3A_95 = vector.broadcast %convert_element_type3A_43 : vector<1x1024xf32> to vector<64x1024xf32>
    %mul3A_96 = arith.mulf %convert_element_type3A_89, %mul3A_95 : vector<64x1024xf32>
    %add3A_97 = arith.addf %add3A_94, %mul3A_96 : vector<64x1024xf32>
    %add3A_98 = vector.broadcast %slice3A_8 : vector<1x1024xf32> to vector<64x1024xf32>
    %add3A_99 = arith.addf %add3A_97, %add3A_98 : vector<64x1024xf32>
    %mul3A_100 = vector.broadcast %convert_element_type3A_49 : vector<1x1024xf32> to vector<64x1024xf32>
    %mul3A_101 = arith.mulf %convert_element_type3A_81, %mul3A_100 : vector<64x1024xf32>
    %mul3A_102 = vector.broadcast %convert_element_type3A_54 : vector<1x1024xf32> to vector<64x1024xf32>
    %mul3A_103 = arith.mulf %convert_element_type3A_85, %mul3A_102 : vector<64x1024xf32>
    %add3A_104 = arith.addf %mul3A_101, %mul3A_103 : vector<64x1024xf32>
    %mul3A_105 = vector.broadcast %convert_element_type3A_60 : vector<1x1024xf32> to vector<64x1024xf32>
    %mul3A_106 = arith.mulf %convert_element_type3A_89, %mul3A_105 : vector<64x1024xf32>
    %add3A_107 = arith.addf %add3A_104, %mul3A_106 : vector<64x1024xf32>
    %add3A_108 = vector.broadcast %slice3A_9 : vector<1x1024xf32> to vector<64x1024xf32>
    %add3A_109 = arith.addf %add3A_107, %add3A_108 : vector<64x1024xf32>
    %mul3A_110 = vector.broadcast %convert_element_type3A_66 : vector<1x1024xf32> to vector<64x1024xf32>
    %mul3A_111 = arith.mulf %convert_element_type3A_81, %mul3A_110 : vector<64x1024xf32>
    %mul3A_112 = vector.broadcast %convert_element_type3A_72 : vector<1x1024xf32> to vector<64x1024xf32>
    %mul3A_113 = arith.mulf %convert_element_type3A_85, %mul3A_112 : vector<64x1024xf32>
    %add3A_114 = arith.addf %mul3A_111, %mul3A_113 : vector<64x1024xf32>
    %mul3A_115 = vector.broadcast %convert_element_type3A_77 : vector<1x1024xf32> to vector<64x1024xf32>
    %mul3A_116 = arith.mulf %convert_element_type3A_89, %mul3A_115 : vector<64x1024xf32>
    %add3A_117 = arith.addf %add3A_114, %mul3A_116 : vector<64x1024xf32>
    %add3A_118 = vector.broadcast %slice3A_10 : vector<1x1024xf32> to vector<64x1024xf32>
    %add3A_119 = arith.addf %add3A_117, %add3A_118 : vector<64x1024xf32>
    %ge3A = arith.constant 2 : i32
    %ge3A_120 = vector.broadcast %ge3A : i32 to vector<64x1024xi32>
    %ge3A_121 = arith.cmpi sge, %iota3A, %ge3A_120 : vector<64x1024xi32>
    %select_n3A = arith.select %ge3A_121, %add3A_99, %slice3A : vector<64x1024xi1>, vector<64x1024xf32>
    %select_n3A_122 = arith.select %ge3A_121, %add3A_109, %slice3A_2 : vector<64x1024xi1>, vector<64x1024xf32>
    %select_n3A_123 = arith.select %ge3A_121, %add3A_119, %slice3A_3 : vector<64x1024xi1>, vector<64x1024xf32>
    %slice3A_124 = vector.extract_strided_slice %select_n3A {offsets = [1, 0], sizes = [1, 1024], strides = [1, 1]} : vector<64x1024xf32> to vector<1x1024xf32>
    %slice3A_125 = vector.extract_strided_slice %select_n3A_122 {offsets = [1, 0], sizes = [1, 1024], strides = [1, 1]} : vector<64x1024xf32> to vector<1x1024xf32>
    %slice3A_126 = vector.extract_strided_slice %select_n3A_123 {offsets = [1, 0], sizes = [1, 1024], strides = [1, 1]} : vector<64x1024xf32> to vector<1x1024xf32>
    %slice3A_127 = vector.extract_strided_slice %select_n3A {offsets = [2, 0], sizes = [1, 1024], strides = [1, 1]} : vector<64x1024xf32> to vector<1x1024xf32>
    %sub3A_128 = arith.subf %slice3A_127, %slice3A_124 : vector<1x1024xf32>
    %slice3A_129 = vector.extract_strided_slice %select_n3A_122 {offsets = [2, 0], sizes = [1, 1024], strides = [1, 1]} : vector<64x1024xf32> to vector<1x1024xf32>
    %sub3A_130 = arith.subf %slice3A_129, %slice3A_125 : vector<1x1024xf32>
    %slice3A_131 = vector.extract_strided_slice %select_n3A_123 {offsets = [2, 0], sizes = [1, 1024], strides = [1, 1]} : vector<64x1024xf32> to vector<1x1024xf32>
    %sub3A_132 = arith.subf %slice3A_131, %slice3A_126 : vector<1x1024xf32>
    %mul3A_133 = arith.mulf %sub3A_128, %sub3A_128 : vector<1x1024xf32>
    %mul3A_134 = arith.mulf %sub3A_130, %sub3A_130 : vector<1x1024xf32>
    %add3A_135 = arith.addf %mul3A_133, %mul3A_134 : vector<1x1024xf32>
    %mul3A_136 = arith.mulf %sub3A_132, %sub3A_132 : vector<1x1024xf32>
    %add3A_137 = arith.addf %add3A_135, %mul3A_136 : vector<1x1024xf32>
    %sqrt3A_138 = math.sqrt %add3A_137 : vector<1x1024xf32>
    %max3A_139 = arith.constant 9.99999996E-13 : f32
    %max3A_140 = vector.broadcast %max3A_139 : f32 to vector<1x1024xf32>
    %max3A_141 = arith.maximumf %sqrt3A_138, %max3A_140 : vector<1x1024xf32>
    %div3A_142 = arith.divf %sub3A_128, %max3A_141 : vector<1x1024xf32>
    %div3A_143 = arith.divf %sub3A_130, %max3A_141 : vector<1x1024xf32>
    %div3A_144 = arith.divf %sub3A_132, %max3A_141 : vector<1x1024xf32>
    %slice3A_145 = vector.extract_strided_slice %sin3A {offsets = [1, 0], sizes = [1, 1024], strides = [1, 1]} : vector<16x1024xf32> to vector<1x1024xf32>
    %slice3A_146 = vector.extract_strided_slice %cos3A {offsets = [1, 0], sizes = [1, 1024], strides = [1, 1]} : vector<16x1024xf32> to vector<1x1024xf32>
    %sub3A_147 = arith.constant 1.000000e+00 : f32
    %sub3A_148 = vector.broadcast %sub3A_147 : f32 to vector<1x1024xf32>
    %sub3A_149 = arith.subf %sub3A_148, %slice3A_146 : vector<1x1024xf32>
    %mul3A_150 = arith.mulf %div3A_142, %div3A_142 : vector<1x1024xf32>
    %mul3A_151 = arith.mulf %mul3A_150, %sub3A_149 : vector<1x1024xf32>
    %add3A_152 = arith.addf %slice3A_146, %mul3A_151 : vector<1x1024xf32>
    %convert_element_type3A_153 = arith.truncf %add3A_152 : vector<1x1024xf32> to vector<1x1024xbf16>
    %convert_element_type3A_154 = arith.extf %convert_element_type3A_153 : vector<1x1024xbf16> to vector<1x1024xf32>
    %mul3A_155 = arith.mulf %div3A_142, %div3A_143 : vector<1x1024xf32>
    %mul3A_156 = arith.mulf %mul3A_155, %sub3A_149 : vector<1x1024xf32>
    %mul3A_157 = arith.mulf %div3A_144, %slice3A_145 : vector<1x1024xf32>
    %sub3A_158 = arith.subf %mul3A_156, %mul3A_157 : vector<1x1024xf32>
    %convert_element_type3A_159 = arith.truncf %sub3A_158 : vector<1x1024xf32> to vector<1x1024xbf16>
    %convert_element_type3A_160 = arith.extf %convert_element_type3A_159 : vector<1x1024xbf16> to vector<1x1024xf32>
    %mul3A_161 = arith.mulf %div3A_142, %div3A_144 : vector<1x1024xf32>
    %mul3A_162 = arith.mulf %mul3A_161, %sub3A_149 : vector<1x1024xf32>
    %mul3A_163 = arith.mulf %div3A_143, %slice3A_145 : vector<1x1024xf32>
    %add3A_164 = arith.addf %mul3A_162, %mul3A_163 : vector<1x1024xf32>
    %convert_element_type3A_165 = arith.truncf %add3A_164 : vector<1x1024xf32> to vector<1x1024xbf16>
    %convert_element_type3A_166 = arith.extf %convert_element_type3A_165 : vector<1x1024xbf16> to vector<1x1024xf32>
    %mul3A_167 = arith.mulf %div3A_142, %div3A_143 : vector<1x1024xf32>
    %mul3A_168 = arith.mulf %mul3A_167, %sub3A_149 : vector<1x1024xf32>
    %mul3A_169 = arith.mulf %div3A_144, %slice3A_145 : vector<1x1024xf32>
    %add3A_170 = arith.addf %mul3A_168, %mul3A_169 : vector<1x1024xf32>
    %convert_element_type3A_171 = arith.truncf %add3A_170 : vector<1x1024xf32> to vector<1x1024xbf16>
    %convert_element_type3A_172 = arith.extf %convert_element_type3A_171 : vector<1x1024xbf16> to vector<1x1024xf32>
    %mul3A_173 = arith.mulf %div3A_143, %div3A_143 : vector<1x1024xf32>
    %mul3A_174 = arith.mulf %mul3A_173, %sub3A_149 : vector<1x1024xf32>
    %add3A_175 = arith.addf %slice3A_146, %mul3A_174 : vector<1x1024xf32>
    %convert_element_type3A_176 = arith.truncf %add3A_175 : vector<1x1024xf32> to vector<1x1024xbf16>
    %convert_element_type3A_177 = arith.extf %convert_element_type3A_176 : vector<1x1024xbf16> to vector<1x1024xf32>
    %mul3A_178 = arith.mulf %div3A_143, %div3A_144 : vector<1x1024xf32>
    %mul3A_179 = arith.mulf %mul3A_178, %sub3A_149 : vector<1x1024xf32>
    %mul3A_180 = arith.mulf %div3A_142, %slice3A_145 : vector<1x1024xf32>
    %sub3A_181 = arith.subf %mul3A_179, %mul3A_180 : vector<1x1024xf32>
    %convert_element_type3A_182 = arith.truncf %sub3A_181 : vector<1x1024xf32> to vector<1x1024xbf16>
    %convert_element_type3A_183 = arith.extf %convert_element_type3A_182 : vector<1x1024xbf16> to vector<1x1024xf32>
    %mul3A_184 = arith.mulf %div3A_142, %div3A_144 : vector<1x1024xf32>
    %mul3A_185 = arith.mulf %mul3A_184, %sub3A_149 : vector<1x1024xf32>
    %mul3A_186 = arith.mulf %div3A_143, %slice3A_145 : vector<1x1024xf32>
    %sub3A_187 = arith.subf %mul3A_185, %mul3A_186 : vector<1x1024xf32>
    %convert_element_type3A_188 = arith.truncf %sub3A_187 : vector<1x1024xf32> to vector<1x1024xbf16>
    %convert_element_type3A_189 = arith.extf %convert_element_type3A_188 : vector<1x1024xbf16> to vector<1x1024xf32>
    %mul3A_190 = arith.mulf %div3A_143, %div3A_144 : vector<1x1024xf32>
    %mul3A_191 = arith.mulf %mul3A_190, %sub3A_149 : vector<1x1024xf32>
    %mul3A_192 = arith.mulf %div3A_142, %slice3A_145 : vector<1x1024xf32>
    %add3A_193 = arith.addf %mul3A_191, %mul3A_192 : vector<1x1024xf32>
    %convert_element_type3A_194 = arith.truncf %add3A_193 : vector<1x1024xf32> to vector<1x1024xbf16>
    %convert_element_type3A_195 = arith.extf %convert_element_type3A_194 : vector<1x1024xbf16> to vector<1x1024xf32>
    %mul3A_196 = arith.mulf %div3A_144, %div3A_144 : vector<1x1024xf32>
    %mul3A_197 = arith.mulf %mul3A_196, %sub3A_149 : vector<1x1024xf32>
    %add3A_198 = arith.addf %slice3A_146, %mul3A_197 : vector<1x1024xf32>
    %convert_element_type3A_199 = arith.truncf %add3A_198 : vector<1x1024xf32> to vector<1x1024xbf16>
    %convert_element_type3A_200 = arith.extf %convert_element_type3A_199 : vector<1x1024xbf16> to vector<1x1024xf32>
    %sub3A_201 = vector.broadcast %slice3A_124 : vector<1x1024xf32> to vector<64x1024xf32>
    %sub3A_202 = arith.subf %select_n3A, %sub3A_201 : vector<64x1024xf32>
    %convert_element_type3A_203 = arith.truncf %sub3A_202 : vector<64x1024xf32> to vector<64x1024xbf16>
    %convert_element_type3A_204 = arith.extf %convert_element_type3A_203 : vector<64x1024xbf16> to vector<64x1024xf32>
    %sub3A_205 = vector.broadcast %slice3A_125 : vector<1x1024xf32> to vector<64x1024xf32>
    %sub3A_206 = arith.subf %select_n3A_122, %sub3A_205 : vector<64x1024xf32>
    %convert_element_type3A_207 = arith.truncf %sub3A_206 : vector<64x1024xf32> to vector<64x1024xbf16>
    %convert_element_type3A_208 = arith.extf %convert_element_type3A_207 : vector<64x1024xbf16> to vector<64x1024xf32>
    %sub3A_209 = vector.broadcast %slice3A_126 : vector<1x1024xf32> to vector<64x1024xf32>
    %sub3A_210 = arith.subf %select_n3A_123, %sub3A_209 : vector<64x1024xf32>
    %convert_element_type3A_211 = arith.truncf %sub3A_210 : vector<64x1024xf32> to vector<64x1024xbf16>
    %convert_element_type3A_212 = arith.extf %convert_element_type3A_211 : vector<64x1024xbf16> to vector<64x1024xf32>
    %mul3A_213 = vector.broadcast %convert_element_type3A_154 : vector<1x1024xf32> to vector<64x1024xf32>
    %mul3A_214 = arith.mulf %convert_element_type3A_204, %mul3A_213 : vector<64x1024xf32>
    %mul3A_215 = vector.broadcast %convert_element_type3A_160 : vector<1x1024xf32> to vector<64x1024xf32>
    %mul3A_216 = arith.mulf %convert_element_type3A_208, %mul3A_215 : vector<64x1024xf32>
    %add3A_217 = arith.addf %mul3A_214, %mul3A_216 : vector<64x1024xf32>
    %mul3A_218 = vector.broadcast %convert_element_type3A_166 : vector<1x1024xf32> to vector<64x1024xf32>
    %mul3A_219 = arith.mulf %convert_element_type3A_212, %mul3A_218 : vector<64x1024xf32>
    %add3A_220 = arith.addf %add3A_217, %mul3A_219 : vector<64x1024xf32>
    %add3A_221 = vector.broadcast %slice3A_124 : vector<1x1024xf32> to vector<64x1024xf32>
    %add3A_222 = arith.addf %add3A_220, %add3A_221 : vector<64x1024xf32>
    %mul3A_223 = vector.broadcast %convert_element_type3A_172 : vector<1x1024xf32> to vector<64x1024xf32>
    %mul3A_224 = arith.mulf %convert_element_type3A_204, %mul3A_223 : vector<64x1024xf32>
    %mul3A_225 = vector.broadcast %convert_element_type3A_177 : vector<1x1024xf32> to vector<64x1024xf32>
    %mul3A_226 = arith.mulf %convert_element_type3A_208, %mul3A_225 : vector<64x1024xf32>
    %add3A_227 = arith.addf %mul3A_224, %mul3A_226 : vector<64x1024xf32>
    %mul3A_228 = vector.broadcast %convert_element_type3A_183 : vector<1x1024xf32> to vector<64x1024xf32>
    %mul3A_229 = arith.mulf %convert_element_type3A_212, %mul3A_228 : vector<64x1024xf32>
    %add3A_230 = arith.addf %add3A_227, %mul3A_229 : vector<64x1024xf32>
    %add3A_231 = vector.broadcast %slice3A_125 : vector<1x1024xf32> to vector<64x1024xf32>
    %add3A_232 = arith.addf %add3A_230, %add3A_231 : vector<64x1024xf32>
    %mul3A_233 = vector.broadcast %convert_element_type3A_189 : vector<1x1024xf32> to vector<64x1024xf32>
    %mul3A_234 = arith.mulf %convert_element_type3A_204, %mul3A_233 : vector<64x1024xf32>
    %mul3A_235 = vector.broadcast %convert_element_type3A_195 : vector<1x1024xf32> to vector<64x1024xf32>
    %mul3A_236 = arith.mulf %convert_element_type3A_208, %mul3A_235 : vector<64x1024xf32>
    %add3A_237 = arith.addf %mul3A_234, %mul3A_236 : vector<64x1024xf32>
    %mul3A_238 = vector.broadcast %convert_element_type3A_200 : vector<1x1024xf32> to vector<64x1024xf32>
    %mul3A_239 = arith.mulf %convert_element_type3A_212, %mul3A_238 : vector<64x1024xf32>
    %add3A_240 = arith.addf %add3A_237, %mul3A_239 : vector<64x1024xf32>
    %add3A_241 = vector.broadcast %slice3A_126 : vector<1x1024xf32> to vector<64x1024xf32>
    %add3A_242 = arith.addf %add3A_240, %add3A_241 : vector<64x1024xf32>
    %ge3A_243 = arith.constant 3 : i32
    %ge3A_244 = vector.broadcast %ge3A_243 : i32 to vector<64x1024xi32>
    %ge3A_245 = arith.cmpi sge, %iota3A, %ge3A_244 : vector<64x1024xi32>
    %select_n3A_246 = arith.select %ge3A_245, %add3A_222, %select_n3A : vector<64x1024xi1>, vector<64x1024xf32>
    %select_n3A_247 = arith.select %ge3A_245, %add3A_232, %select_n3A_122 : vector<64x1024xi1>, vector<64x1024xf32>
    %select_n3A_248 = arith.select %ge3A_245, %add3A_242, %select_n3A_123 : vector<64x1024xi1>, vector<64x1024xf32>
    %slice3A_249 = vector.extract_strided_slice %select_n3A_246 {offsets = [2, 0], sizes = [1, 1024], strides = [1, 1]} : vector<64x1024xf32> to vector<1x1024xf32>
    %slice3A_250 = vector.extract_strided_slice %select_n3A_247 {offsets = [2, 0], sizes = [1, 1024], strides = [1, 1]} : vector<64x1024xf32> to vector<1x1024xf32>
    %slice3A_251 = vector.extract_strided_slice %select_n3A_248 {offsets = [2, 0], sizes = [1, 1024], strides = [1, 1]} : vector<64x1024xf32> to vector<1x1024xf32>
    %slice3A_252 = vector.extract_strided_slice %select_n3A_246 {offsets = [3, 0], sizes = [1, 1024], strides = [1, 1]} : vector<64x1024xf32> to vector<1x1024xf32>
    %sub3A_253 = arith.subf %slice3A_252, %slice3A_249 : vector<1x1024xf32>
    %slice3A_254 = vector.extract_strided_slice %select_n3A_247 {offsets = [3, 0], sizes = [1, 1024], strides = [1, 1]} : vector<64x1024xf32> to vector<1x1024xf32>
    %sub3A_255 = arith.subf %slice3A_254, %slice3A_250 : vector<1x1024xf32>
    %slice3A_256 = vector.extract_strided_slice %select_n3A_248 {offsets = [3, 0], sizes = [1, 1024], strides = [1, 1]} : vector<64x1024xf32> to vector<1x1024xf32>
    %sub3A_257 = arith.subf %slice3A_256, %slice3A_251 : vector<1x1024xf32>
    %mul3A_258 = arith.mulf %sub3A_253, %sub3A_253 : vector<1x1024xf32>
    %mul3A_259 = arith.mulf %sub3A_255, %sub3A_255 : vector<1x1024xf32>
    %add3A_260 = arith.addf %mul3A_258, %mul3A_259 : vector<1x1024xf32>
    %mul3A_261 = arith.mulf %sub3A_257, %sub3A_257 : vector<1x1024xf32>
    %add3A_262 = arith.addf %add3A_260, %mul3A_261 : vector<1x1024xf32>
    %sqrt3A_263 = math.sqrt %add3A_262 : vector<1x1024xf32>
    %max3A_264 = arith.constant 9.99999996E-13 : f32
    %max3A_265 = vector.broadcast %max3A_264 : f32 to vector<1x1024xf32>
    %max3A_266 = arith.maximumf %sqrt3A_263, %max3A_265 : vector<1x1024xf32>
    %div3A_267 = arith.divf %sub3A_253, %max3A_266 : vector<1x1024xf32>
    %div3A_268 = arith.divf %sub3A_255, %max3A_266 : vector<1x1024xf32>
    %div3A_269 = arith.divf %sub3A_257, %max3A_266 : vector<1x1024xf32>
    %slice3A_270 = vector.extract_strided_slice %sin3A {offsets = [2, 0], sizes = [1, 1024], strides = [1, 1]} : vector<16x1024xf32> to vector<1x1024xf32>
    %slice3A_271 = vector.extract_strided_slice %cos3A {offsets = [2, 0], sizes = [1, 1024], strides = [1, 1]} : vector<16x1024xf32> to vector<1x1024xf32>
    %sub3A_272 = arith.constant 1.000000e+00 : f32
    %sub3A_273 = vector.broadcast %sub3A_272 : f32 to vector<1x1024xf32>
    %sub3A_274 = arith.subf %sub3A_273, %slice3A_271 : vector<1x1024xf32>
    %mul3A_275 = arith.mulf %div3A_267, %div3A_267 : vector<1x1024xf32>
    %mul3A_276 = arith.mulf %mul3A_275, %sub3A_274 : vector<1x1024xf32>
    %add3A_277 = arith.addf %slice3A_271, %mul3A_276 : vector<1x1024xf32>
    %convert_element_type3A_278 = arith.truncf %add3A_277 : vector<1x1024xf32> to vector<1x1024xbf16>
    %convert_element_type3A_279 = arith.extf %convert_element_type3A_278 : vector<1x1024xbf16> to vector<1x1024xf32>
    %mul3A_280 = arith.mulf %div3A_267, %div3A_268 : vector<1x1024xf32>
    %mul3A_281 = arith.mulf %mul3A_280, %sub3A_274 : vector<1x1024xf32>
    %mul3A_282 = arith.mulf %div3A_269, %slice3A_270 : vector<1x1024xf32>
    %sub3A_283 = arith.subf %mul3A_281, %mul3A_282 : vector<1x1024xf32>
    %convert_element_type3A_284 = arith.truncf %sub3A_283 : vector<1x1024xf32> to vector<1x1024xbf16>
    %convert_element_type3A_285 = arith.extf %convert_element_type3A_284 : vector<1x1024xbf16> to vector<1x1024xf32>
    %mul3A_286 = arith.mulf %div3A_267, %div3A_269 : vector<1x1024xf32>
    %mul3A_287 = arith.mulf %mul3A_286, %sub3A_274 : vector<1x1024xf32>
    %mul3A_288 = arith.mulf %div3A_268, %slice3A_270 : vector<1x1024xf32>
    %add3A_289 = arith.addf %mul3A_287, %mul3A_288 : vector<1x1024xf32>
    %convert_element_type3A_290 = arith.truncf %add3A_289 : vector<1x1024xf32> to vector<1x1024xbf16>
    %convert_element_type3A_291 = arith.extf %convert_element_type3A_290 : vector<1x1024xbf16> to vector<1x1024xf32>
    %mul3A_292 = arith.mulf %div3A_267, %div3A_268 : vector<1x1024xf32>
    %mul3A_293 = arith.mulf %mul3A_292, %sub3A_274 : vector<1x1024xf32>
    %mul3A_294 = arith.mulf %div3A_269, %slice3A_270 : vector<1x1024xf32>
    %add3A_295 = arith.addf %mul3A_293, %mul3A_294 : vector<1x1024xf32>
    %convert_element_type3A_296 = arith.truncf %add3A_295 : vector<1x1024xf32> to vector<1x1024xbf16>
    %convert_element_type3A_297 = arith.extf %convert_element_type3A_296 : vector<1x1024xbf16> to vector<1x1024xf32>
    %mul3A_298 = arith.mulf %div3A_268, %div3A_268 : vector<1x1024xf32>
    %mul3A_299 = arith.mulf %mul3A_298, %sub3A_274 : vector<1x1024xf32>
    %add3A_300 = arith.addf %slice3A_271, %mul3A_299 : vector<1x1024xf32>
    %convert_element_type3A_301 = arith.truncf %add3A_300 : vector<1x1024xf32> to vector<1x1024xbf16>
    %convert_element_type3A_302 = arith.extf %convert_element_type3A_301 : vector<1x1024xbf16> to vector<1x1024xf32>
    %mul3A_303 = arith.mulf %div3A_268, %div3A_269 : vector<1x1024xf32>
    %mul3A_304 = arith.mulf %mul3A_303, %sub3A_274 : vector<1x1024xf32>
    %mul3A_305 = arith.mulf %div3A_267, %slice3A_270 : vector<1x1024xf32>
    %sub3A_306 = arith.subf %mul3A_304, %mul3A_305 : vector<1x1024xf32>
    %convert_element_type3A_307 = arith.truncf %sub3A_306 : vector<1x1024xf32> to vector<1x1024xbf16>
    %convert_element_type3A_308 = arith.extf %convert_element_type3A_307 : vector<1x1024xbf16> to vector<1x1024xf32>
    %mul3A_309 = arith.mulf %div3A_267, %div3A_269 : vector<1x1024xf32>
    %mul3A_310 = arith.mulf %mul3A_309, %sub3A_274 : vector<1x1024xf32>
    %mul3A_311 = arith.mulf %div3A_268, %slice3A_270 : vector<1x1024xf32>
    %sub3A_312 = arith.subf %mul3A_310, %mul3A_311 : vector<1x1024xf32>
    %convert_element_type3A_313 = arith.truncf %sub3A_312 : vector<1x1024xf32> to vector<1x1024xbf16>
    %convert_element_type3A_314 = arith.extf %convert_element_type3A_313 : vector<1x1024xbf16> to vector<1x1024xf32>
    %mul3A_315 = arith.mulf %div3A_268, %div3A_269 : vector<1x1024xf32>
    %mul3A_316 = arith.mulf %mul3A_315, %sub3A_274 : vector<1x1024xf32>
    %mul3A_317 = arith.mulf %div3A_267, %slice3A_270 : vector<1x1024xf32>
    %add3A_318 = arith.addf %mul3A_316, %mul3A_317 : vector<1x1024xf32>
    %convert_element_type3A_319 = arith.truncf %add3A_318 : vector<1x1024xf32> to vector<1x1024xbf16>
    %convert_element_type3A_320 = arith.extf %convert_element_type3A_319 : vector<1x1024xbf16> to vector<1x1024xf32>
    %mul3A_321 = arith.mulf %div3A_269, %div3A_269 : vector<1x1024xf32>
    %mul3A_322 = arith.mulf %mul3A_321, %sub3A_274 : vector<1x1024xf32>
    %add3A_323 = arith.addf %slice3A_271, %mul3A_322 : vector<1x1024xf32>
    %convert_element_type3A_324 = arith.truncf %add3A_323 : vector<1x1024xf32> to vector<1x1024xbf16>
    %convert_element_type3A_325 = arith.extf %convert_element_type3A_324 : vector<1x1024xbf16> to vector<1x1024xf32>
    %sub3A_326 = vector.broadcast %slice3A_249 : vector<1x1024xf32> to vector<64x1024xf32>
    %sub3A_327 = arith.subf %select_n3A_246, %sub3A_326 : vector<64x1024xf32>
    %convert_element_type3A_328 = arith.truncf %sub3A_327 : vector<64x1024xf32> to vector<64x1024xbf16>
    %convert_element_type3A_329 = arith.extf %convert_element_type3A_328 : vector<64x1024xbf16> to vector<64x1024xf32>
    %sub3A_330 = vector.broadcast %slice3A_250 : vector<1x1024xf32> to vector<64x1024xf32>
    %sub3A_331 = arith.subf %select_n3A_247, %sub3A_330 : vector<64x1024xf32>
    %convert_element_type3A_332 = arith.truncf %sub3A_331 : vector<64x1024xf32> to vector<64x1024xbf16>
    %convert_element_type3A_333 = arith.extf %convert_element_type3A_332 : vector<64x1024xbf16> to vector<64x1024xf32>
    %sub3A_334 = vector.broadcast %slice3A_251 : vector<1x1024xf32> to vector<64x1024xf32>
    %sub3A_335 = arith.subf %select_n3A_248, %sub3A_334 : vector<64x1024xf32>
    %convert_element_type3A_336 = arith.truncf %sub3A_335 : vector<64x1024xf32> to vector<64x1024xbf16>
    %convert_element_type3A_337 = arith.extf %convert_element_type3A_336 : vector<64x1024xbf16> to vector<64x1024xf32>
    %mul3A_338 = vector.broadcast %convert_element_type3A_279 : vector<1x1024xf32> to vector<64x1024xf32>
    %mul3A_339 = arith.mulf %convert_element_type3A_329, %mul3A_338 : vector<64x1024xf32>
    %mul3A_340 = vector.broadcast %convert_element_type3A_285 : vector<1x1024xf32> to vector<64x1024xf32>
    %mul3A_341 = arith.mulf %convert_element_type3A_333, %mul3A_340 : vector<64x1024xf32>
    %add3A_342 = arith.addf %mul3A_339, %mul3A_341 : vector<64x1024xf32>
    %mul3A_343 = vector.broadcast %convert_element_type3A_291 : vector<1x1024xf32> to vector<64x1024xf32>
    %mul3A_344 = arith.mulf %convert_element_type3A_337, %mul3A_343 : vector<64x1024xf32>
    %add3A_345 = arith.addf %add3A_342, %mul3A_344 : vector<64x1024xf32>
    %add3A_346 = vector.broadcast %slice3A_249 : vector<1x1024xf32> to vector<64x1024xf32>
    %add3A_347 = arith.addf %add3A_345, %add3A_346 : vector<64x1024xf32>
    %mul3A_348 = vector.broadcast %convert_element_type3A_297 : vector<1x1024xf32> to vector<64x1024xf32>
    %mul3A_349 = arith.mulf %convert_element_type3A_329, %mul3A_348 : vector<64x1024xf32>
    %mul3A_350 = vector.broadcast %convert_element_type3A_302 : vector<1x1024xf32> to vector<64x1024xf32>
    %mul3A_351 = arith.mulf %convert_element_type3A_333, %mul3A_350 : vector<64x1024xf32>
    %add3A_352 = arith.addf %mul3A_349, %mul3A_351 : vector<64x1024xf32>
    %mul3A_353 = vector.broadcast %convert_element_type3A_308 : vector<1x1024xf32> to vector<64x1024xf32>
    %mul3A_354 = arith.mulf %convert_element_type3A_337, %mul3A_353 : vector<64x1024xf32>
    %add3A_355 = arith.addf %add3A_352, %mul3A_354 : vector<64x1024xf32>
    %add3A_356 = vector.broadcast %slice3A_250 : vector<1x1024xf32> to vector<64x1024xf32>
    %add3A_357 = arith.addf %add3A_355, %add3A_356 : vector<64x1024xf32>
    %mul3A_358 = vector.broadcast %convert_element_type3A_314 : vector<1x1024xf32> to vector<64x1024xf32>
    %mul3A_359 = arith.mulf %convert_element_type3A_329, %mul3A_358 : vector<64x1024xf32>
    %mul3A_360 = vector.broadcast %convert_element_type3A_320 : vector<1x1024xf32> to vector<64x1024xf32>
    %mul3A_361 = arith.mulf %convert_element_type3A_333, %mul3A_360 : vector<64x1024xf32>
    %add3A_362 = arith.addf %mul3A_359, %mul3A_361 : vector<64x1024xf32>
    %mul3A_363 = vector.broadcast %convert_element_type3A_325 : vector<1x1024xf32> to vector<64x1024xf32>
    %mul3A_364 = arith.mulf %convert_element_type3A_337, %mul3A_363 : vector<64x1024xf32>
    %add3A_365 = arith.addf %add3A_362, %mul3A_364 : vector<64x1024xf32>
    %add3A_366 = vector.broadcast %slice3A_251 : vector<1x1024xf32> to vector<64x1024xf32>
    %add3A_367 = arith.addf %add3A_365, %add3A_366 : vector<64x1024xf32>
    %ge3A_368 = arith.constant 4 : i32
    %ge3A_369 = vector.broadcast %ge3A_368 : i32 to vector<64x1024xi32>
    %ge3A_370 = arith.cmpi sge, %iota3A, %ge3A_369 : vector<64x1024xi32>
    %select_n3A_371 = arith.select %ge3A_370, %add3A_347, %select_n3A_246 : vector<64x1024xi1>, vector<64x1024xf32>
    %select_n3A_372 = arith.select %ge3A_370, %add3A_357, %select_n3A_247 : vector<64x1024xi1>, vector<64x1024xf32>
    %select_n3A_373 = arith.select %ge3A_370, %add3A_367, %select_n3A_248 : vector<64x1024xi1>, vector<64x1024xf32>
    %slice3A_374 = vector.extract_strided_slice %select_n3A_371 {offsets = [3, 0], sizes = [1, 1024], strides = [1, 1]} : vector<64x1024xf32> to vector<1x1024xf32>
    %slice3A_375 = vector.extract_strided_slice %select_n3A_372 {offsets = [3, 0], sizes = [1, 1024], strides = [1, 1]} : vector<64x1024xf32> to vector<1x1024xf32>
    %slice3A_376 = vector.extract_strided_slice %select_n3A_373 {offsets = [3, 0], sizes = [1, 1024], strides = [1, 1]} : vector<64x1024xf32> to vector<1x1024xf32>
    %slice3A_377 = vector.extract_strided_slice %select_n3A_371 {offsets = [4, 0], sizes = [1, 1024], strides = [1, 1]} : vector<64x1024xf32> to vector<1x1024xf32>
    %sub3A_378 = arith.subf %slice3A_377, %slice3A_374 : vector<1x1024xf32>
    %slice3A_379 = vector.extract_strided_slice %select_n3A_372 {offsets = [4, 0], sizes = [1, 1024], strides = [1, 1]} : vector<64x1024xf32> to vector<1x1024xf32>
    %sub3A_380 = arith.subf %slice3A_379, %slice3A_375 : vector<1x1024xf32>
    %slice3A_381 = vector.extract_strided_slice %select_n3A_373 {offsets = [4, 0], sizes = [1, 1024], strides = [1, 1]} : vector<64x1024xf32> to vector<1x1024xf32>
    %sub3A_382 = arith.subf %slice3A_381, %slice3A_376 : vector<1x1024xf32>
    %mul3A_383 = arith.mulf %sub3A_378, %sub3A_378 : vector<1x1024xf32>
    %mul3A_384 = arith.mulf %sub3A_380, %sub3A_380 : vector<1x1024xf32>
    %add3A_385 = arith.addf %mul3A_383, %mul3A_384 : vector<1x1024xf32>
    %mul3A_386 = arith.mulf %sub3A_382, %sub3A_382 : vector<1x1024xf32>
    %add3A_387 = arith.addf %add3A_385, %mul3A_386 : vector<1x1024xf32>
    %sqrt3A_388 = math.sqrt %add3A_387 : vector<1x1024xf32>
    %max3A_389 = arith.constant 9.99999996E-13 : f32
    %max3A_390 = vector.broadcast %max3A_389 : f32 to vector<1x1024xf32>
    %max3A_391 = arith.maximumf %sqrt3A_388, %max3A_390 : vector<1x1024xf32>
    %div3A_392 = arith.divf %sub3A_378, %max3A_391 : vector<1x1024xf32>
    %div3A_393 = arith.divf %sub3A_380, %max3A_391 : vector<1x1024xf32>
    %div3A_394 = arith.divf %sub3A_382, %max3A_391 : vector<1x1024xf32>
    %slice3A_395 = vector.extract_strided_slice %sin3A {offsets = [3, 0], sizes = [1, 1024], strides = [1, 1]} : vector<16x1024xf32> to vector<1x1024xf32>
    %slice3A_396 = vector.extract_strided_slice %cos3A {offsets = [3, 0], sizes = [1, 1024], strides = [1, 1]} : vector<16x1024xf32> to vector<1x1024xf32>
    %sub3A_397 = arith.constant 1.000000e+00 : f32
    %sub3A_398 = vector.broadcast %sub3A_397 : f32 to vector<1x1024xf32>
    %sub3A_399 = arith.subf %sub3A_398, %slice3A_396 : vector<1x1024xf32>
    %mul3A_400 = arith.mulf %div3A_392, %div3A_392 : vector<1x1024xf32>
    %mul3A_401 = arith.mulf %mul3A_400, %sub3A_399 : vector<1x1024xf32>
    %add3A_402 = arith.addf %slice3A_396, %mul3A_401 : vector<1x1024xf32>
    %convert_element_type3A_403 = arith.truncf %add3A_402 : vector<1x1024xf32> to vector<1x1024xbf16>
    %convert_element_type3A_404 = arith.extf %convert_element_type3A_403 : vector<1x1024xbf16> to vector<1x1024xf32>
    %mul3A_405 = arith.mulf %div3A_392, %div3A_393 : vector<1x1024xf32>
    %mul3A_406 = arith.mulf %mul3A_405, %sub3A_399 : vector<1x1024xf32>
    %mul3A_407 = arith.mulf %div3A_394, %slice3A_395 : vector<1x1024xf32>
    %sub3A_408 = arith.subf %mul3A_406, %mul3A_407 : vector<1x1024xf32>
    %convert_element_type3A_409 = arith.truncf %sub3A_408 : vector<1x1024xf32> to vector<1x1024xbf16>
    %convert_element_type3A_410 = arith.extf %convert_element_type3A_409 : vector<1x1024xbf16> to vector<1x1024xf32>
    %mul3A_411 = arith.mulf %div3A_392, %div3A_394 : vector<1x1024xf32>
    %mul3A_412 = arith.mulf %mul3A_411, %sub3A_399 : vector<1x1024xf32>
    %mul3A_413 = arith.mulf %div3A_393, %slice3A_395 : vector<1x1024xf32>
    %add3A_414 = arith.addf %mul3A_412, %mul3A_413 : vector<1x1024xf32>
    %convert_element_type3A_415 = arith.truncf %add3A_414 : vector<1x1024xf32> to vector<1x1024xbf16>
    %convert_element_type3A_416 = arith.extf %convert_element_type3A_415 : vector<1x1024xbf16> to vector<1x1024xf32>
    %mul3A_417 = arith.mulf %div3A_392, %div3A_393 : vector<1x1024xf32>
    %mul3A_418 = arith.mulf %mul3A_417, %sub3A_399 : vector<1x1024xf32>
    %mul3A_419 = arith.mulf %div3A_394, %slice3A_395 : vector<1x1024xf32>
    %add3A_420 = arith.addf %mul3A_418, %mul3A_419 : vector<1x1024xf32>
    %convert_element_type3A_421 = arith.truncf %add3A_420 : vector<1x1024xf32> to vector<1x1024xbf16>
    %convert_element_type3A_422 = arith.extf %convert_element_type3A_421 : vector<1x1024xbf16> to vector<1x1024xf32>
    %mul3A_423 = arith.mulf %div3A_393, %div3A_393 : vector<1x1024xf32>
    %mul3A_424 = arith.mulf %mul3A_423, %sub3A_399 : vector<1x1024xf32>
    %add3A_425 = arith.addf %slice3A_396, %mul3A_424 : vector<1x1024xf32>
    %convert_element_type3A_426 = arith.truncf %add3A_425 : vector<1x1024xf32> to vector<1x1024xbf16>
    %convert_element_type3A_427 = arith.extf %convert_element_type3A_426 : vector<1x1024xbf16> to vector<1x1024xf32>
    %mul3A_428 = arith.mulf %div3A_393, %div3A_394 : vector<1x1024xf32>
    %mul3A_429 = arith.mulf %mul3A_428, %sub3A_399 : vector<1x1024xf32>
    %mul3A_430 = arith.mulf %div3A_392, %slice3A_395 : vector<1x1024xf32>
    %sub3A_431 = arith.subf %mul3A_429, %mul3A_430 : vector<1x1024xf32>
    %convert_element_type3A_432 = arith.truncf %sub3A_431 : vector<1x1024xf32> to vector<1x1024xbf16>
    %convert_element_type3A_433 = arith.extf %convert_element_type3A_432 : vector<1x1024xbf16> to vector<1x1024xf32>
    %mul3A_434 = arith.mulf %div3A_392, %div3A_394 : vector<1x1024xf32>
    %mul3A_435 = arith.mulf %mul3A_434, %sub3A_399 : vector<1x1024xf32>
    %mul3A_436 = arith.mulf %div3A_393, %slice3A_395 : vector<1x1024xf32>
    %sub3A_437 = arith.subf %mul3A_435, %mul3A_436 : vector<1x1024xf32>
    %convert_element_type3A_438 = arith.truncf %sub3A_437 : vector<1x1024xf32> to vector<1x1024xbf16>
    %convert_element_type3A_439 = arith.extf %convert_element_type3A_438 : vector<1x1024xbf16> to vector<1x1024xf32>
    %mul3A_440 = arith.mulf %div3A_393, %div3A_394 : vector<1x1024xf32>
    %mul3A_441 = arith.mulf %mul3A_440, %sub3A_399 : vector<1x1024xf32>
    %mul3A_442 = arith.mulf %div3A_392, %slice3A_395 : vector<1x1024xf32>
    %add3A_443 = arith.addf %mul3A_441, %mul3A_442 : vector<1x1024xf32>
    %convert_element_type3A_444 = arith.truncf %add3A_443 : vector<1x1024xf32> to vector<1x1024xbf16>
    %convert_element_type3A_445 = arith.extf %convert_element_type3A_444 : vector<1x1024xbf16> to vector<1x1024xf32>
    %mul3A_446 = arith.mulf %div3A_394, %div3A_394 : vector<1x1024xf32>
    %mul3A_447 = arith.mulf %mul3A_446, %sub3A_399 : vector<1x1024xf32>
    %add3A_448 = arith.addf %slice3A_396, %mul3A_447 : vector<1x1024xf32>
    %convert_element_type3A_449 = arith.truncf %add3A_448 : vector<1x1024xf32> to vector<1x1024xbf16>
    %convert_element_type3A_450 = arith.extf %convert_element_type3A_449 : vector<1x1024xbf16> to vector<1x1024xf32>
    %sub3A_451 = vector.broadcast %slice3A_374 : vector<1x1024xf32> to vector<64x1024xf32>
    %sub3A_452 = arith.subf %select_n3A_371, %sub3A_451 : vector<64x1024xf32>
    %convert_element_type3A_453 = arith.truncf %sub3A_452 : vector<64x1024xf32> to vector<64x1024xbf16>
    %convert_element_type3A_454 = arith.extf %convert_element_type3A_453 : vector<64x1024xbf16> to vector<64x1024xf32>
    %sub3A_455 = vector.broadcast %slice3A_375 : vector<1x1024xf32> to vector<64x1024xf32>
    %sub3A_456 = arith.subf %select_n3A_372, %sub3A_455 : vector<64x1024xf32>
    %convert_element_type3A_457 = arith.truncf %sub3A_456 : vector<64x1024xf32> to vector<64x1024xbf16>
    %convert_element_type3A_458 = arith.extf %convert_element_type3A_457 : vector<64x1024xbf16> to vector<64x1024xf32>
    %sub3A_459 = vector.broadcast %slice3A_376 : vector<1x1024xf32> to vector<64x1024xf32>
    %sub3A_460 = arith.subf %select_n3A_373, %sub3A_459 : vector<64x1024xf32>
    %convert_element_type3A_461 = arith.truncf %sub3A_460 : vector<64x1024xf32> to vector<64x1024xbf16>
    %convert_element_type3A_462 = arith.extf %convert_element_type3A_461 : vector<64x1024xbf16> to vector<64x1024xf32>
    %mul3A_463 = vector.broadcast %convert_element_type3A_404 : vector<1x1024xf32> to vector<64x1024xf32>
    %mul3A_464 = arith.mulf %convert_element_type3A_454, %mul3A_463 : vector<64x1024xf32>
    %mul3A_465 = vector.broadcast %convert_element_type3A_410 : vector<1x1024xf32> to vector<64x1024xf32>
    %mul3A_466 = arith.mulf %convert_element_type3A_458, %mul3A_465 : vector<64x1024xf32>
    %add3A_467 = arith.addf %mul3A_464, %mul3A_466 : vector<64x1024xf32>
    %mul3A_468 = vector.broadcast %convert_element_type3A_416 : vector<1x1024xf32> to vector<64x1024xf32>
    %mul3A_469 = arith.mulf %convert_element_type3A_462, %mul3A_468 : vector<64x1024xf32>
    %add3A_470 = arith.addf %add3A_467, %mul3A_469 : vector<64x1024xf32>
    %add3A_471 = vector.broadcast %slice3A_374 : vector<1x1024xf32> to vector<64x1024xf32>
    %add3A_472 = arith.addf %add3A_470, %add3A_471 : vector<64x1024xf32>
    %mul3A_473 = vector.broadcast %convert_element_type3A_422 : vector<1x1024xf32> to vector<64x1024xf32>
    %mul3A_474 = arith.mulf %convert_element_type3A_454, %mul3A_473 : vector<64x1024xf32>
    %mul3A_475 = vector.broadcast %convert_element_type3A_427 : vector<1x1024xf32> to vector<64x1024xf32>
    %mul3A_476 = arith.mulf %convert_element_type3A_458, %mul3A_475 : vector<64x1024xf32>
    %add3A_477 = arith.addf %mul3A_474, %mul3A_476 : vector<64x1024xf32>
    %mul3A_478 = vector.broadcast %convert_element_type3A_433 : vector<1x1024xf32> to vector<64x1024xf32>
    %mul3A_479 = arith.mulf %convert_element_type3A_462, %mul3A_478 : vector<64x1024xf32>
    %add3A_480 = arith.addf %add3A_477, %mul3A_479 : vector<64x1024xf32>
    %add3A_481 = vector.broadcast %slice3A_375 : vector<1x1024xf32> to vector<64x1024xf32>
    %add3A_482 = arith.addf %add3A_480, %add3A_481 : vector<64x1024xf32>
    %mul3A_483 = vector.broadcast %convert_element_type3A_439 : vector<1x1024xf32> to vector<64x1024xf32>
    %mul3A_484 = arith.mulf %convert_element_type3A_454, %mul3A_483 : vector<64x1024xf32>
    %mul3A_485 = vector.broadcast %convert_element_type3A_445 : vector<1x1024xf32> to vector<64x1024xf32>
    %mul3A_486 = arith.mulf %convert_element_type3A_458, %mul3A_485 : vector<64x1024xf32>
    %add3A_487 = arith.addf %mul3A_484, %mul3A_486 : vector<64x1024xf32>
    %mul3A_488 = vector.broadcast %convert_element_type3A_450 : vector<1x1024xf32> to vector<64x1024xf32>
    %mul3A_489 = arith.mulf %convert_element_type3A_462, %mul3A_488 : vector<64x1024xf32>
    %add3A_490 = arith.addf %add3A_487, %mul3A_489 : vector<64x1024xf32>
    %add3A_491 = vector.broadcast %slice3A_376 : vector<1x1024xf32> to vector<64x1024xf32>
    %add3A_492 = arith.addf %add3A_490, %add3A_491 : vector<64x1024xf32>
    %ge3A_493 = arith.constant 5 : i32
    %ge3A_494 = vector.broadcast %ge3A_493 : i32 to vector<64x1024xi32>
    %ge3A_495 = arith.cmpi sge, %iota3A, %ge3A_494 : vector<64x1024xi32>
    %select_n3A_496 = arith.select %ge3A_495, %add3A_472, %select_n3A_371 : vector<64x1024xi1>, vector<64x1024xf32>
    %select_n3A_497 = arith.select %ge3A_495, %add3A_482, %select_n3A_372 : vector<64x1024xi1>, vector<64x1024xf32>
    %select_n3A_498 = arith.select %ge3A_495, %add3A_492, %select_n3A_373 : vector<64x1024xi1>, vector<64x1024xf32>
    %slice3A_499 = vector.extract_strided_slice %select_n3A_496 {offsets = [4, 0], sizes = [1, 1024], strides = [1, 1]} : vector<64x1024xf32> to vector<1x1024xf32>
    %slice3A_500 = vector.extract_strided_slice %select_n3A_497 {offsets = [4, 0], sizes = [1, 1024], strides = [1, 1]} : vector<64x1024xf32> to vector<1x1024xf32>
    %slice3A_501 = vector.extract_strided_slice %select_n3A_498 {offsets = [4, 0], sizes = [1, 1024], strides = [1, 1]} : vector<64x1024xf32> to vector<1x1024xf32>
    %slice3A_502 = vector.extract_strided_slice %select_n3A_496 {offsets = [5, 0], sizes = [1, 1024], strides = [1, 1]} : vector<64x1024xf32> to vector<1x1024xf32>
    %sub3A_503 = arith.subf %slice3A_502, %slice3A_499 : vector<1x1024xf32>
    %slice3A_504 = vector.extract_strided_slice %select_n3A_497 {offsets = [5, 0], sizes = [1, 1024], strides = [1, 1]} : vector<64x1024xf32> to vector<1x1024xf32>
    %sub3A_505 = arith.subf %slice3A_504, %slice3A_500 : vector<1x1024xf32>
    %slice3A_506 = vector.extract_strided_slice %select_n3A_498 {offsets = [5, 0], sizes = [1, 1024], strides = [1, 1]} : vector<64x1024xf32> to vector<1x1024xf32>
    %sub3A_507 = arith.subf %slice3A_506, %slice3A_501 : vector<1x1024xf32>
    %mul3A_508 = arith.mulf %sub3A_503, %sub3A_503 : vector<1x1024xf32>
    %mul3A_509 = arith.mulf %sub3A_505, %sub3A_505 : vector<1x1024xf32>
    %add3A_510 = arith.addf %mul3A_508, %mul3A_509 : vector<1x1024xf32>
    %mul3A_511 = arith.mulf %sub3A_507, %sub3A_507 : vector<1x1024xf32>
    %add3A_512 = arith.addf %add3A_510, %mul3A_511 : vector<1x1024xf32>
    %sqrt3A_513 = math.sqrt %add3A_512 : vector<1x1024xf32>
    %max3A_514 = arith.constant 9.99999996E-13 : f32
    %max3A_515 = vector.broadcast %max3A_514 : f32 to vector<1x1024xf32>
    %max3A_516 = arith.maximumf %sqrt3A_513, %max3A_515 : vector<1x1024xf32>
    %div3A_517 = arith.divf %sub3A_503, %max3A_516 : vector<1x1024xf32>
    %div3A_518 = arith.divf %sub3A_505, %max3A_516 : vector<1x1024xf32>
    %div3A_519 = arith.divf %sub3A_507, %max3A_516 : vector<1x1024xf32>
    %slice3A_520 = vector.extract_strided_slice %sin3A {offsets = [4, 0], sizes = [1, 1024], strides = [1, 1]} : vector<16x1024xf32> to vector<1x1024xf32>
    %slice3A_521 = vector.extract_strided_slice %cos3A {offsets = [4, 0], sizes = [1, 1024], strides = [1, 1]} : vector<16x1024xf32> to vector<1x1024xf32>
    %sub3A_522 = arith.constant 1.000000e+00 : f32
    %sub3A_523 = vector.broadcast %sub3A_522 : f32 to vector<1x1024xf32>
    %sub3A_524 = arith.subf %sub3A_523, %slice3A_521 : vector<1x1024xf32>
    %mul3A_525 = arith.mulf %div3A_517, %div3A_517 : vector<1x1024xf32>
    %mul3A_526 = arith.mulf %mul3A_525, %sub3A_524 : vector<1x1024xf32>
    %add3A_527 = arith.addf %slice3A_521, %mul3A_526 : vector<1x1024xf32>
    %convert_element_type3A_528 = arith.truncf %add3A_527 : vector<1x1024xf32> to vector<1x1024xbf16>
    %convert_element_type3A_529 = arith.extf %convert_element_type3A_528 : vector<1x1024xbf16> to vector<1x1024xf32>
    %mul3A_530 = arith.mulf %div3A_517, %div3A_518 : vector<1x1024xf32>
    %mul3A_531 = arith.mulf %mul3A_530, %sub3A_524 : vector<1x1024xf32>
    %mul3A_532 = arith.mulf %div3A_519, %slice3A_520 : vector<1x1024xf32>
    %sub3A_533 = arith.subf %mul3A_531, %mul3A_532 : vector<1x1024xf32>
    %convert_element_type3A_534 = arith.truncf %sub3A_533 : vector<1x1024xf32> to vector<1x1024xbf16>
    %convert_element_type3A_535 = arith.extf %convert_element_type3A_534 : vector<1x1024xbf16> to vector<1x1024xf32>
    %mul3A_536 = arith.mulf %div3A_517, %div3A_519 : vector<1x1024xf32>
    %mul3A_537 = arith.mulf %mul3A_536, %sub3A_524 : vector<1x1024xf32>
    %mul3A_538 = arith.mulf %div3A_518, %slice3A_520 : vector<1x1024xf32>
    %add3A_539 = arith.addf %mul3A_537, %mul3A_538 : vector<1x1024xf32>
    %convert_element_type3A_540 = arith.truncf %add3A_539 : vector<1x1024xf32> to vector<1x1024xbf16>
    %convert_element_type3A_541 = arith.extf %convert_element_type3A_540 : vector<1x1024xbf16> to vector<1x1024xf32>
    %mul3A_542 = arith.mulf %div3A_517, %div3A_518 : vector<1x1024xf32>
    %mul3A_543 = arith.mulf %mul3A_542, %sub3A_524 : vector<1x1024xf32>
    %mul3A_544 = arith.mulf %div3A_519, %slice3A_520 : vector<1x1024xf32>
    %add3A_545 = arith.addf %mul3A_543, %mul3A_544 : vector<1x1024xf32>
    %convert_element_type3A_546 = arith.truncf %add3A_545 : vector<1x1024xf32> to vector<1x1024xbf16>
    %convert_element_type3A_547 = arith.extf %convert_element_type3A_546 : vector<1x1024xbf16> to vector<1x1024xf32>
    %mul3A_548 = arith.mulf %div3A_518, %div3A_518 : vector<1x1024xf32>
    %mul3A_549 = arith.mulf %mul3A_548, %sub3A_524 : vector<1x1024xf32>
    %add3A_550 = arith.addf %slice3A_521, %mul3A_549 : vector<1x1024xf32>
    %convert_element_type3A_551 = arith.truncf %add3A_550 : vector<1x1024xf32> to vector<1x1024xbf16>
    %convert_element_type3A_552 = arith.extf %convert_element_type3A_551 : vector<1x1024xbf16> to vector<1x1024xf32>
    %mul3A_553 = arith.mulf %div3A_518, %div3A_519 : vector<1x1024xf32>
    %mul3A_554 = arith.mulf %mul3A_553, %sub3A_524 : vector<1x1024xf32>
    %mul3A_555 = arith.mulf %div3A_517, %slice3A_520 : vector<1x1024xf32>
    %sub3A_556 = arith.subf %mul3A_554, %mul3A_555 : vector<1x1024xf32>
    %convert_element_type3A_557 = arith.truncf %sub3A_556 : vector<1x1024xf32> to vector<1x1024xbf16>
    %convert_element_type3A_558 = arith.extf %convert_element_type3A_557 : vector<1x1024xbf16> to vector<1x1024xf32>
    %mul3A_559 = arith.mulf %div3A_517, %div3A_519 : vector<1x1024xf32>
    %mul3A_560 = arith.mulf %mul3A_559, %sub3A_524 : vector<1x1024xf32>
    %mul3A_561 = arith.mulf %div3A_518, %slice3A_520 : vector<1x1024xf32>
    %sub3A_562 = arith.subf %mul3A_560, %mul3A_561 : vector<1x1024xf32>
    %convert_element_type3A_563 = arith.truncf %sub3A_562 : vector<1x1024xf32> to vector<1x1024xbf16>
    %convert_element_type3A_564 = arith.extf %convert_element_type3A_563 : vector<1x1024xbf16> to vector<1x1024xf32>
    %mul3A_565 = arith.mulf %div3A_518, %div3A_519 : vector<1x1024xf32>
    %mul3A_566 = arith.mulf %mul3A_565, %sub3A_524 : vector<1x1024xf32>
    %mul3A_567 = arith.mulf %div3A_517, %slice3A_520 : vector<1x1024xf32>
    %add3A_568 = arith.addf %mul3A_566, %mul3A_567 : vector<1x1024xf32>
    %convert_element_type3A_569 = arith.truncf %add3A_568 : vector<1x1024xf32> to vector<1x1024xbf16>
    %convert_element_type3A_570 = arith.extf %convert_element_type3A_569 : vector<1x1024xbf16> to vector<1x1024xf32>
    %mul3A_571 = arith.mulf %div3A_519, %div3A_519 : vector<1x1024xf32>
    %mul3A_572 = arith.mulf %mul3A_571, %sub3A_524 : vector<1x1024xf32>
    %add3A_573 = arith.addf %slice3A_521, %mul3A_572 : vector<1x1024xf32>
    %convert_element_type3A_574 = arith.truncf %add3A_573 : vector<1x1024xf32> to vector<1x1024xbf16>
    %convert_element_type3A_575 = arith.extf %convert_element_type3A_574 : vector<1x1024xbf16> to vector<1x1024xf32>
    %sub3A_576 = vector.broadcast %slice3A_499 : vector<1x1024xf32> to vector<64x1024xf32>
    %sub3A_577 = arith.subf %select_n3A_496, %sub3A_576 : vector<64x1024xf32>
    %convert_element_type3A_578 = arith.truncf %sub3A_577 : vector<64x1024xf32> to vector<64x1024xbf16>
    %convert_element_type3A_579 = arith.extf %convert_element_type3A_578 : vector<64x1024xbf16> to vector<64x1024xf32>
    %sub3A_580 = vector.broadcast %slice3A_500 : vector<1x1024xf32> to vector<64x1024xf32>
    %sub3A_581 = arith.subf %select_n3A_497, %sub3A_580 : vector<64x1024xf32>
    %convert_element_type3A_582 = arith.truncf %sub3A_581 : vector<64x1024xf32> to vector<64x1024xbf16>
    %convert_element_type3A_583 = arith.extf %convert_element_type3A_582 : vector<64x1024xbf16> to vector<64x1024xf32>
    %sub3A_584 = vector.broadcast %slice3A_501 : vector<1x1024xf32> to vector<64x1024xf32>
    %sub3A_585 = arith.subf %select_n3A_498, %sub3A_584 : vector<64x1024xf32>
    %convert_element_type3A_586 = arith.truncf %sub3A_585 : vector<64x1024xf32> to vector<64x1024xbf16>
    %convert_element_type3A_587 = arith.extf %convert_element_type3A_586 : vector<64x1024xbf16> to vector<64x1024xf32>
    %mul3A_588 = vector.broadcast %convert_element_type3A_529 : vector<1x1024xf32> to vector<64x1024xf32>
    %mul3A_589 = arith.mulf %convert_element_type3A_579, %mul3A_588 : vector<64x1024xf32>
    %mul3A_590 = vector.broadcast %convert_element_type3A_535 : vector<1x1024xf32> to vector<64x1024xf32>
    %mul3A_591 = arith.mulf %convert_element_type3A_583, %mul3A_590 : vector<64x1024xf32>
    %add3A_592 = arith.addf %mul3A_589, %mul3A_591 : vector<64x1024xf32>
    %mul3A_593 = vector.broadcast %convert_element_type3A_541 : vector<1x1024xf32> to vector<64x1024xf32>
    %mul3A_594 = arith.mulf %convert_element_type3A_587, %mul3A_593 : vector<64x1024xf32>
    %add3A_595 = arith.addf %add3A_592, %mul3A_594 : vector<64x1024xf32>
    %add3A_596 = vector.broadcast %slice3A_499 : vector<1x1024xf32> to vector<64x1024xf32>
    %add3A_597 = arith.addf %add3A_595, %add3A_596 : vector<64x1024xf32>
    %mul3A_598 = vector.broadcast %convert_element_type3A_547 : vector<1x1024xf32> to vector<64x1024xf32>
    %mul3A_599 = arith.mulf %convert_element_type3A_579, %mul3A_598 : vector<64x1024xf32>
    %mul3A_600 = vector.broadcast %convert_element_type3A_552 : vector<1x1024xf32> to vector<64x1024xf32>
    %mul3A_601 = arith.mulf %convert_element_type3A_583, %mul3A_600 : vector<64x1024xf32>
    %add3A_602 = arith.addf %mul3A_599, %mul3A_601 : vector<64x1024xf32>
    %mul3A_603 = vector.broadcast %convert_element_type3A_558 : vector<1x1024xf32> to vector<64x1024xf32>
    %mul3A_604 = arith.mulf %convert_element_type3A_587, %mul3A_603 : vector<64x1024xf32>
    %add3A_605 = arith.addf %add3A_602, %mul3A_604 : vector<64x1024xf32>
    %add3A_606 = vector.broadcast %slice3A_500 : vector<1x1024xf32> to vector<64x1024xf32>
    %add3A_607 = arith.addf %add3A_605, %add3A_606 : vector<64x1024xf32>
    %mul3A_608 = vector.broadcast %convert_element_type3A_564 : vector<1x1024xf32> to vector<64x1024xf32>
    %mul3A_609 = arith.mulf %convert_element_type3A_579, %mul3A_608 : vector<64x1024xf32>
    %mul3A_610 = vector.broadcast %convert_element_type3A_570 : vector<1x1024xf32> to vector<64x1024xf32>
    %mul3A_611 = arith.mulf %convert_element_type3A_583, %mul3A_610 : vector<64x1024xf32>
    %add3A_612 = arith.addf %mul3A_609, %mul3A_611 : vector<64x1024xf32>
    %mul3A_613 = vector.broadcast %convert_element_type3A_575 : vector<1x1024xf32> to vector<64x1024xf32>
    %mul3A_614 = arith.mulf %convert_element_type3A_587, %mul3A_613 : vector<64x1024xf32>
    %add3A_615 = arith.addf %add3A_612, %mul3A_614 : vector<64x1024xf32>
    %add3A_616 = vector.broadcast %slice3A_501 : vector<1x1024xf32> to vector<64x1024xf32>
    %add3A_617 = arith.addf %add3A_615, %add3A_616 : vector<64x1024xf32>
    %ge3A_618 = arith.constant 6 : i32
    %ge3A_619 = vector.broadcast %ge3A_618 : i32 to vector<64x1024xi32>
    %ge3A_620 = arith.cmpi sge, %iota3A, %ge3A_619 : vector<64x1024xi32>
    %select_n3A_621 = arith.select %ge3A_620, %add3A_597, %select_n3A_496 : vector<64x1024xi1>, vector<64x1024xf32>
    %select_n3A_622 = arith.select %ge3A_620, %add3A_607, %select_n3A_497 : vector<64x1024xi1>, vector<64x1024xf32>
    %select_n3A_623 = arith.select %ge3A_620, %add3A_617, %select_n3A_498 : vector<64x1024xi1>, vector<64x1024xf32>
    %slice3A_624 = vector.extract_strided_slice %select_n3A_621 {offsets = [5, 0], sizes = [1, 1024], strides = [1, 1]} : vector<64x1024xf32> to vector<1x1024xf32>
    %slice3A_625 = vector.extract_strided_slice %select_n3A_622 {offsets = [5, 0], sizes = [1, 1024], strides = [1, 1]} : vector<64x1024xf32> to vector<1x1024xf32>
    %slice3A_626 = vector.extract_strided_slice %select_n3A_623 {offsets = [5, 0], sizes = [1, 1024], strides = [1, 1]} : vector<64x1024xf32> to vector<1x1024xf32>
    %slice3A_627 = vector.extract_strided_slice %select_n3A_621 {offsets = [6, 0], sizes = [1, 1024], strides = [1, 1]} : vector<64x1024xf32> to vector<1x1024xf32>
    %sub3A_628 = arith.subf %slice3A_627, %slice3A_624 : vector<1x1024xf32>
    %slice3A_629 = vector.extract_strided_slice %select_n3A_622 {offsets = [6, 0], sizes = [1, 1024], strides = [1, 1]} : vector<64x1024xf32> to vector<1x1024xf32>
    %sub3A_630 = arith.subf %slice3A_629, %slice3A_625 : vector<1x1024xf32>
    %slice3A_631 = vector.extract_strided_slice %select_n3A_623 {offsets = [6, 0], sizes = [1, 1024], strides = [1, 1]} : vector<64x1024xf32> to vector<1x1024xf32>
    %sub3A_632 = arith.subf %slice3A_631, %slice3A_626 : vector<1x1024xf32>
    %mul3A_633 = arith.mulf %sub3A_628, %sub3A_628 : vector<1x1024xf32>
    %mul3A_634 = arith.mulf %sub3A_630, %sub3A_630 : vector<1x1024xf32>
    %add3A_635 = arith.addf %mul3A_633, %mul3A_634 : vector<1x1024xf32>
    %mul3A_636 = arith.mulf %sub3A_632, %sub3A_632 : vector<1x1024xf32>
    %add3A_637 = arith.addf %add3A_635, %mul3A_636 : vector<1x1024xf32>
    %sqrt3A_638 = math.sqrt %add3A_637 : vector<1x1024xf32>
    %max3A_639 = arith.constant 9.99999996E-13 : f32
    %max3A_640 = vector.broadcast %max3A_639 : f32 to vector<1x1024xf32>
    %max3A_641 = arith.maximumf %sqrt3A_638, %max3A_640 : vector<1x1024xf32>
    %div3A_642 = arith.divf %sub3A_628, %max3A_641 : vector<1x1024xf32>
    %div3A_643 = arith.divf %sub3A_630, %max3A_641 : vector<1x1024xf32>
    %div3A_644 = arith.divf %sub3A_632, %max3A_641 : vector<1x1024xf32>
    %slice3A_645 = vector.extract_strided_slice %sin3A {offsets = [5, 0], sizes = [1, 1024], strides = [1, 1]} : vector<16x1024xf32> to vector<1x1024xf32>
    %slice3A_646 = vector.extract_strided_slice %cos3A {offsets = [5, 0], sizes = [1, 1024], strides = [1, 1]} : vector<16x1024xf32> to vector<1x1024xf32>
    %sub3A_647 = arith.constant 1.000000e+00 : f32
    %sub3A_648 = vector.broadcast %sub3A_647 : f32 to vector<1x1024xf32>
    %sub3A_649 = arith.subf %sub3A_648, %slice3A_646 : vector<1x1024xf32>
    %mul3A_650 = arith.mulf %div3A_642, %div3A_642 : vector<1x1024xf32>
    %mul3A_651 = arith.mulf %mul3A_650, %sub3A_649 : vector<1x1024xf32>
    %add3A_652 = arith.addf %slice3A_646, %mul3A_651 : vector<1x1024xf32>
    %convert_element_type3A_653 = arith.truncf %add3A_652 : vector<1x1024xf32> to vector<1x1024xbf16>
    %convert_element_type3A_654 = arith.extf %convert_element_type3A_653 : vector<1x1024xbf16> to vector<1x1024xf32>
    %mul3A_655 = arith.mulf %div3A_642, %div3A_643 : vector<1x1024xf32>
    %mul3A_656 = arith.mulf %mul3A_655, %sub3A_649 : vector<1x1024xf32>
    %mul3A_657 = arith.mulf %div3A_644, %slice3A_645 : vector<1x1024xf32>
    %sub3A_658 = arith.subf %mul3A_656, %mul3A_657 : vector<1x1024xf32>
    %convert_element_type3A_659 = arith.truncf %sub3A_658 : vector<1x1024xf32> to vector<1x1024xbf16>
    %convert_element_type3A_660 = arith.extf %convert_element_type3A_659 : vector<1x1024xbf16> to vector<1x1024xf32>
    %mul3A_661 = arith.mulf %div3A_642, %div3A_644 : vector<1x1024xf32>
    %mul3A_662 = arith.mulf %mul3A_661, %sub3A_649 : vector<1x1024xf32>
    %mul3A_663 = arith.mulf %div3A_643, %slice3A_645 : vector<1x1024xf32>
    %add3A_664 = arith.addf %mul3A_662, %mul3A_663 : vector<1x1024xf32>
    %convert_element_type3A_665 = arith.truncf %add3A_664 : vector<1x1024xf32> to vector<1x1024xbf16>
    %convert_element_type3A_666 = arith.extf %convert_element_type3A_665 : vector<1x1024xbf16> to vector<1x1024xf32>
    %mul3A_667 = arith.mulf %div3A_642, %div3A_643 : vector<1x1024xf32>
    %mul3A_668 = arith.mulf %mul3A_667, %sub3A_649 : vector<1x1024xf32>
    %mul3A_669 = arith.mulf %div3A_644, %slice3A_645 : vector<1x1024xf32>
    %add3A_670 = arith.addf %mul3A_668, %mul3A_669 : vector<1x1024xf32>
    %convert_element_type3A_671 = arith.truncf %add3A_670 : vector<1x1024xf32> to vector<1x1024xbf16>
    %convert_element_type3A_672 = arith.extf %convert_element_type3A_671 : vector<1x1024xbf16> to vector<1x1024xf32>
    %mul3A_673 = arith.mulf %div3A_643, %div3A_643 : vector<1x1024xf32>
    %mul3A_674 = arith.mulf %mul3A_673, %sub3A_649 : vector<1x1024xf32>
    %add3A_675 = arith.addf %slice3A_646, %mul3A_674 : vector<1x1024xf32>
    %convert_element_type3A_676 = arith.truncf %add3A_675 : vector<1x1024xf32> to vector<1x1024xbf16>
    %convert_element_type3A_677 = arith.extf %convert_element_type3A_676 : vector<1x1024xbf16> to vector<1x1024xf32>
    %mul3A_678 = arith.mulf %div3A_643, %div3A_644 : vector<1x1024xf32>
    %mul3A_679 = arith.mulf %mul3A_678, %sub3A_649 : vector<1x1024xf32>
    %mul3A_680 = arith.mulf %div3A_642, %slice3A_645 : vector<1x1024xf32>
    %sub3A_681 = arith.subf %mul3A_679, %mul3A_680 : vector<1x1024xf32>
    %convert_element_type3A_682 = arith.truncf %sub3A_681 : vector<1x1024xf32> to vector<1x1024xbf16>
    %convert_element_type3A_683 = arith.extf %convert_element_type3A_682 : vector<1x1024xbf16> to vector<1x1024xf32>
    %mul3A_684 = arith.mulf %div3A_642, %div3A_644 : vector<1x1024xf32>
    %mul3A_685 = arith.mulf %mul3A_684, %sub3A_649 : vector<1x1024xf32>
    %mul3A_686 = arith.mulf %div3A_643, %slice3A_645 : vector<1x1024xf32>
    %sub3A_687 = arith.subf %mul3A_685, %mul3A_686 : vector<1x1024xf32>
    %convert_element_type3A_688 = arith.truncf %sub3A_687 : vector<1x1024xf32> to vector<1x1024xbf16>
    %convert_element_type3A_689 = arith.extf %convert_element_type3A_688 : vector<1x1024xbf16> to vector<1x1024xf32>
    %mul3A_690 = arith.mulf %div3A_643, %div3A_644 : vector<1x1024xf32>
    %mul3A_691 = arith.mulf %mul3A_690, %sub3A_649 : vector<1x1024xf32>
    %mul3A_692 = arith.mulf %div3A_642, %slice3A_645 : vector<1x1024xf32>
    %add3A_693 = arith.addf %mul3A_691, %mul3A_692 : vector<1x1024xf32>
    %convert_element_type3A_694 = arith.truncf %add3A_693 : vector<1x1024xf32> to vector<1x1024xbf16>
    %convert_element_type3A_695 = arith.extf %convert_element_type3A_694 : vector<1x1024xbf16> to vector<1x1024xf32>
    %mul3A_696 = arith.mulf %div3A_644, %div3A_644 : vector<1x1024xf32>
    %mul3A_697 = arith.mulf %mul3A_696, %sub3A_649 : vector<1x1024xf32>
    %add3A_698 = arith.addf %slice3A_646, %mul3A_697 : vector<1x1024xf32>
    %convert_element_type3A_699 = arith.truncf %add3A_698 : vector<1x1024xf32> to vector<1x1024xbf16>
    %convert_element_type3A_700 = arith.extf %convert_element_type3A_699 : vector<1x1024xbf16> to vector<1x1024xf32>
    %sub3A_701 = vector.broadcast %slice3A_624 : vector<1x1024xf32> to vector<64x1024xf32>
    %sub3A_702 = arith.subf %select_n3A_621, %sub3A_701 : vector<64x1024xf32>
    %convert_element_type3A_703 = arith.truncf %sub3A_702 : vector<64x1024xf32> to vector<64x1024xbf16>
    %convert_element_type3A_704 = arith.extf %convert_element_type3A_703 : vector<64x1024xbf16> to vector<64x1024xf32>
    %sub3A_705 = vector.broadcast %slice3A_625 : vector<1x1024xf32> to vector<64x1024xf32>
    %sub3A_706 = arith.subf %select_n3A_622, %sub3A_705 : vector<64x1024xf32>
    %convert_element_type3A_707 = arith.truncf %sub3A_706 : vector<64x1024xf32> to vector<64x1024xbf16>
    %convert_element_type3A_708 = arith.extf %convert_element_type3A_707 : vector<64x1024xbf16> to vector<64x1024xf32>
    %sub3A_709 = vector.broadcast %slice3A_626 : vector<1x1024xf32> to vector<64x1024xf32>
    %sub3A_710 = arith.subf %select_n3A_623, %sub3A_709 : vector<64x1024xf32>
    %convert_element_type3A_711 = arith.truncf %sub3A_710 : vector<64x1024xf32> to vector<64x1024xbf16>
    %convert_element_type3A_712 = arith.extf %convert_element_type3A_711 : vector<64x1024xbf16> to vector<64x1024xf32>
    %mul3A_713 = vector.broadcast %convert_element_type3A_654 : vector<1x1024xf32> to vector<64x1024xf32>
    %mul3A_714 = arith.mulf %convert_element_type3A_704, %mul3A_713 : vector<64x1024xf32>
    %mul3A_715 = vector.broadcast %convert_element_type3A_660 : vector<1x1024xf32> to vector<64x1024xf32>
    %mul3A_716 = arith.mulf %convert_element_type3A_708, %mul3A_715 : vector<64x1024xf32>
    %add3A_717 = arith.addf %mul3A_714, %mul3A_716 : vector<64x1024xf32>
    %mul3A_718 = vector.broadcast %convert_element_type3A_666 : vector<1x1024xf32> to vector<64x1024xf32>
    %mul3A_719 = arith.mulf %convert_element_type3A_712, %mul3A_718 : vector<64x1024xf32>
    %add3A_720 = arith.addf %add3A_717, %mul3A_719 : vector<64x1024xf32>
    %add3A_721 = vector.broadcast %slice3A_624 : vector<1x1024xf32> to vector<64x1024xf32>
    %add3A_722 = arith.addf %add3A_720, %add3A_721 : vector<64x1024xf32>
    %mul3A_723 = vector.broadcast %convert_element_type3A_672 : vector<1x1024xf32> to vector<64x1024xf32>
    %mul3A_724 = arith.mulf %convert_element_type3A_704, %mul3A_723 : vector<64x1024xf32>
    %mul3A_725 = vector.broadcast %convert_element_type3A_677 : vector<1x1024xf32> to vector<64x1024xf32>
    %mul3A_726 = arith.mulf %convert_element_type3A_708, %mul3A_725 : vector<64x1024xf32>
    %add3A_727 = arith.addf %mul3A_724, %mul3A_726 : vector<64x1024xf32>
    %mul3A_728 = vector.broadcast %convert_element_type3A_683 : vector<1x1024xf32> to vector<64x1024xf32>
    %mul3A_729 = arith.mulf %convert_element_type3A_712, %mul3A_728 : vector<64x1024xf32>
    %add3A_730 = arith.addf %add3A_727, %mul3A_729 : vector<64x1024xf32>
    %add3A_731 = vector.broadcast %slice3A_625 : vector<1x1024xf32> to vector<64x1024xf32>
    %add3A_732 = arith.addf %add3A_730, %add3A_731 : vector<64x1024xf32>
    %mul3A_733 = vector.broadcast %convert_element_type3A_689 : vector<1x1024xf32> to vector<64x1024xf32>
    %mul3A_734 = arith.mulf %convert_element_type3A_704, %mul3A_733 : vector<64x1024xf32>
    %mul3A_735 = vector.broadcast %convert_element_type3A_695 : vector<1x1024xf32> to vector<64x1024xf32>
    %mul3A_736 = arith.mulf %convert_element_type3A_708, %mul3A_735 : vector<64x1024xf32>
    %add3A_737 = arith.addf %mul3A_734, %mul3A_736 : vector<64x1024xf32>
    %mul3A_738 = vector.broadcast %convert_element_type3A_700 : vector<1x1024xf32> to vector<64x1024xf32>
    %mul3A_739 = arith.mulf %convert_element_type3A_712, %mul3A_738 : vector<64x1024xf32>
    %add3A_740 = arith.addf %add3A_737, %mul3A_739 : vector<64x1024xf32>
    %add3A_741 = vector.broadcast %slice3A_626 : vector<1x1024xf32> to vector<64x1024xf32>
    %add3A_742 = arith.addf %add3A_740, %add3A_741 : vector<64x1024xf32>
    %ge3A_743 = arith.constant 7 : i32
    %ge3A_744 = vector.broadcast %ge3A_743 : i32 to vector<64x1024xi32>
    %ge3A_745 = arith.cmpi sge, %iota3A, %ge3A_744 : vector<64x1024xi32>
    %select_n3A_746 = arith.select %ge3A_745, %add3A_722, %select_n3A_621 : vector<64x1024xi1>, vector<64x1024xf32>
    %select_n3A_747 = arith.select %ge3A_745, %add3A_732, %select_n3A_622 : vector<64x1024xi1>, vector<64x1024xf32>
    %select_n3A_748 = arith.select %ge3A_745, %add3A_742, %select_n3A_623 : vector<64x1024xi1>, vector<64x1024xf32>
    %slice3A_749 = vector.extract_strided_slice %select_n3A_746 {offsets = [6, 0], sizes = [1, 1024], strides = [1, 1]} : vector<64x1024xf32> to vector<1x1024xf32>
    %slice3A_750 = vector.extract_strided_slice %select_n3A_747 {offsets = [6, 0], sizes = [1, 1024], strides = [1, 1]} : vector<64x1024xf32> to vector<1x1024xf32>
    %slice3A_751 = vector.extract_strided_slice %select_n3A_748 {offsets = [6, 0], sizes = [1, 1024], strides = [1, 1]} : vector<64x1024xf32> to vector<1x1024xf32>
    %slice3A_752 = vector.extract_strided_slice %select_n3A_746 {offsets = [7, 0], sizes = [1, 1024], strides = [1, 1]} : vector<64x1024xf32> to vector<1x1024xf32>
    %sub3A_753 = arith.subf %slice3A_752, %slice3A_749 : vector<1x1024xf32>
    %slice3A_754 = vector.extract_strided_slice %select_n3A_747 {offsets = [7, 0], sizes = [1, 1024], strides = [1, 1]} : vector<64x1024xf32> to vector<1x1024xf32>
    %sub3A_755 = arith.subf %slice3A_754, %slice3A_750 : vector<1x1024xf32>
    %slice3A_756 = vector.extract_strided_slice %select_n3A_748 {offsets = [7, 0], sizes = [1, 1024], strides = [1, 1]} : vector<64x1024xf32> to vector<1x1024xf32>
    %sub3A_757 = arith.subf %slice3A_756, %slice3A_751 : vector<1x1024xf32>
    %mul3A_758 = arith.mulf %sub3A_753, %sub3A_753 : vector<1x1024xf32>
    %mul3A_759 = arith.mulf %sub3A_755, %sub3A_755 : vector<1x1024xf32>
    %add3A_760 = arith.addf %mul3A_758, %mul3A_759 : vector<1x1024xf32>
    %mul3A_761 = arith.mulf %sub3A_757, %sub3A_757 : vector<1x1024xf32>
    %add3A_762 = arith.addf %add3A_760, %mul3A_761 : vector<1x1024xf32>
    %sqrt3A_763 = math.sqrt %add3A_762 : vector<1x1024xf32>
    %max3A_764 = arith.constant 9.99999996E-13 : f32
    %max3A_765 = vector.broadcast %max3A_764 : f32 to vector<1x1024xf32>
    %max3A_766 = arith.maximumf %sqrt3A_763, %max3A_765 : vector<1x1024xf32>
    %div3A_767 = arith.divf %sub3A_753, %max3A_766 : vector<1x1024xf32>
    %div3A_768 = arith.divf %sub3A_755, %max3A_766 : vector<1x1024xf32>
    %div3A_769 = arith.divf %sub3A_757, %max3A_766 : vector<1x1024xf32>
    %slice3A_770 = vector.extract_strided_slice %sin3A {offsets = [6, 0], sizes = [1, 1024], strides = [1, 1]} : vector<16x1024xf32> to vector<1x1024xf32>
    %slice3A_771 = vector.extract_strided_slice %cos3A {offsets = [6, 0], sizes = [1, 1024], strides = [1, 1]} : vector<16x1024xf32> to vector<1x1024xf32>
    %sub3A_772 = arith.constant 1.000000e+00 : f32
    %sub3A_773 = vector.broadcast %sub3A_772 : f32 to vector<1x1024xf32>
    %sub3A_774 = arith.subf %sub3A_773, %slice3A_771 : vector<1x1024xf32>
    %mul3A_775 = arith.mulf %div3A_767, %div3A_767 : vector<1x1024xf32>
    %mul3A_776 = arith.mulf %mul3A_775, %sub3A_774 : vector<1x1024xf32>
    %add3A_777 = arith.addf %slice3A_771, %mul3A_776 : vector<1x1024xf32>
    %convert_element_type3A_778 = arith.truncf %add3A_777 : vector<1x1024xf32> to vector<1x1024xbf16>
    %convert_element_type3A_779 = arith.extf %convert_element_type3A_778 : vector<1x1024xbf16> to vector<1x1024xf32>
    %mul3A_780 = arith.mulf %div3A_767, %div3A_768 : vector<1x1024xf32>
    %mul3A_781 = arith.mulf %mul3A_780, %sub3A_774 : vector<1x1024xf32>
    %mul3A_782 = arith.mulf %div3A_769, %slice3A_770 : vector<1x1024xf32>
    %sub3A_783 = arith.subf %mul3A_781, %mul3A_782 : vector<1x1024xf32>
    %convert_element_type3A_784 = arith.truncf %sub3A_783 : vector<1x1024xf32> to vector<1x1024xbf16>
    %convert_element_type3A_785 = arith.extf %convert_element_type3A_784 : vector<1x1024xbf16> to vector<1x1024xf32>
    %mul3A_786 = arith.mulf %div3A_767, %div3A_769 : vector<1x1024xf32>
    %mul3A_787 = arith.mulf %mul3A_786, %sub3A_774 : vector<1x1024xf32>
    %mul3A_788 = arith.mulf %div3A_768, %slice3A_770 : vector<1x1024xf32>
    %add3A_789 = arith.addf %mul3A_787, %mul3A_788 : vector<1x1024xf32>
    %convert_element_type3A_790 = arith.truncf %add3A_789 : vector<1x1024xf32> to vector<1x1024xbf16>
    %convert_element_type3A_791 = arith.extf %convert_element_type3A_790 : vector<1x1024xbf16> to vector<1x1024xf32>
    %mul3A_792 = arith.mulf %div3A_767, %div3A_768 : vector<1x1024xf32>
    %mul3A_793 = arith.mulf %mul3A_792, %sub3A_774 : vector<1x1024xf32>
    %mul3A_794 = arith.mulf %div3A_769, %slice3A_770 : vector<1x1024xf32>
    %add3A_795 = arith.addf %mul3A_793, %mul3A_794 : vector<1x1024xf32>
    %convert_element_type3A_796 = arith.truncf %add3A_795 : vector<1x1024xf32> to vector<1x1024xbf16>
    %convert_element_type3A_797 = arith.extf %convert_element_type3A_796 : vector<1x1024xbf16> to vector<1x1024xf32>
    %mul3A_798 = arith.mulf %div3A_768, %div3A_768 : vector<1x1024xf32>
    %mul3A_799 = arith.mulf %mul3A_798, %sub3A_774 : vector<1x1024xf32>
    %add3A_800 = arith.addf %slice3A_771, %mul3A_799 : vector<1x1024xf32>
    %convert_element_type3A_801 = arith.truncf %add3A_800 : vector<1x1024xf32> to vector<1x1024xbf16>
    %convert_element_type3A_802 = arith.extf %convert_element_type3A_801 : vector<1x1024xbf16> to vector<1x1024xf32>
    %mul3A_803 = arith.mulf %div3A_768, %div3A_769 : vector<1x1024xf32>
    %mul3A_804 = arith.mulf %mul3A_803, %sub3A_774 : vector<1x1024xf32>
    %mul3A_805 = arith.mulf %div3A_767, %slice3A_770 : vector<1x1024xf32>
    %sub3A_806 = arith.subf %mul3A_804, %mul3A_805 : vector<1x1024xf32>
    %convert_element_type3A_807 = arith.truncf %sub3A_806 : vector<1x1024xf32> to vector<1x1024xbf16>
    %convert_element_type3A_808 = arith.extf %convert_element_type3A_807 : vector<1x1024xbf16> to vector<1x1024xf32>
    %mul3A_809 = arith.mulf %div3A_767, %div3A_769 : vector<1x1024xf32>
    %mul3A_810 = arith.mulf %mul3A_809, %sub3A_774 : vector<1x1024xf32>
    %mul3A_811 = arith.mulf %div3A_768, %slice3A_770 : vector<1x1024xf32>
    %sub3A_812 = arith.subf %mul3A_810, %mul3A_811 : vector<1x1024xf32>
    %convert_element_type3A_813 = arith.truncf %sub3A_812 : vector<1x1024xf32> to vector<1x1024xbf16>
    %convert_element_type3A_814 = arith.extf %convert_element_type3A_813 : vector<1x1024xbf16> to vector<1x1024xf32>
    %mul3A_815 = arith.mulf %div3A_768, %div3A_769 : vector<1x1024xf32>
    %mul3A_816 = arith.mulf %mul3A_815, %sub3A_774 : vector<1x1024xf32>
    %mul3A_817 = arith.mulf %div3A_767, %slice3A_770 : vector<1x1024xf32>
    %add3A_818 = arith.addf %mul3A_816, %mul3A_817 : vector<1x1024xf32>
    %convert_element_type3A_819 = arith.truncf %add3A_818 : vector<1x1024xf32> to vector<1x1024xbf16>
    %convert_element_type3A_820 = arith.extf %convert_element_type3A_819 : vector<1x1024xbf16> to vector<1x1024xf32>
    %mul3A_821 = arith.mulf %div3A_769, %div3A_769 : vector<1x1024xf32>
    %mul3A_822 = arith.mulf %mul3A_821, %sub3A_774 : vector<1x1024xf32>
    %add3A_823 = arith.addf %slice3A_771, %mul3A_822 : vector<1x1024xf32>
    %convert_element_type3A_824 = arith.truncf %add3A_823 : vector<1x1024xf32> to vector<1x1024xbf16>
    %convert_element_type3A_825 = arith.extf %convert_element_type3A_824 : vector<1x1024xbf16> to vector<1x1024xf32>
    %sub3A_826 = vector.broadcast %slice3A_749 : vector<1x1024xf32> to vector<64x1024xf32>
    %sub3A_827 = arith.subf %select_n3A_746, %sub3A_826 : vector<64x1024xf32>
    %convert_element_type3A_828 = arith.truncf %sub3A_827 : vector<64x1024xf32> to vector<64x1024xbf16>
    %convert_element_type3A_829 = arith.extf %convert_element_type3A_828 : vector<64x1024xbf16> to vector<64x1024xf32>
    %sub3A_830 = vector.broadcast %slice3A_750 : vector<1x1024xf32> to vector<64x1024xf32>
    %sub3A_831 = arith.subf %select_n3A_747, %sub3A_830 : vector<64x1024xf32>
    %convert_element_type3A_832 = arith.truncf %sub3A_831 : vector<64x1024xf32> to vector<64x1024xbf16>
    %convert_element_type3A_833 = arith.extf %convert_element_type3A_832 : vector<64x1024xbf16> to vector<64x1024xf32>
    %sub3A_834 = vector.broadcast %slice3A_751 : vector<1x1024xf32> to vector<64x1024xf32>
    %sub3A_835 = arith.subf %select_n3A_748, %sub3A_834 : vector<64x1024xf32>
    %convert_element_type3A_836 = arith.truncf %sub3A_835 : vector<64x1024xf32> to vector<64x1024xbf16>
    %convert_element_type3A_837 = arith.extf %convert_element_type3A_836 : vector<64x1024xbf16> to vector<64x1024xf32>
    %mul3A_838 = vector.broadcast %convert_element_type3A_779 : vector<1x1024xf32> to vector<64x1024xf32>
    %mul3A_839 = arith.mulf %convert_element_type3A_829, %mul3A_838 : vector<64x1024xf32>
    %mul3A_840 = vector.broadcast %convert_element_type3A_785 : vector<1x1024xf32> to vector<64x1024xf32>
    %mul3A_841 = arith.mulf %convert_element_type3A_833, %mul3A_840 : vector<64x1024xf32>
    %add3A_842 = arith.addf %mul3A_839, %mul3A_841 : vector<64x1024xf32>
    %mul3A_843 = vector.broadcast %convert_element_type3A_791 : vector<1x1024xf32> to vector<64x1024xf32>
    %mul3A_844 = arith.mulf %convert_element_type3A_837, %mul3A_843 : vector<64x1024xf32>
    %add3A_845 = arith.addf %add3A_842, %mul3A_844 : vector<64x1024xf32>
    %add3A_846 = vector.broadcast %slice3A_749 : vector<1x1024xf32> to vector<64x1024xf32>
    %add3A_847 = arith.addf %add3A_845, %add3A_846 : vector<64x1024xf32>
    %mul3A_848 = vector.broadcast %convert_element_type3A_797 : vector<1x1024xf32> to vector<64x1024xf32>
    %mul3A_849 = arith.mulf %convert_element_type3A_829, %mul3A_848 : vector<64x1024xf32>
    %mul3A_850 = vector.broadcast %convert_element_type3A_802 : vector<1x1024xf32> to vector<64x1024xf32>
    %mul3A_851 = arith.mulf %convert_element_type3A_833, %mul3A_850 : vector<64x1024xf32>
    %add3A_852 = arith.addf %mul3A_849, %mul3A_851 : vector<64x1024xf32>
    %mul3A_853 = vector.broadcast %convert_element_type3A_808 : vector<1x1024xf32> to vector<64x1024xf32>
    %mul3A_854 = arith.mulf %convert_element_type3A_837, %mul3A_853 : vector<64x1024xf32>
    %add3A_855 = arith.addf %add3A_852, %mul3A_854 : vector<64x1024xf32>
    %add3A_856 = vector.broadcast %slice3A_750 : vector<1x1024xf32> to vector<64x1024xf32>
    %add3A_857 = arith.addf %add3A_855, %add3A_856 : vector<64x1024xf32>
    %mul3A_858 = vector.broadcast %convert_element_type3A_814 : vector<1x1024xf32> to vector<64x1024xf32>
    %mul3A_859 = arith.mulf %convert_element_type3A_829, %mul3A_858 : vector<64x1024xf32>
    %mul3A_860 = vector.broadcast %convert_element_type3A_820 : vector<1x1024xf32> to vector<64x1024xf32>
    %mul3A_861 = arith.mulf %convert_element_type3A_833, %mul3A_860 : vector<64x1024xf32>
    %add3A_862 = arith.addf %mul3A_859, %mul3A_861 : vector<64x1024xf32>
    %mul3A_863 = vector.broadcast %convert_element_type3A_825 : vector<1x1024xf32> to vector<64x1024xf32>
    %mul3A_864 = arith.mulf %convert_element_type3A_837, %mul3A_863 : vector<64x1024xf32>
    %add3A_865 = arith.addf %add3A_862, %mul3A_864 : vector<64x1024xf32>
    %add3A_866 = vector.broadcast %slice3A_751 : vector<1x1024xf32> to vector<64x1024xf32>
    %add3A_867 = arith.addf %add3A_865, %add3A_866 : vector<64x1024xf32>
    %ge3A_868 = arith.constant 8 : i32
    %ge3A_869 = vector.broadcast %ge3A_868 : i32 to vector<64x1024xi32>
    %ge3A_870 = arith.cmpi sge, %iota3A, %ge3A_869 : vector<64x1024xi32>
    %select_n3A_871 = arith.select %ge3A_870, %add3A_847, %select_n3A_746 : vector<64x1024xi1>, vector<64x1024xf32>
    %select_n3A_872 = arith.select %ge3A_870, %add3A_857, %select_n3A_747 : vector<64x1024xi1>, vector<64x1024xf32>
    %select_n3A_873 = arith.select %ge3A_870, %add3A_867, %select_n3A_748 : vector<64x1024xi1>, vector<64x1024xf32>
    %slice3A_874 = vector.extract_strided_slice %select_n3A_871 {offsets = [7, 0], sizes = [1, 1024], strides = [1, 1]} : vector<64x1024xf32> to vector<1x1024xf32>
    %slice3A_875 = vector.extract_strided_slice %select_n3A_872 {offsets = [7, 0], sizes = [1, 1024], strides = [1, 1]} : vector<64x1024xf32> to vector<1x1024xf32>
    %slice3A_876 = vector.extract_strided_slice %select_n3A_873 {offsets = [7, 0], sizes = [1, 1024], strides = [1, 1]} : vector<64x1024xf32> to vector<1x1024xf32>
    %slice3A_877 = vector.extract_strided_slice %select_n3A_871 {offsets = [8, 0], sizes = [1, 1024], strides = [1, 1]} : vector<64x1024xf32> to vector<1x1024xf32>
    %sub3A_878 = arith.subf %slice3A_877, %slice3A_874 : vector<1x1024xf32>
    %slice3A_879 = vector.extract_strided_slice %select_n3A_872 {offsets = [8, 0], sizes = [1, 1024], strides = [1, 1]} : vector<64x1024xf32> to vector<1x1024xf32>
    %sub3A_880 = arith.subf %slice3A_879, %slice3A_875 : vector<1x1024xf32>
    %slice3A_881 = vector.extract_strided_slice %select_n3A_873 {offsets = [8, 0], sizes = [1, 1024], strides = [1, 1]} : vector<64x1024xf32> to vector<1x1024xf32>
    %sub3A_882 = arith.subf %slice3A_881, %slice3A_876 : vector<1x1024xf32>
    %mul3A_883 = arith.mulf %sub3A_878, %sub3A_878 : vector<1x1024xf32>
    %mul3A_884 = arith.mulf %sub3A_880, %sub3A_880 : vector<1x1024xf32>
    %add3A_885 = arith.addf %mul3A_883, %mul3A_884 : vector<1x1024xf32>
    %mul3A_886 = arith.mulf %sub3A_882, %sub3A_882 : vector<1x1024xf32>
    %add3A_887 = arith.addf %add3A_885, %mul3A_886 : vector<1x1024xf32>
    %sqrt3A_888 = math.sqrt %add3A_887 : vector<1x1024xf32>
    %max3A_889 = arith.constant 9.99999996E-13 : f32
    %max3A_890 = vector.broadcast %max3A_889 : f32 to vector<1x1024xf32>
    %max3A_891 = arith.maximumf %sqrt3A_888, %max3A_890 : vector<1x1024xf32>
    %div3A_892 = arith.divf %sub3A_878, %max3A_891 : vector<1x1024xf32>
    %div3A_893 = arith.divf %sub3A_880, %max3A_891 : vector<1x1024xf32>
    %div3A_894 = arith.divf %sub3A_882, %max3A_891 : vector<1x1024xf32>
    %slice3A_895 = vector.extract_strided_slice %sin3A {offsets = [7, 0], sizes = [1, 1024], strides = [1, 1]} : vector<16x1024xf32> to vector<1x1024xf32>
    %slice3A_896 = vector.extract_strided_slice %cos3A {offsets = [7, 0], sizes = [1, 1024], strides = [1, 1]} : vector<16x1024xf32> to vector<1x1024xf32>
    %sub3A_897 = arith.constant 1.000000e+00 : f32
    %sub3A_898 = vector.broadcast %sub3A_897 : f32 to vector<1x1024xf32>
    %sub3A_899 = arith.subf %sub3A_898, %slice3A_896 : vector<1x1024xf32>
    %mul3A_900 = arith.mulf %div3A_892, %div3A_892 : vector<1x1024xf32>
    %mul3A_901 = arith.mulf %mul3A_900, %sub3A_899 : vector<1x1024xf32>
    %add3A_902 = arith.addf %slice3A_896, %mul3A_901 : vector<1x1024xf32>
    %convert_element_type3A_903 = arith.truncf %add3A_902 : vector<1x1024xf32> to vector<1x1024xbf16>
    %convert_element_type3A_904 = arith.extf %convert_element_type3A_903 : vector<1x1024xbf16> to vector<1x1024xf32>
    %mul3A_905 = arith.mulf %div3A_892, %div3A_893 : vector<1x1024xf32>
    %mul3A_906 = arith.mulf %mul3A_905, %sub3A_899 : vector<1x1024xf32>
    %mul3A_907 = arith.mulf %div3A_894, %slice3A_895 : vector<1x1024xf32>
    %sub3A_908 = arith.subf %mul3A_906, %mul3A_907 : vector<1x1024xf32>
    %convert_element_type3A_909 = arith.truncf %sub3A_908 : vector<1x1024xf32> to vector<1x1024xbf16>
    %convert_element_type3A_910 = arith.extf %convert_element_type3A_909 : vector<1x1024xbf16> to vector<1x1024xf32>
    %mul3A_911 = arith.mulf %div3A_892, %div3A_894 : vector<1x1024xf32>
    %mul3A_912 = arith.mulf %mul3A_911, %sub3A_899 : vector<1x1024xf32>
    %mul3A_913 = arith.mulf %div3A_893, %slice3A_895 : vector<1x1024xf32>
    %add3A_914 = arith.addf %mul3A_912, %mul3A_913 : vector<1x1024xf32>
    %convert_element_type3A_915 = arith.truncf %add3A_914 : vector<1x1024xf32> to vector<1x1024xbf16>
    %convert_element_type3A_916 = arith.extf %convert_element_type3A_915 : vector<1x1024xbf16> to vector<1x1024xf32>
    %mul3A_917 = arith.mulf %div3A_892, %div3A_893 : vector<1x1024xf32>
    %mul3A_918 = arith.mulf %mul3A_917, %sub3A_899 : vector<1x1024xf32>
    %mul3A_919 = arith.mulf %div3A_894, %slice3A_895 : vector<1x1024xf32>
    %add3A_920 = arith.addf %mul3A_918, %mul3A_919 : vector<1x1024xf32>
    %convert_element_type3A_921 = arith.truncf %add3A_920 : vector<1x1024xf32> to vector<1x1024xbf16>
    %convert_element_type3A_922 = arith.extf %convert_element_type3A_921 : vector<1x1024xbf16> to vector<1x1024xf32>
    %mul3A_923 = arith.mulf %div3A_893, %div3A_893 : vector<1x1024xf32>
    %mul3A_924 = arith.mulf %mul3A_923, %sub3A_899 : vector<1x1024xf32>
    %add3A_925 = arith.addf %slice3A_896, %mul3A_924 : vector<1x1024xf32>
    %convert_element_type3A_926 = arith.truncf %add3A_925 : vector<1x1024xf32> to vector<1x1024xbf16>
    %convert_element_type3A_927 = arith.extf %convert_element_type3A_926 : vector<1x1024xbf16> to vector<1x1024xf32>
    %mul3A_928 = arith.mulf %div3A_893, %div3A_894 : vector<1x1024xf32>
    %mul3A_929 = arith.mulf %mul3A_928, %sub3A_899 : vector<1x1024xf32>
    %mul3A_930 = arith.mulf %div3A_892, %slice3A_895 : vector<1x1024xf32>
    %sub3A_931 = arith.subf %mul3A_929, %mul3A_930 : vector<1x1024xf32>
    %convert_element_type3A_932 = arith.truncf %sub3A_931 : vector<1x1024xf32> to vector<1x1024xbf16>
    %convert_element_type3A_933 = arith.extf %convert_element_type3A_932 : vector<1x1024xbf16> to vector<1x1024xf32>
    %mul3A_934 = arith.mulf %div3A_892, %div3A_894 : vector<1x1024xf32>
    %mul3A_935 = arith.mulf %mul3A_934, %sub3A_899 : vector<1x1024xf32>
    %mul3A_936 = arith.mulf %div3A_893, %slice3A_895 : vector<1x1024xf32>
    %sub3A_937 = arith.subf %mul3A_935, %mul3A_936 : vector<1x1024xf32>
    %convert_element_type3A_938 = arith.truncf %sub3A_937 : vector<1x1024xf32> to vector<1x1024xbf16>
    %convert_element_type3A_939 = arith.extf %convert_element_type3A_938 : vector<1x1024xbf16> to vector<1x1024xf32>
    %mul3A_940 = arith.mulf %div3A_893, %div3A_894 : vector<1x1024xf32>
    %mul3A_941 = arith.mulf %mul3A_940, %sub3A_899 : vector<1x1024xf32>
    %mul3A_942 = arith.mulf %div3A_892, %slice3A_895 : vector<1x1024xf32>
    %add3A_943 = arith.addf %mul3A_941, %mul3A_942 : vector<1x1024xf32>
    %convert_element_type3A_944 = arith.truncf %add3A_943 : vector<1x1024xf32> to vector<1x1024xbf16>
    %convert_element_type3A_945 = arith.extf %convert_element_type3A_944 : vector<1x1024xbf16> to vector<1x1024xf32>
    %mul3A_946 = arith.mulf %div3A_894, %div3A_894 : vector<1x1024xf32>
    %mul3A_947 = arith.mulf %mul3A_946, %sub3A_899 : vector<1x1024xf32>
    %add3A_948 = arith.addf %slice3A_896, %mul3A_947 : vector<1x1024xf32>
    %convert_element_type3A_949 = arith.truncf %add3A_948 : vector<1x1024xf32> to vector<1x1024xbf16>
    %convert_element_type3A_950 = arith.extf %convert_element_type3A_949 : vector<1x1024xbf16> to vector<1x1024xf32>
    %sub3A_951 = vector.broadcast %slice3A_874 : vector<1x1024xf32> to vector<64x1024xf32>
    %sub3A_952 = arith.subf %select_n3A_871, %sub3A_951 : vector<64x1024xf32>
    %convert_element_type3A_953 = arith.truncf %sub3A_952 : vector<64x1024xf32> to vector<64x1024xbf16>
    %convert_element_type3A_954 = arith.extf %convert_element_type3A_953 : vector<64x1024xbf16> to vector<64x1024xf32>
    %sub3A_955 = vector.broadcast %slice3A_875 : vector<1x1024xf32> to vector<64x1024xf32>
    %sub3A_956 = arith.subf %select_n3A_872, %sub3A_955 : vector<64x1024xf32>
    %convert_element_type3A_957 = arith.truncf %sub3A_956 : vector<64x1024xf32> to vector<64x1024xbf16>
    %convert_element_type3A_958 = arith.extf %convert_element_type3A_957 : vector<64x1024xbf16> to vector<64x1024xf32>
    %sub3A_959 = vector.broadcast %slice3A_876 : vector<1x1024xf32> to vector<64x1024xf32>
    %sub3A_960 = arith.subf %select_n3A_873, %sub3A_959 : vector<64x1024xf32>
    %convert_element_type3A_961 = arith.truncf %sub3A_960 : vector<64x1024xf32> to vector<64x1024xbf16>
    %convert_element_type3A_962 = arith.extf %convert_element_type3A_961 : vector<64x1024xbf16> to vector<64x1024xf32>
    %mul3A_963 = vector.broadcast %convert_element_type3A_904 : vector<1x1024xf32> to vector<64x1024xf32>
    %mul3A_964 = arith.mulf %convert_element_type3A_954, %mul3A_963 : vector<64x1024xf32>
    %mul3A_965 = vector.broadcast %convert_element_type3A_910 : vector<1x1024xf32> to vector<64x1024xf32>
    %mul3A_966 = arith.mulf %convert_element_type3A_958, %mul3A_965 : vector<64x1024xf32>
    %add3A_967 = arith.addf %mul3A_964, %mul3A_966 : vector<64x1024xf32>
    %mul3A_968 = vector.broadcast %convert_element_type3A_916 : vector<1x1024xf32> to vector<64x1024xf32>
    %mul3A_969 = arith.mulf %convert_element_type3A_962, %mul3A_968 : vector<64x1024xf32>
    %add3A_970 = arith.addf %add3A_967, %mul3A_969 : vector<64x1024xf32>
    %add3A_971 = vector.broadcast %slice3A_874 : vector<1x1024xf32> to vector<64x1024xf32>
    %add3A_972 = arith.addf %add3A_970, %add3A_971 : vector<64x1024xf32>
    %mul3A_973 = vector.broadcast %convert_element_type3A_922 : vector<1x1024xf32> to vector<64x1024xf32>
    %mul3A_974 = arith.mulf %convert_element_type3A_954, %mul3A_973 : vector<64x1024xf32>
    %mul3A_975 = vector.broadcast %convert_element_type3A_927 : vector<1x1024xf32> to vector<64x1024xf32>
    %mul3A_976 = arith.mulf %convert_element_type3A_958, %mul3A_975 : vector<64x1024xf32>
    %add3A_977 = arith.addf %mul3A_974, %mul3A_976 : vector<64x1024xf32>
    %mul3A_978 = vector.broadcast %convert_element_type3A_933 : vector<1x1024xf32> to vector<64x1024xf32>
    %mul3A_979 = arith.mulf %convert_element_type3A_962, %mul3A_978 : vector<64x1024xf32>
    %add3A_980 = arith.addf %add3A_977, %mul3A_979 : vector<64x1024xf32>
    %add3A_981 = vector.broadcast %slice3A_875 : vector<1x1024xf32> to vector<64x1024xf32>
    %add3A_982 = arith.addf %add3A_980, %add3A_981 : vector<64x1024xf32>
    %mul3A_983 = vector.broadcast %convert_element_type3A_939 : vector<1x1024xf32> to vector<64x1024xf32>
    %mul3A_984 = arith.mulf %convert_element_type3A_954, %mul3A_983 : vector<64x1024xf32>
    %mul3A_985 = vector.broadcast %convert_element_type3A_945 : vector<1x1024xf32> to vector<64x1024xf32>
    %mul3A_986 = arith.mulf %convert_element_type3A_958, %mul3A_985 : vector<64x1024xf32>
    %add3A_987 = arith.addf %mul3A_984, %mul3A_986 : vector<64x1024xf32>
    %mul3A_988 = vector.broadcast %convert_element_type3A_950 : vector<1x1024xf32> to vector<64x1024xf32>
    %mul3A_989 = arith.mulf %convert_element_type3A_962, %mul3A_988 : vector<64x1024xf32>
    %add3A_990 = arith.addf %add3A_987, %mul3A_989 : vector<64x1024xf32>
    %add3A_991 = vector.broadcast %slice3A_876 : vector<1x1024xf32> to vector<64x1024xf32>
    %add3A_992 = arith.addf %add3A_990, %add3A_991 : vector<64x1024xf32>
    %ge3A_993 = arith.constant 9 : i32
    %ge3A_994 = vector.broadcast %ge3A_993 : i32 to vector<64x1024xi32>
    %ge3A_995 = arith.cmpi sge, %iota3A, %ge3A_994 : vector<64x1024xi32>
    %select_n3A_996 = arith.select %ge3A_995, %add3A_972, %select_n3A_871 : vector<64x1024xi1>, vector<64x1024xf32>
    %select_n3A_997 = arith.select %ge3A_995, %add3A_982, %select_n3A_872 : vector<64x1024xi1>, vector<64x1024xf32>
    %select_n3A_998 = arith.select %ge3A_995, %add3A_992, %select_n3A_873 : vector<64x1024xi1>, vector<64x1024xf32>
    %slice3A_999 = vector.extract_strided_slice %select_n3A_996 {offsets = [8, 0], sizes = [1, 1024], strides = [1, 1]} : vector<64x1024xf32> to vector<1x1024xf32>
    %slice3A_1000 = vector.extract_strided_slice %select_n3A_997 {offsets = [8, 0], sizes = [1, 1024], strides = [1, 1]} : vector<64x1024xf32> to vector<1x1024xf32>
    %slice3A_1001 = vector.extract_strided_slice %select_n3A_998 {offsets = [8, 0], sizes = [1, 1024], strides = [1, 1]} : vector<64x1024xf32> to vector<1x1024xf32>
    %slice3A_1002 = vector.extract_strided_slice %select_n3A_996 {offsets = [9, 0], sizes = [1, 1024], strides = [1, 1]} : vector<64x1024xf32> to vector<1x1024xf32>
    %sub3A_1003 = arith.subf %slice3A_1002, %slice3A_999 : vector<1x1024xf32>
    %slice3A_1004 = vector.extract_strided_slice %select_n3A_997 {offsets = [9, 0], sizes = [1, 1024], strides = [1, 1]} : vector<64x1024xf32> to vector<1x1024xf32>
    %sub3A_1005 = arith.subf %slice3A_1004, %slice3A_1000 : vector<1x1024xf32>
    %slice3A_1006 = vector.extract_strided_slice %select_n3A_998 {offsets = [9, 0], sizes = [1, 1024], strides = [1, 1]} : vector<64x1024xf32> to vector<1x1024xf32>
    %sub3A_1007 = arith.subf %slice3A_1006, %slice3A_1001 : vector<1x1024xf32>
    %mul3A_1008 = arith.mulf %sub3A_1003, %sub3A_1003 : vector<1x1024xf32>
    %mul3A_1009 = arith.mulf %sub3A_1005, %sub3A_1005 : vector<1x1024xf32>
    %add3A_1010 = arith.addf %mul3A_1008, %mul3A_1009 : vector<1x1024xf32>
    %mul3A_1011 = arith.mulf %sub3A_1007, %sub3A_1007 : vector<1x1024xf32>
    %add3A_1012 = arith.addf %add3A_1010, %mul3A_1011 : vector<1x1024xf32>
    %sqrt3A_1013 = math.sqrt %add3A_1012 : vector<1x1024xf32>
    %max3A_1014 = arith.constant 9.99999996E-13 : f32
    %max3A_1015 = vector.broadcast %max3A_1014 : f32 to vector<1x1024xf32>
    %max3A_1016 = arith.maximumf %sqrt3A_1013, %max3A_1015 : vector<1x1024xf32>
    %div3A_1017 = arith.divf %sub3A_1003, %max3A_1016 : vector<1x1024xf32>
    %div3A_1018 = arith.divf %sub3A_1005, %max3A_1016 : vector<1x1024xf32>
    %div3A_1019 = arith.divf %sub3A_1007, %max3A_1016 : vector<1x1024xf32>
    %slice3A_1020 = vector.extract_strided_slice %sin3A {offsets = [8, 0], sizes = [1, 1024], strides = [1, 1]} : vector<16x1024xf32> to vector<1x1024xf32>
    %slice3A_1021 = vector.extract_strided_slice %cos3A {offsets = [8, 0], sizes = [1, 1024], strides = [1, 1]} : vector<16x1024xf32> to vector<1x1024xf32>
    %sub3A_1022 = arith.constant 1.000000e+00 : f32
    %sub3A_1023 = vector.broadcast %sub3A_1022 : f32 to vector<1x1024xf32>
    %sub3A_1024 = arith.subf %sub3A_1023, %slice3A_1021 : vector<1x1024xf32>
    %mul3A_1025 = arith.mulf %div3A_1017, %div3A_1017 : vector<1x1024xf32>
    %mul3A_1026 = arith.mulf %mul3A_1025, %sub3A_1024 : vector<1x1024xf32>
    %add3A_1027 = arith.addf %slice3A_1021, %mul3A_1026 : vector<1x1024xf32>
    %convert_element_type3A_1028 = arith.truncf %add3A_1027 : vector<1x1024xf32> to vector<1x1024xbf16>
    %convert_element_type3A_1029 = arith.extf %convert_element_type3A_1028 : vector<1x1024xbf16> to vector<1x1024xf32>
    %mul3A_1030 = arith.mulf %div3A_1017, %div3A_1018 : vector<1x1024xf32>
    %mul3A_1031 = arith.mulf %mul3A_1030, %sub3A_1024 : vector<1x1024xf32>
    %mul3A_1032 = arith.mulf %div3A_1019, %slice3A_1020 : vector<1x1024xf32>
    %sub3A_1033 = arith.subf %mul3A_1031, %mul3A_1032 : vector<1x1024xf32>
    %convert_element_type3A_1034 = arith.truncf %sub3A_1033 : vector<1x1024xf32> to vector<1x1024xbf16>
    %convert_element_type3A_1035 = arith.extf %convert_element_type3A_1034 : vector<1x1024xbf16> to vector<1x1024xf32>
    %mul3A_1036 = arith.mulf %div3A_1017, %div3A_1019 : vector<1x1024xf32>
    %mul3A_1037 = arith.mulf %mul3A_1036, %sub3A_1024 : vector<1x1024xf32>
    %mul3A_1038 = arith.mulf %div3A_1018, %slice3A_1020 : vector<1x1024xf32>
    %add3A_1039 = arith.addf %mul3A_1037, %mul3A_1038 : vector<1x1024xf32>
    %convert_element_type3A_1040 = arith.truncf %add3A_1039 : vector<1x1024xf32> to vector<1x1024xbf16>
    %convert_element_type3A_1041 = arith.extf %convert_element_type3A_1040 : vector<1x1024xbf16> to vector<1x1024xf32>
    %mul3A_1042 = arith.mulf %div3A_1017, %div3A_1018 : vector<1x1024xf32>
    %mul3A_1043 = arith.mulf %mul3A_1042, %sub3A_1024 : vector<1x1024xf32>
    %mul3A_1044 = arith.mulf %div3A_1019, %slice3A_1020 : vector<1x1024xf32>
    %add3A_1045 = arith.addf %mul3A_1043, %mul3A_1044 : vector<1x1024xf32>
    %convert_element_type3A_1046 = arith.truncf %add3A_1045 : vector<1x1024xf32> to vector<1x1024xbf16>
    %convert_element_type3A_1047 = arith.extf %convert_element_type3A_1046 : vector<1x1024xbf16> to vector<1x1024xf32>
    %mul3A_1048 = arith.mulf %div3A_1018, %div3A_1018 : vector<1x1024xf32>
    %mul3A_1049 = arith.mulf %mul3A_1048, %sub3A_1024 : vector<1x1024xf32>
    %add3A_1050 = arith.addf %slice3A_1021, %mul3A_1049 : vector<1x1024xf32>
    %convert_element_type3A_1051 = arith.truncf %add3A_1050 : vector<1x1024xf32> to vector<1x1024xbf16>
    %convert_element_type3A_1052 = arith.extf %convert_element_type3A_1051 : vector<1x1024xbf16> to vector<1x1024xf32>
    %mul3A_1053 = arith.mulf %div3A_1018, %div3A_1019 : vector<1x1024xf32>
    %mul3A_1054 = arith.mulf %mul3A_1053, %sub3A_1024 : vector<1x1024xf32>
    %mul3A_1055 = arith.mulf %div3A_1017, %slice3A_1020 : vector<1x1024xf32>
    %sub3A_1056 = arith.subf %mul3A_1054, %mul3A_1055 : vector<1x1024xf32>
    %convert_element_type3A_1057 = arith.truncf %sub3A_1056 : vector<1x1024xf32> to vector<1x1024xbf16>
    %convert_element_type3A_1058 = arith.extf %convert_element_type3A_1057 : vector<1x1024xbf16> to vector<1x1024xf32>
    %mul3A_1059 = arith.mulf %div3A_1017, %div3A_1019 : vector<1x1024xf32>
    %mul3A_1060 = arith.mulf %mul3A_1059, %sub3A_1024 : vector<1x1024xf32>
    %mul3A_1061 = arith.mulf %div3A_1018, %slice3A_1020 : vector<1x1024xf32>
    %sub3A_1062 = arith.subf %mul3A_1060, %mul3A_1061 : vector<1x1024xf32>
    %convert_element_type3A_1063 = arith.truncf %sub3A_1062 : vector<1x1024xf32> to vector<1x1024xbf16>
    %convert_element_type3A_1064 = arith.extf %convert_element_type3A_1063 : vector<1x1024xbf16> to vector<1x1024xf32>
    %mul3A_1065 = arith.mulf %div3A_1018, %div3A_1019 : vector<1x1024xf32>
    %mul3A_1066 = arith.mulf %mul3A_1065, %sub3A_1024 : vector<1x1024xf32>
    %mul3A_1067 = arith.mulf %div3A_1017, %slice3A_1020 : vector<1x1024xf32>
    %add3A_1068 = arith.addf %mul3A_1066, %mul3A_1067 : vector<1x1024xf32>
    %convert_element_type3A_1069 = arith.truncf %add3A_1068 : vector<1x1024xf32> to vector<1x1024xbf16>
    %convert_element_type3A_1070 = arith.extf %convert_element_type3A_1069 : vector<1x1024xbf16> to vector<1x1024xf32>
    %mul3A_1071 = arith.mulf %div3A_1019, %div3A_1019 : vector<1x1024xf32>
    %mul3A_1072 = arith.mulf %mul3A_1071, %sub3A_1024 : vector<1x1024xf32>
    %add3A_1073 = arith.addf %slice3A_1021, %mul3A_1072 : vector<1x1024xf32>
    %convert_element_type3A_1074 = arith.truncf %add3A_1073 : vector<1x1024xf32> to vector<1x1024xbf16>
    %convert_element_type3A_1075 = arith.extf %convert_element_type3A_1074 : vector<1x1024xbf16> to vector<1x1024xf32>
    %sub3A_1076 = vector.broadcast %slice3A_999 : vector<1x1024xf32> to vector<64x1024xf32>
    %sub3A_1077 = arith.subf %select_n3A_996, %sub3A_1076 : vector<64x1024xf32>
    %convert_element_type3A_1078 = arith.truncf %sub3A_1077 : vector<64x1024xf32> to vector<64x1024xbf16>
    %convert_element_type3A_1079 = arith.extf %convert_element_type3A_1078 : vector<64x1024xbf16> to vector<64x1024xf32>
    %sub3A_1080 = vector.broadcast %slice3A_1000 : vector<1x1024xf32> to vector<64x1024xf32>
    %sub3A_1081 = arith.subf %select_n3A_997, %sub3A_1080 : vector<64x1024xf32>
    %convert_element_type3A_1082 = arith.truncf %sub3A_1081 : vector<64x1024xf32> to vector<64x1024xbf16>
    %convert_element_type3A_1083 = arith.extf %convert_element_type3A_1082 : vector<64x1024xbf16> to vector<64x1024xf32>
    %sub3A_1084 = vector.broadcast %slice3A_1001 : vector<1x1024xf32> to vector<64x1024xf32>
    %sub3A_1085 = arith.subf %select_n3A_998, %sub3A_1084 : vector<64x1024xf32>
    %convert_element_type3A_1086 = arith.truncf %sub3A_1085 : vector<64x1024xf32> to vector<64x1024xbf16>
    %convert_element_type3A_1087 = arith.extf %convert_element_type3A_1086 : vector<64x1024xbf16> to vector<64x1024xf32>
    %mul3A_1088 = vector.broadcast %convert_element_type3A_1029 : vector<1x1024xf32> to vector<64x1024xf32>
    %mul3A_1089 = arith.mulf %convert_element_type3A_1079, %mul3A_1088 : vector<64x1024xf32>
    %mul3A_1090 = vector.broadcast %convert_element_type3A_1035 : vector<1x1024xf32> to vector<64x1024xf32>
    %mul3A_1091 = arith.mulf %convert_element_type3A_1083, %mul3A_1090 : vector<64x1024xf32>
    %add3A_1092 = arith.addf %mul3A_1089, %mul3A_1091 : vector<64x1024xf32>
    %mul3A_1093 = vector.broadcast %convert_element_type3A_1041 : vector<1x1024xf32> to vector<64x1024xf32>
    %mul3A_1094 = arith.mulf %convert_element_type3A_1087, %mul3A_1093 : vector<64x1024xf32>
    %add3A_1095 = arith.addf %add3A_1092, %mul3A_1094 : vector<64x1024xf32>
    %add3A_1096 = vector.broadcast %slice3A_999 : vector<1x1024xf32> to vector<64x1024xf32>
    %add3A_1097 = arith.addf %add3A_1095, %add3A_1096 : vector<64x1024xf32>
    %mul3A_1098 = vector.broadcast %convert_element_type3A_1047 : vector<1x1024xf32> to vector<64x1024xf32>
    %mul3A_1099 = arith.mulf %convert_element_type3A_1079, %mul3A_1098 : vector<64x1024xf32>
    %mul3A_1100 = vector.broadcast %convert_element_type3A_1052 : vector<1x1024xf32> to vector<64x1024xf32>
    %mul3A_1101 = arith.mulf %convert_element_type3A_1083, %mul3A_1100 : vector<64x1024xf32>
    %add3A_1102 = arith.addf %mul3A_1099, %mul3A_1101 : vector<64x1024xf32>
    %mul3A_1103 = vector.broadcast %convert_element_type3A_1058 : vector<1x1024xf32> to vector<64x1024xf32>
    %mul3A_1104 = arith.mulf %convert_element_type3A_1087, %mul3A_1103 : vector<64x1024xf32>
    %add3A_1105 = arith.addf %add3A_1102, %mul3A_1104 : vector<64x1024xf32>
    %add3A_1106 = vector.broadcast %slice3A_1000 : vector<1x1024xf32> to vector<64x1024xf32>
    %add3A_1107 = arith.addf %add3A_1105, %add3A_1106 : vector<64x1024xf32>
    %mul3A_1108 = vector.broadcast %convert_element_type3A_1064 : vector<1x1024xf32> to vector<64x1024xf32>
    %mul3A_1109 = arith.mulf %convert_element_type3A_1079, %mul3A_1108 : vector<64x1024xf32>
    %mul3A_1110 = vector.broadcast %convert_element_type3A_1070 : vector<1x1024xf32> to vector<64x1024xf32>
    %mul3A_1111 = arith.mulf %convert_element_type3A_1083, %mul3A_1110 : vector<64x1024xf32>
    %add3A_1112 = arith.addf %mul3A_1109, %mul3A_1111 : vector<64x1024xf32>
    %mul3A_1113 = vector.broadcast %convert_element_type3A_1075 : vector<1x1024xf32> to vector<64x1024xf32>
    %mul3A_1114 = arith.mulf %convert_element_type3A_1087, %mul3A_1113 : vector<64x1024xf32>
    %add3A_1115 = arith.addf %add3A_1112, %mul3A_1114 : vector<64x1024xf32>
    %add3A_1116 = vector.broadcast %slice3A_1001 : vector<1x1024xf32> to vector<64x1024xf32>
    %add3A_1117 = arith.addf %add3A_1115, %add3A_1116 : vector<64x1024xf32>
    %ge3A_1118 = arith.constant 10 : i32
    %ge3A_1119 = vector.broadcast %ge3A_1118 : i32 to vector<64x1024xi32>
    %ge3A_1120 = arith.cmpi sge, %iota3A, %ge3A_1119 : vector<64x1024xi32>
    %select_n3A_1121 = arith.select %ge3A_1120, %add3A_1097, %select_n3A_996 : vector<64x1024xi1>, vector<64x1024xf32>
    %select_n3A_1122 = arith.select %ge3A_1120, %add3A_1107, %select_n3A_997 : vector<64x1024xi1>, vector<64x1024xf32>
    %select_n3A_1123 = arith.select %ge3A_1120, %add3A_1117, %select_n3A_998 : vector<64x1024xi1>, vector<64x1024xf32>
    %slice3A_1124 = vector.extract_strided_slice %select_n3A_1121 {offsets = [9, 0], sizes = [1, 1024], strides = [1, 1]} : vector<64x1024xf32> to vector<1x1024xf32>
    %slice3A_1125 = vector.extract_strided_slice %select_n3A_1122 {offsets = [9, 0], sizes = [1, 1024], strides = [1, 1]} : vector<64x1024xf32> to vector<1x1024xf32>
    %slice3A_1126 = vector.extract_strided_slice %select_n3A_1123 {offsets = [9, 0], sizes = [1, 1024], strides = [1, 1]} : vector<64x1024xf32> to vector<1x1024xf32>
    %slice3A_1127 = vector.extract_strided_slice %select_n3A_1121 {offsets = [10, 0], sizes = [1, 1024], strides = [1, 1]} : vector<64x1024xf32> to vector<1x1024xf32>
    %sub3A_1128 = arith.subf %slice3A_1127, %slice3A_1124 : vector<1x1024xf32>
    %slice3A_1129 = vector.extract_strided_slice %select_n3A_1122 {offsets = [10, 0], sizes = [1, 1024], strides = [1, 1]} : vector<64x1024xf32> to vector<1x1024xf32>
    %sub3A_1130 = arith.subf %slice3A_1129, %slice3A_1125 : vector<1x1024xf32>
    %slice3A_1131 = vector.extract_strided_slice %select_n3A_1123 {offsets = [10, 0], sizes = [1, 1024], strides = [1, 1]} : vector<64x1024xf32> to vector<1x1024xf32>
    %sub3A_1132 = arith.subf %slice3A_1131, %slice3A_1126 : vector<1x1024xf32>
    %mul3A_1133 = arith.mulf %sub3A_1128, %sub3A_1128 : vector<1x1024xf32>
    %mul3A_1134 = arith.mulf %sub3A_1130, %sub3A_1130 : vector<1x1024xf32>
    %add3A_1135 = arith.addf %mul3A_1133, %mul3A_1134 : vector<1x1024xf32>
    %mul3A_1136 = arith.mulf %sub3A_1132, %sub3A_1132 : vector<1x1024xf32>
    %add3A_1137 = arith.addf %add3A_1135, %mul3A_1136 : vector<1x1024xf32>
    %sqrt3A_1138 = math.sqrt %add3A_1137 : vector<1x1024xf32>
    %max3A_1139 = arith.constant 9.99999996E-13 : f32
    %max3A_1140 = vector.broadcast %max3A_1139 : f32 to vector<1x1024xf32>
    %max3A_1141 = arith.maximumf %sqrt3A_1138, %max3A_1140 : vector<1x1024xf32>
    %div3A_1142 = arith.divf %sub3A_1128, %max3A_1141 : vector<1x1024xf32>
    %div3A_1143 = arith.divf %sub3A_1130, %max3A_1141 : vector<1x1024xf32>
    %div3A_1144 = arith.divf %sub3A_1132, %max3A_1141 : vector<1x1024xf32>
    %slice3A_1145 = vector.extract_strided_slice %sin3A {offsets = [9, 0], sizes = [1, 1024], strides = [1, 1]} : vector<16x1024xf32> to vector<1x1024xf32>
    %slice3A_1146 = vector.extract_strided_slice %cos3A {offsets = [9, 0], sizes = [1, 1024], strides = [1, 1]} : vector<16x1024xf32> to vector<1x1024xf32>
    %sub3A_1147 = arith.constant 1.000000e+00 : f32
    %sub3A_1148 = vector.broadcast %sub3A_1147 : f32 to vector<1x1024xf32>
    %sub3A_1149 = arith.subf %sub3A_1148, %slice3A_1146 : vector<1x1024xf32>
    %mul3A_1150 = arith.mulf %div3A_1142, %div3A_1142 : vector<1x1024xf32>
    %mul3A_1151 = arith.mulf %mul3A_1150, %sub3A_1149 : vector<1x1024xf32>
    %add3A_1152 = arith.addf %slice3A_1146, %mul3A_1151 : vector<1x1024xf32>
    %convert_element_type3A_1153 = arith.truncf %add3A_1152 : vector<1x1024xf32> to vector<1x1024xbf16>
    %convert_element_type3A_1154 = arith.extf %convert_element_type3A_1153 : vector<1x1024xbf16> to vector<1x1024xf32>
    %mul3A_1155 = arith.mulf %div3A_1142, %div3A_1143 : vector<1x1024xf32>
    %mul3A_1156 = arith.mulf %mul3A_1155, %sub3A_1149 : vector<1x1024xf32>
    %mul3A_1157 = arith.mulf %div3A_1144, %slice3A_1145 : vector<1x1024xf32>
    %sub3A_1158 = arith.subf %mul3A_1156, %mul3A_1157 : vector<1x1024xf32>
    %convert_element_type3A_1159 = arith.truncf %sub3A_1158 : vector<1x1024xf32> to vector<1x1024xbf16>
    %convert_element_type3A_1160 = arith.extf %convert_element_type3A_1159 : vector<1x1024xbf16> to vector<1x1024xf32>
    %mul3A_1161 = arith.mulf %div3A_1142, %div3A_1144 : vector<1x1024xf32>
    %mul3A_1162 = arith.mulf %mul3A_1161, %sub3A_1149 : vector<1x1024xf32>
    %mul3A_1163 = arith.mulf %div3A_1143, %slice3A_1145 : vector<1x1024xf32>
    %add3A_1164 = arith.addf %mul3A_1162, %mul3A_1163 : vector<1x1024xf32>
    %convert_element_type3A_1165 = arith.truncf %add3A_1164 : vector<1x1024xf32> to vector<1x1024xbf16>
    %convert_element_type3A_1166 = arith.extf %convert_element_type3A_1165 : vector<1x1024xbf16> to vector<1x1024xf32>
    %mul3A_1167 = arith.mulf %div3A_1142, %div3A_1143 : vector<1x1024xf32>
    %mul3A_1168 = arith.mulf %mul3A_1167, %sub3A_1149 : vector<1x1024xf32>
    %mul3A_1169 = arith.mulf %div3A_1144, %slice3A_1145 : vector<1x1024xf32>
    %add3A_1170 = arith.addf %mul3A_1168, %mul3A_1169 : vector<1x1024xf32>
    %convert_element_type3A_1171 = arith.truncf %add3A_1170 : vector<1x1024xf32> to vector<1x1024xbf16>
    %convert_element_type3A_1172 = arith.extf %convert_element_type3A_1171 : vector<1x1024xbf16> to vector<1x1024xf32>
    %mul3A_1173 = arith.mulf %div3A_1143, %div3A_1143 : vector<1x1024xf32>
    %mul3A_1174 = arith.mulf %mul3A_1173, %sub3A_1149 : vector<1x1024xf32>
    %add3A_1175 = arith.addf %slice3A_1146, %mul3A_1174 : vector<1x1024xf32>
    %convert_element_type3A_1176 = arith.truncf %add3A_1175 : vector<1x1024xf32> to vector<1x1024xbf16>
    %convert_element_type3A_1177 = arith.extf %convert_element_type3A_1176 : vector<1x1024xbf16> to vector<1x1024xf32>
    %mul3A_1178 = arith.mulf %div3A_1143, %div3A_1144 : vector<1x1024xf32>
    %mul3A_1179 = arith.mulf %mul3A_1178, %sub3A_1149 : vector<1x1024xf32>
    %mul3A_1180 = arith.mulf %div3A_1142, %slice3A_1145 : vector<1x1024xf32>
    %sub3A_1181 = arith.subf %mul3A_1179, %mul3A_1180 : vector<1x1024xf32>
    %convert_element_type3A_1182 = arith.truncf %sub3A_1181 : vector<1x1024xf32> to vector<1x1024xbf16>
    %convert_element_type3A_1183 = arith.extf %convert_element_type3A_1182 : vector<1x1024xbf16> to vector<1x1024xf32>
    %mul3A_1184 = arith.mulf %div3A_1142, %div3A_1144 : vector<1x1024xf32>
    %mul3A_1185 = arith.mulf %mul3A_1184, %sub3A_1149 : vector<1x1024xf32>
    %mul3A_1186 = arith.mulf %div3A_1143, %slice3A_1145 : vector<1x1024xf32>
    %sub3A_1187 = arith.subf %mul3A_1185, %mul3A_1186 : vector<1x1024xf32>
    %convert_element_type3A_1188 = arith.truncf %sub3A_1187 : vector<1x1024xf32> to vector<1x1024xbf16>
    %convert_element_type3A_1189 = arith.extf %convert_element_type3A_1188 : vector<1x1024xbf16> to vector<1x1024xf32>
    %mul3A_1190 = arith.mulf %div3A_1143, %div3A_1144 : vector<1x1024xf32>
    %mul3A_1191 = arith.mulf %mul3A_1190, %sub3A_1149 : vector<1x1024xf32>
    %mul3A_1192 = arith.mulf %div3A_1142, %slice3A_1145 : vector<1x1024xf32>
    %add3A_1193 = arith.addf %mul3A_1191, %mul3A_1192 : vector<1x1024xf32>
    %convert_element_type3A_1194 = arith.truncf %add3A_1193 : vector<1x1024xf32> to vector<1x1024xbf16>
    %convert_element_type3A_1195 = arith.extf %convert_element_type3A_1194 : vector<1x1024xbf16> to vector<1x1024xf32>
    %mul3A_1196 = arith.mulf %div3A_1144, %div3A_1144 : vector<1x1024xf32>
    %mul3A_1197 = arith.mulf %mul3A_1196, %sub3A_1149 : vector<1x1024xf32>
    %add3A_1198 = arith.addf %slice3A_1146, %mul3A_1197 : vector<1x1024xf32>
    %convert_element_type3A_1199 = arith.truncf %add3A_1198 : vector<1x1024xf32> to vector<1x1024xbf16>
    %convert_element_type3A_1200 = arith.extf %convert_element_type3A_1199 : vector<1x1024xbf16> to vector<1x1024xf32>
    %sub3A_1201 = vector.broadcast %slice3A_1124 : vector<1x1024xf32> to vector<64x1024xf32>
    %sub3A_1202 = arith.subf %select_n3A_1121, %sub3A_1201 : vector<64x1024xf32>
    %convert_element_type3A_1203 = arith.truncf %sub3A_1202 : vector<64x1024xf32> to vector<64x1024xbf16>
    %convert_element_type3A_1204 = arith.extf %convert_element_type3A_1203 : vector<64x1024xbf16> to vector<64x1024xf32>
    %sub3A_1205 = vector.broadcast %slice3A_1125 : vector<1x1024xf32> to vector<64x1024xf32>
    %sub3A_1206 = arith.subf %select_n3A_1122, %sub3A_1205 : vector<64x1024xf32>
    %convert_element_type3A_1207 = arith.truncf %sub3A_1206 : vector<64x1024xf32> to vector<64x1024xbf16>
    %convert_element_type3A_1208 = arith.extf %convert_element_type3A_1207 : vector<64x1024xbf16> to vector<64x1024xf32>
    %sub3A_1209 = vector.broadcast %slice3A_1126 : vector<1x1024xf32> to vector<64x1024xf32>
    %sub3A_1210 = arith.subf %select_n3A_1123, %sub3A_1209 : vector<64x1024xf32>
    %convert_element_type3A_1211 = arith.truncf %sub3A_1210 : vector<64x1024xf32> to vector<64x1024xbf16>
    %convert_element_type3A_1212 = arith.extf %convert_element_type3A_1211 : vector<64x1024xbf16> to vector<64x1024xf32>
    %mul3A_1213 = vector.broadcast %convert_element_type3A_1154 : vector<1x1024xf32> to vector<64x1024xf32>
    %mul3A_1214 = arith.mulf %convert_element_type3A_1204, %mul3A_1213 : vector<64x1024xf32>
    %mul3A_1215 = vector.broadcast %convert_element_type3A_1160 : vector<1x1024xf32> to vector<64x1024xf32>
    %mul3A_1216 = arith.mulf %convert_element_type3A_1208, %mul3A_1215 : vector<64x1024xf32>
    %add3A_1217 = arith.addf %mul3A_1214, %mul3A_1216 : vector<64x1024xf32>
    %mul3A_1218 = vector.broadcast %convert_element_type3A_1166 : vector<1x1024xf32> to vector<64x1024xf32>
    %mul3A_1219 = arith.mulf %convert_element_type3A_1212, %mul3A_1218 : vector<64x1024xf32>
    %add3A_1220 = arith.addf %add3A_1217, %mul3A_1219 : vector<64x1024xf32>
    %add3A_1221 = vector.broadcast %slice3A_1124 : vector<1x1024xf32> to vector<64x1024xf32>
    %add3A_1222 = arith.addf %add3A_1220, %add3A_1221 : vector<64x1024xf32>
    %mul3A_1223 = vector.broadcast %convert_element_type3A_1172 : vector<1x1024xf32> to vector<64x1024xf32>
    %mul3A_1224 = arith.mulf %convert_element_type3A_1204, %mul3A_1223 : vector<64x1024xf32>
    %mul3A_1225 = vector.broadcast %convert_element_type3A_1177 : vector<1x1024xf32> to vector<64x1024xf32>
    %mul3A_1226 = arith.mulf %convert_element_type3A_1208, %mul3A_1225 : vector<64x1024xf32>
    %add3A_1227 = arith.addf %mul3A_1224, %mul3A_1226 : vector<64x1024xf32>
    %mul3A_1228 = vector.broadcast %convert_element_type3A_1183 : vector<1x1024xf32> to vector<64x1024xf32>
    %mul3A_1229 = arith.mulf %convert_element_type3A_1212, %mul3A_1228 : vector<64x1024xf32>
    %add3A_1230 = arith.addf %add3A_1227, %mul3A_1229 : vector<64x1024xf32>
    %add3A_1231 = vector.broadcast %slice3A_1125 : vector<1x1024xf32> to vector<64x1024xf32>
    %add3A_1232 = arith.addf %add3A_1230, %add3A_1231 : vector<64x1024xf32>
    %mul3A_1233 = vector.broadcast %convert_element_type3A_1189 : vector<1x1024xf32> to vector<64x1024xf32>
    %mul3A_1234 = arith.mulf %convert_element_type3A_1204, %mul3A_1233 : vector<64x1024xf32>
    %mul3A_1235 = vector.broadcast %convert_element_type3A_1195 : vector<1x1024xf32> to vector<64x1024xf32>
    %mul3A_1236 = arith.mulf %convert_element_type3A_1208, %mul3A_1235 : vector<64x1024xf32>
    %add3A_1237 = arith.addf %mul3A_1234, %mul3A_1236 : vector<64x1024xf32>
    %mul3A_1238 = vector.broadcast %convert_element_type3A_1200 : vector<1x1024xf32> to vector<64x1024xf32>
    %mul3A_1239 = arith.mulf %convert_element_type3A_1212, %mul3A_1238 : vector<64x1024xf32>
    %add3A_1240 = arith.addf %add3A_1237, %mul3A_1239 : vector<64x1024xf32>
    %add3A_1241 = vector.broadcast %slice3A_1126 : vector<1x1024xf32> to vector<64x1024xf32>
    %add3A_1242 = arith.addf %add3A_1240, %add3A_1241 : vector<64x1024xf32>
    %ge3A_1243 = arith.constant 11 : i32
    %ge3A_1244 = vector.broadcast %ge3A_1243 : i32 to vector<64x1024xi32>
    %ge3A_1245 = arith.cmpi sge, %iota3A, %ge3A_1244 : vector<64x1024xi32>
    %select_n3A_1246 = arith.select %ge3A_1245, %add3A_1222, %select_n3A_1121 : vector<64x1024xi1>, vector<64x1024xf32>
    %select_n3A_1247 = arith.select %ge3A_1245, %add3A_1232, %select_n3A_1122 : vector<64x1024xi1>, vector<64x1024xf32>
    %select_n3A_1248 = arith.select %ge3A_1245, %add3A_1242, %select_n3A_1123 : vector<64x1024xi1>, vector<64x1024xf32>
    %slice3A_1249 = vector.extract_strided_slice %select_n3A_1246 {offsets = [10, 0], sizes = [1, 1024], strides = [1, 1]} : vector<64x1024xf32> to vector<1x1024xf32>
    %slice3A_1250 = vector.extract_strided_slice %select_n3A_1247 {offsets = [10, 0], sizes = [1, 1024], strides = [1, 1]} : vector<64x1024xf32> to vector<1x1024xf32>
    %slice3A_1251 = vector.extract_strided_slice %select_n3A_1248 {offsets = [10, 0], sizes = [1, 1024], strides = [1, 1]} : vector<64x1024xf32> to vector<1x1024xf32>
    %slice3A_1252 = vector.extract_strided_slice %select_n3A_1246 {offsets = [11, 0], sizes = [1, 1024], strides = [1, 1]} : vector<64x1024xf32> to vector<1x1024xf32>
    %sub3A_1253 = arith.subf %slice3A_1252, %slice3A_1249 : vector<1x1024xf32>
    %slice3A_1254 = vector.extract_strided_slice %select_n3A_1247 {offsets = [11, 0], sizes = [1, 1024], strides = [1, 1]} : vector<64x1024xf32> to vector<1x1024xf32>
    %sub3A_1255 = arith.subf %slice3A_1254, %slice3A_1250 : vector<1x1024xf32>
    %slice3A_1256 = vector.extract_strided_slice %select_n3A_1248 {offsets = [11, 0], sizes = [1, 1024], strides = [1, 1]} : vector<64x1024xf32> to vector<1x1024xf32>
    %sub3A_1257 = arith.subf %slice3A_1256, %slice3A_1251 : vector<1x1024xf32>
    %mul3A_1258 = arith.mulf %sub3A_1253, %sub3A_1253 : vector<1x1024xf32>
    %mul3A_1259 = arith.mulf %sub3A_1255, %sub3A_1255 : vector<1x1024xf32>
    %add3A_1260 = arith.addf %mul3A_1258, %mul3A_1259 : vector<1x1024xf32>
    %mul3A_1261 = arith.mulf %sub3A_1257, %sub3A_1257 : vector<1x1024xf32>
    %add3A_1262 = arith.addf %add3A_1260, %mul3A_1261 : vector<1x1024xf32>
    %sqrt3A_1263 = math.sqrt %add3A_1262 : vector<1x1024xf32>
    %max3A_1264 = arith.constant 9.99999996E-13 : f32
    %max3A_1265 = vector.broadcast %max3A_1264 : f32 to vector<1x1024xf32>
    %max3A_1266 = arith.maximumf %sqrt3A_1263, %max3A_1265 : vector<1x1024xf32>
    %div3A_1267 = arith.divf %sub3A_1253, %max3A_1266 : vector<1x1024xf32>
    %div3A_1268 = arith.divf %sub3A_1255, %max3A_1266 : vector<1x1024xf32>
    %div3A_1269 = arith.divf %sub3A_1257, %max3A_1266 : vector<1x1024xf32>
    %slice3A_1270 = vector.extract_strided_slice %sin3A {offsets = [10, 0], sizes = [1, 1024], strides = [1, 1]} : vector<16x1024xf32> to vector<1x1024xf32>
    %slice3A_1271 = vector.extract_strided_slice %cos3A {offsets = [10, 0], sizes = [1, 1024], strides = [1, 1]} : vector<16x1024xf32> to vector<1x1024xf32>
    %sub3A_1272 = arith.constant 1.000000e+00 : f32
    %sub3A_1273 = vector.broadcast %sub3A_1272 : f32 to vector<1x1024xf32>
    %sub3A_1274 = arith.subf %sub3A_1273, %slice3A_1271 : vector<1x1024xf32>
    %mul3A_1275 = arith.mulf %div3A_1267, %div3A_1267 : vector<1x1024xf32>
    %mul3A_1276 = arith.mulf %mul3A_1275, %sub3A_1274 : vector<1x1024xf32>
    %add3A_1277 = arith.addf %slice3A_1271, %mul3A_1276 : vector<1x1024xf32>
    %convert_element_type3A_1278 = arith.truncf %add3A_1277 : vector<1x1024xf32> to vector<1x1024xbf16>
    %convert_element_type3A_1279 = arith.extf %convert_element_type3A_1278 : vector<1x1024xbf16> to vector<1x1024xf32>
    %mul3A_1280 = arith.mulf %div3A_1267, %div3A_1268 : vector<1x1024xf32>
    %mul3A_1281 = arith.mulf %mul3A_1280, %sub3A_1274 : vector<1x1024xf32>
    %mul3A_1282 = arith.mulf %div3A_1269, %slice3A_1270 : vector<1x1024xf32>
    %sub3A_1283 = arith.subf %mul3A_1281, %mul3A_1282 : vector<1x1024xf32>
    %convert_element_type3A_1284 = arith.truncf %sub3A_1283 : vector<1x1024xf32> to vector<1x1024xbf16>
    %convert_element_type3A_1285 = arith.extf %convert_element_type3A_1284 : vector<1x1024xbf16> to vector<1x1024xf32>
    %mul3A_1286 = arith.mulf %div3A_1267, %div3A_1269 : vector<1x1024xf32>
    %mul3A_1287 = arith.mulf %mul3A_1286, %sub3A_1274 : vector<1x1024xf32>
    %mul3A_1288 = arith.mulf %div3A_1268, %slice3A_1270 : vector<1x1024xf32>
    %add3A_1289 = arith.addf %mul3A_1287, %mul3A_1288 : vector<1x1024xf32>
    %convert_element_type3A_1290 = arith.truncf %add3A_1289 : vector<1x1024xf32> to vector<1x1024xbf16>
    %convert_element_type3A_1291 = arith.extf %convert_element_type3A_1290 : vector<1x1024xbf16> to vector<1x1024xf32>
    %mul3A_1292 = arith.mulf %div3A_1267, %div3A_1268 : vector<1x1024xf32>
    %mul3A_1293 = arith.mulf %mul3A_1292, %sub3A_1274 : vector<1x1024xf32>
    %mul3A_1294 = arith.mulf %div3A_1269, %slice3A_1270 : vector<1x1024xf32>
    %add3A_1295 = arith.addf %mul3A_1293, %mul3A_1294 : vector<1x1024xf32>
    %convert_element_type3A_1296 = arith.truncf %add3A_1295 : vector<1x1024xf32> to vector<1x1024xbf16>
    %convert_element_type3A_1297 = arith.extf %convert_element_type3A_1296 : vector<1x1024xbf16> to vector<1x1024xf32>
    %mul3A_1298 = arith.mulf %div3A_1268, %div3A_1268 : vector<1x1024xf32>
    %mul3A_1299 = arith.mulf %mul3A_1298, %sub3A_1274 : vector<1x1024xf32>
    %add3A_1300 = arith.addf %slice3A_1271, %mul3A_1299 : vector<1x1024xf32>
    %convert_element_type3A_1301 = arith.truncf %add3A_1300 : vector<1x1024xf32> to vector<1x1024xbf16>
    %convert_element_type3A_1302 = arith.extf %convert_element_type3A_1301 : vector<1x1024xbf16> to vector<1x1024xf32>
    %mul3A_1303 = arith.mulf %div3A_1268, %div3A_1269 : vector<1x1024xf32>
    %mul3A_1304 = arith.mulf %mul3A_1303, %sub3A_1274 : vector<1x1024xf32>
    %mul3A_1305 = arith.mulf %div3A_1267, %slice3A_1270 : vector<1x1024xf32>
    %sub3A_1306 = arith.subf %mul3A_1304, %mul3A_1305 : vector<1x1024xf32>
    %convert_element_type3A_1307 = arith.truncf %sub3A_1306 : vector<1x1024xf32> to vector<1x1024xbf16>
    %convert_element_type3A_1308 = arith.extf %convert_element_type3A_1307 : vector<1x1024xbf16> to vector<1x1024xf32>
    %mul3A_1309 = arith.mulf %div3A_1267, %div3A_1269 : vector<1x1024xf32>
    %mul3A_1310 = arith.mulf %mul3A_1309, %sub3A_1274 : vector<1x1024xf32>
    %mul3A_1311 = arith.mulf %div3A_1268, %slice3A_1270 : vector<1x1024xf32>
    %sub3A_1312 = arith.subf %mul3A_1310, %mul3A_1311 : vector<1x1024xf32>
    %convert_element_type3A_1313 = arith.truncf %sub3A_1312 : vector<1x1024xf32> to vector<1x1024xbf16>
    %convert_element_type3A_1314 = arith.extf %convert_element_type3A_1313 : vector<1x1024xbf16> to vector<1x1024xf32>
    %mul3A_1315 = arith.mulf %div3A_1268, %div3A_1269 : vector<1x1024xf32>
    %mul3A_1316 = arith.mulf %mul3A_1315, %sub3A_1274 : vector<1x1024xf32>
    %mul3A_1317 = arith.mulf %div3A_1267, %slice3A_1270 : vector<1x1024xf32>
    %add3A_1318 = arith.addf %mul3A_1316, %mul3A_1317 : vector<1x1024xf32>
    %convert_element_type3A_1319 = arith.truncf %add3A_1318 : vector<1x1024xf32> to vector<1x1024xbf16>
    %convert_element_type3A_1320 = arith.extf %convert_element_type3A_1319 : vector<1x1024xbf16> to vector<1x1024xf32>
    %mul3A_1321 = arith.mulf %div3A_1269, %div3A_1269 : vector<1x1024xf32>
    %mul3A_1322 = arith.mulf %mul3A_1321, %sub3A_1274 : vector<1x1024xf32>
    %add3A_1323 = arith.addf %slice3A_1271, %mul3A_1322 : vector<1x1024xf32>
    %convert_element_type3A_1324 = arith.truncf %add3A_1323 : vector<1x1024xf32> to vector<1x1024xbf16>
    %convert_element_type3A_1325 = arith.extf %convert_element_type3A_1324 : vector<1x1024xbf16> to vector<1x1024xf32>
    %sub3A_1326 = vector.broadcast %slice3A_1249 : vector<1x1024xf32> to vector<64x1024xf32>
    %sub3A_1327 = arith.subf %select_n3A_1246, %sub3A_1326 : vector<64x1024xf32>
    %convert_element_type3A_1328 = arith.truncf %sub3A_1327 : vector<64x1024xf32> to vector<64x1024xbf16>
    %convert_element_type3A_1329 = arith.extf %convert_element_type3A_1328 : vector<64x1024xbf16> to vector<64x1024xf32>
    %sub3A_1330 = vector.broadcast %slice3A_1250 : vector<1x1024xf32> to vector<64x1024xf32>
    %sub3A_1331 = arith.subf %select_n3A_1247, %sub3A_1330 : vector<64x1024xf32>
    %convert_element_type3A_1332 = arith.truncf %sub3A_1331 : vector<64x1024xf32> to vector<64x1024xbf16>
    %convert_element_type3A_1333 = arith.extf %convert_element_type3A_1332 : vector<64x1024xbf16> to vector<64x1024xf32>
    %sub3A_1334 = vector.broadcast %slice3A_1251 : vector<1x1024xf32> to vector<64x1024xf32>
    %sub3A_1335 = arith.subf %select_n3A_1248, %sub3A_1334 : vector<64x1024xf32>
    %convert_element_type3A_1336 = arith.truncf %sub3A_1335 : vector<64x1024xf32> to vector<64x1024xbf16>
    %convert_element_type3A_1337 = arith.extf %convert_element_type3A_1336 : vector<64x1024xbf16> to vector<64x1024xf32>
    %mul3A_1338 = vector.broadcast %convert_element_type3A_1279 : vector<1x1024xf32> to vector<64x1024xf32>
    %mul3A_1339 = arith.mulf %convert_element_type3A_1329, %mul3A_1338 : vector<64x1024xf32>
    %mul3A_1340 = vector.broadcast %convert_element_type3A_1285 : vector<1x1024xf32> to vector<64x1024xf32>
    %mul3A_1341 = arith.mulf %convert_element_type3A_1333, %mul3A_1340 : vector<64x1024xf32>
    %add3A_1342 = arith.addf %mul3A_1339, %mul3A_1341 : vector<64x1024xf32>
    %mul3A_1343 = vector.broadcast %convert_element_type3A_1291 : vector<1x1024xf32> to vector<64x1024xf32>
    %mul3A_1344 = arith.mulf %convert_element_type3A_1337, %mul3A_1343 : vector<64x1024xf32>
    %add3A_1345 = arith.addf %add3A_1342, %mul3A_1344 : vector<64x1024xf32>
    %add3A_1346 = vector.broadcast %slice3A_1249 : vector<1x1024xf32> to vector<64x1024xf32>
    %add3A_1347 = arith.addf %add3A_1345, %add3A_1346 : vector<64x1024xf32>
    %mul3A_1348 = vector.broadcast %convert_element_type3A_1297 : vector<1x1024xf32> to vector<64x1024xf32>
    %mul3A_1349 = arith.mulf %convert_element_type3A_1329, %mul3A_1348 : vector<64x1024xf32>
    %mul3A_1350 = vector.broadcast %convert_element_type3A_1302 : vector<1x1024xf32> to vector<64x1024xf32>
    %mul3A_1351 = arith.mulf %convert_element_type3A_1333, %mul3A_1350 : vector<64x1024xf32>
    %add3A_1352 = arith.addf %mul3A_1349, %mul3A_1351 : vector<64x1024xf32>
    %mul3A_1353 = vector.broadcast %convert_element_type3A_1308 : vector<1x1024xf32> to vector<64x1024xf32>
    %mul3A_1354 = arith.mulf %convert_element_type3A_1337, %mul3A_1353 : vector<64x1024xf32>
    %add3A_1355 = arith.addf %add3A_1352, %mul3A_1354 : vector<64x1024xf32>
    %add3A_1356 = vector.broadcast %slice3A_1250 : vector<1x1024xf32> to vector<64x1024xf32>
    %add3A_1357 = arith.addf %add3A_1355, %add3A_1356 : vector<64x1024xf32>
    %mul3A_1358 = vector.broadcast %convert_element_type3A_1314 : vector<1x1024xf32> to vector<64x1024xf32>
    %mul3A_1359 = arith.mulf %convert_element_type3A_1329, %mul3A_1358 : vector<64x1024xf32>
    %mul3A_1360 = vector.broadcast %convert_element_type3A_1320 : vector<1x1024xf32> to vector<64x1024xf32>
    %mul3A_1361 = arith.mulf %convert_element_type3A_1333, %mul3A_1360 : vector<64x1024xf32>
    %add3A_1362 = arith.addf %mul3A_1359, %mul3A_1361 : vector<64x1024xf32>
    %mul3A_1363 = vector.broadcast %convert_element_type3A_1325 : vector<1x1024xf32> to vector<64x1024xf32>
    %mul3A_1364 = arith.mulf %convert_element_type3A_1337, %mul3A_1363 : vector<64x1024xf32>
    %add3A_1365 = arith.addf %add3A_1362, %mul3A_1364 : vector<64x1024xf32>
    %add3A_1366 = vector.broadcast %slice3A_1251 : vector<1x1024xf32> to vector<64x1024xf32>
    %add3A_1367 = arith.addf %add3A_1365, %add3A_1366 : vector<64x1024xf32>
    %ge3A_1368 = arith.constant 12 : i32
    %ge3A_1369 = vector.broadcast %ge3A_1368 : i32 to vector<64x1024xi32>
    %ge3A_1370 = arith.cmpi sge, %iota3A, %ge3A_1369 : vector<64x1024xi32>
    %select_n3A_1371 = arith.select %ge3A_1370, %add3A_1347, %select_n3A_1246 : vector<64x1024xi1>, vector<64x1024xf32>
    %select_n3A_1372 = arith.select %ge3A_1370, %add3A_1357, %select_n3A_1247 : vector<64x1024xi1>, vector<64x1024xf32>
    %select_n3A_1373 = arith.select %ge3A_1370, %add3A_1367, %select_n3A_1248 : vector<64x1024xi1>, vector<64x1024xf32>
    %slice3A_1374 = vector.extract_strided_slice %select_n3A_1371 {offsets = [11, 0], sizes = [1, 1024], strides = [1, 1]} : vector<64x1024xf32> to vector<1x1024xf32>
    %slice3A_1375 = vector.extract_strided_slice %select_n3A_1372 {offsets = [11, 0], sizes = [1, 1024], strides = [1, 1]} : vector<64x1024xf32> to vector<1x1024xf32>
    %slice3A_1376 = vector.extract_strided_slice %select_n3A_1373 {offsets = [11, 0], sizes = [1, 1024], strides = [1, 1]} : vector<64x1024xf32> to vector<1x1024xf32>
    %slice3A_1377 = vector.extract_strided_slice %select_n3A_1371 {offsets = [12, 0], sizes = [1, 1024], strides = [1, 1]} : vector<64x1024xf32> to vector<1x1024xf32>
    %sub3A_1378 = arith.subf %slice3A_1377, %slice3A_1374 : vector<1x1024xf32>
    %slice3A_1379 = vector.extract_strided_slice %select_n3A_1372 {offsets = [12, 0], sizes = [1, 1024], strides = [1, 1]} : vector<64x1024xf32> to vector<1x1024xf32>
    %sub3A_1380 = arith.subf %slice3A_1379, %slice3A_1375 : vector<1x1024xf32>
    %slice3A_1381 = vector.extract_strided_slice %select_n3A_1373 {offsets = [12, 0], sizes = [1, 1024], strides = [1, 1]} : vector<64x1024xf32> to vector<1x1024xf32>
    %sub3A_1382 = arith.subf %slice3A_1381, %slice3A_1376 : vector<1x1024xf32>
    %mul3A_1383 = arith.mulf %sub3A_1378, %sub3A_1378 : vector<1x1024xf32>
    %mul3A_1384 = arith.mulf %sub3A_1380, %sub3A_1380 : vector<1x1024xf32>
    %add3A_1385 = arith.addf %mul3A_1383, %mul3A_1384 : vector<1x1024xf32>
    %mul3A_1386 = arith.mulf %sub3A_1382, %sub3A_1382 : vector<1x1024xf32>
    %add3A_1387 = arith.addf %add3A_1385, %mul3A_1386 : vector<1x1024xf32>
    %sqrt3A_1388 = math.sqrt %add3A_1387 : vector<1x1024xf32>
    %max3A_1389 = arith.constant 9.99999996E-13 : f32
    %max3A_1390 = vector.broadcast %max3A_1389 : f32 to vector<1x1024xf32>
    %max3A_1391 = arith.maximumf %sqrt3A_1388, %max3A_1390 : vector<1x1024xf32>
    %div3A_1392 = arith.divf %sub3A_1378, %max3A_1391 : vector<1x1024xf32>
    %div3A_1393 = arith.divf %sub3A_1380, %max3A_1391 : vector<1x1024xf32>
    %div3A_1394 = arith.divf %sub3A_1382, %max3A_1391 : vector<1x1024xf32>
    %slice3A_1395 = vector.extract_strided_slice %sin3A {offsets = [11, 0], sizes = [1, 1024], strides = [1, 1]} : vector<16x1024xf32> to vector<1x1024xf32>
    %slice3A_1396 = vector.extract_strided_slice %cos3A {offsets = [11, 0], sizes = [1, 1024], strides = [1, 1]} : vector<16x1024xf32> to vector<1x1024xf32>
    %sub3A_1397 = arith.constant 1.000000e+00 : f32
    %sub3A_1398 = vector.broadcast %sub3A_1397 : f32 to vector<1x1024xf32>
    %sub3A_1399 = arith.subf %sub3A_1398, %slice3A_1396 : vector<1x1024xf32>
    %mul3A_1400 = arith.mulf %div3A_1392, %div3A_1392 : vector<1x1024xf32>
    %mul3A_1401 = arith.mulf %mul3A_1400, %sub3A_1399 : vector<1x1024xf32>
    %add3A_1402 = arith.addf %slice3A_1396, %mul3A_1401 : vector<1x1024xf32>
    %convert_element_type3A_1403 = arith.truncf %add3A_1402 : vector<1x1024xf32> to vector<1x1024xbf16>
    %convert_element_type3A_1404 = arith.extf %convert_element_type3A_1403 : vector<1x1024xbf16> to vector<1x1024xf32>
    %mul3A_1405 = arith.mulf %div3A_1392, %div3A_1393 : vector<1x1024xf32>
    %mul3A_1406 = arith.mulf %mul3A_1405, %sub3A_1399 : vector<1x1024xf32>
    %mul3A_1407 = arith.mulf %div3A_1394, %slice3A_1395 : vector<1x1024xf32>
    %sub3A_1408 = arith.subf %mul3A_1406, %mul3A_1407 : vector<1x1024xf32>
    %convert_element_type3A_1409 = arith.truncf %sub3A_1408 : vector<1x1024xf32> to vector<1x1024xbf16>
    %convert_element_type3A_1410 = arith.extf %convert_element_type3A_1409 : vector<1x1024xbf16> to vector<1x1024xf32>
    %mul3A_1411 = arith.mulf %div3A_1392, %div3A_1394 : vector<1x1024xf32>
    %mul3A_1412 = arith.mulf %mul3A_1411, %sub3A_1399 : vector<1x1024xf32>
    %mul3A_1413 = arith.mulf %div3A_1393, %slice3A_1395 : vector<1x1024xf32>
    %add3A_1414 = arith.addf %mul3A_1412, %mul3A_1413 : vector<1x1024xf32>
    %convert_element_type3A_1415 = arith.truncf %add3A_1414 : vector<1x1024xf32> to vector<1x1024xbf16>
    %convert_element_type3A_1416 = arith.extf %convert_element_type3A_1415 : vector<1x1024xbf16> to vector<1x1024xf32>
    %mul3A_1417 = arith.mulf %div3A_1392, %div3A_1393 : vector<1x1024xf32>
    %mul3A_1418 = arith.mulf %mul3A_1417, %sub3A_1399 : vector<1x1024xf32>
    %mul3A_1419 = arith.mulf %div3A_1394, %slice3A_1395 : vector<1x1024xf32>
    %add3A_1420 = arith.addf %mul3A_1418, %mul3A_1419 : vector<1x1024xf32>
    %convert_element_type3A_1421 = arith.truncf %add3A_1420 : vector<1x1024xf32> to vector<1x1024xbf16>
    %convert_element_type3A_1422 = arith.extf %convert_element_type3A_1421 : vector<1x1024xbf16> to vector<1x1024xf32>
    %mul3A_1423 = arith.mulf %div3A_1393, %div3A_1393 : vector<1x1024xf32>
    %mul3A_1424 = arith.mulf %mul3A_1423, %sub3A_1399 : vector<1x1024xf32>
    %add3A_1425 = arith.addf %slice3A_1396, %mul3A_1424 : vector<1x1024xf32>
    %convert_element_type3A_1426 = arith.truncf %add3A_1425 : vector<1x1024xf32> to vector<1x1024xbf16>
    %convert_element_type3A_1427 = arith.extf %convert_element_type3A_1426 : vector<1x1024xbf16> to vector<1x1024xf32>
    %mul3A_1428 = arith.mulf %div3A_1393, %div3A_1394 : vector<1x1024xf32>
    %mul3A_1429 = arith.mulf %mul3A_1428, %sub3A_1399 : vector<1x1024xf32>
    %mul3A_1430 = arith.mulf %div3A_1392, %slice3A_1395 : vector<1x1024xf32>
    %sub3A_1431 = arith.subf %mul3A_1429, %mul3A_1430 : vector<1x1024xf32>
    %convert_element_type3A_1432 = arith.truncf %sub3A_1431 : vector<1x1024xf32> to vector<1x1024xbf16>
    %convert_element_type3A_1433 = arith.extf %convert_element_type3A_1432 : vector<1x1024xbf16> to vector<1x1024xf32>
    %mul3A_1434 = arith.mulf %div3A_1392, %div3A_1394 : vector<1x1024xf32>
    %mul3A_1435 = arith.mulf %mul3A_1434, %sub3A_1399 : vector<1x1024xf32>
    %mul3A_1436 = arith.mulf %div3A_1393, %slice3A_1395 : vector<1x1024xf32>
    %sub3A_1437 = arith.subf %mul3A_1435, %mul3A_1436 : vector<1x1024xf32>
    %convert_element_type3A_1438 = arith.truncf %sub3A_1437 : vector<1x1024xf32> to vector<1x1024xbf16>
    %convert_element_type3A_1439 = arith.extf %convert_element_type3A_1438 : vector<1x1024xbf16> to vector<1x1024xf32>
    %mul3A_1440 = arith.mulf %div3A_1393, %div3A_1394 : vector<1x1024xf32>
    %mul3A_1441 = arith.mulf %mul3A_1440, %sub3A_1399 : vector<1x1024xf32>
    %mul3A_1442 = arith.mulf %div3A_1392, %slice3A_1395 : vector<1x1024xf32>
    %add3A_1443 = arith.addf %mul3A_1441, %mul3A_1442 : vector<1x1024xf32>
    %convert_element_type3A_1444 = arith.truncf %add3A_1443 : vector<1x1024xf32> to vector<1x1024xbf16>
    %convert_element_type3A_1445 = arith.extf %convert_element_type3A_1444 : vector<1x1024xbf16> to vector<1x1024xf32>
    %mul3A_1446 = arith.mulf %div3A_1394, %div3A_1394 : vector<1x1024xf32>
    %mul3A_1447 = arith.mulf %mul3A_1446, %sub3A_1399 : vector<1x1024xf32>
    %add3A_1448 = arith.addf %slice3A_1396, %mul3A_1447 : vector<1x1024xf32>
    %convert_element_type3A_1449 = arith.truncf %add3A_1448 : vector<1x1024xf32> to vector<1x1024xbf16>
    %convert_element_type3A_1450 = arith.extf %convert_element_type3A_1449 : vector<1x1024xbf16> to vector<1x1024xf32>
    %sub3A_1451 = vector.broadcast %slice3A_1374 : vector<1x1024xf32> to vector<64x1024xf32>
    %sub3A_1452 = arith.subf %select_n3A_1371, %sub3A_1451 : vector<64x1024xf32>
    %convert_element_type3A_1453 = arith.truncf %sub3A_1452 : vector<64x1024xf32> to vector<64x1024xbf16>
    %convert_element_type3A_1454 = arith.extf %convert_element_type3A_1453 : vector<64x1024xbf16> to vector<64x1024xf32>
    %sub3A_1455 = vector.broadcast %slice3A_1375 : vector<1x1024xf32> to vector<64x1024xf32>
    %sub3A_1456 = arith.subf %select_n3A_1372, %sub3A_1455 : vector<64x1024xf32>
    %convert_element_type3A_1457 = arith.truncf %sub3A_1456 : vector<64x1024xf32> to vector<64x1024xbf16>
    %convert_element_type3A_1458 = arith.extf %convert_element_type3A_1457 : vector<64x1024xbf16> to vector<64x1024xf32>
    %sub3A_1459 = vector.broadcast %slice3A_1376 : vector<1x1024xf32> to vector<64x1024xf32>
    %sub3A_1460 = arith.subf %select_n3A_1373, %sub3A_1459 : vector<64x1024xf32>
    %convert_element_type3A_1461 = arith.truncf %sub3A_1460 : vector<64x1024xf32> to vector<64x1024xbf16>
    %convert_element_type3A_1462 = arith.extf %convert_element_type3A_1461 : vector<64x1024xbf16> to vector<64x1024xf32>
    %mul3A_1463 = vector.broadcast %convert_element_type3A_1404 : vector<1x1024xf32> to vector<64x1024xf32>
    %mul3A_1464 = arith.mulf %convert_element_type3A_1454, %mul3A_1463 : vector<64x1024xf32>
    %mul3A_1465 = vector.broadcast %convert_element_type3A_1410 : vector<1x1024xf32> to vector<64x1024xf32>
    %mul3A_1466 = arith.mulf %convert_element_type3A_1458, %mul3A_1465 : vector<64x1024xf32>
    %add3A_1467 = arith.addf %mul3A_1464, %mul3A_1466 : vector<64x1024xf32>
    %mul3A_1468 = vector.broadcast %convert_element_type3A_1416 : vector<1x1024xf32> to vector<64x1024xf32>
    %mul3A_1469 = arith.mulf %convert_element_type3A_1462, %mul3A_1468 : vector<64x1024xf32>
    %add3A_1470 = arith.addf %add3A_1467, %mul3A_1469 : vector<64x1024xf32>
    %add3A_1471 = vector.broadcast %slice3A_1374 : vector<1x1024xf32> to vector<64x1024xf32>
    %add3A_1472 = arith.addf %add3A_1470, %add3A_1471 : vector<64x1024xf32>
    %mul3A_1473 = vector.broadcast %convert_element_type3A_1422 : vector<1x1024xf32> to vector<64x1024xf32>
    %mul3A_1474 = arith.mulf %convert_element_type3A_1454, %mul3A_1473 : vector<64x1024xf32>
    %mul3A_1475 = vector.broadcast %convert_element_type3A_1427 : vector<1x1024xf32> to vector<64x1024xf32>
    %mul3A_1476 = arith.mulf %convert_element_type3A_1458, %mul3A_1475 : vector<64x1024xf32>
    %add3A_1477 = arith.addf %mul3A_1474, %mul3A_1476 : vector<64x1024xf32>
    %mul3A_1478 = vector.broadcast %convert_element_type3A_1433 : vector<1x1024xf32> to vector<64x1024xf32>
    %mul3A_1479 = arith.mulf %convert_element_type3A_1462, %mul3A_1478 : vector<64x1024xf32>
    %add3A_1480 = arith.addf %add3A_1477, %mul3A_1479 : vector<64x1024xf32>
    %add3A_1481 = vector.broadcast %slice3A_1375 : vector<1x1024xf32> to vector<64x1024xf32>
    %add3A_1482 = arith.addf %add3A_1480, %add3A_1481 : vector<64x1024xf32>
    %mul3A_1483 = vector.broadcast %convert_element_type3A_1439 : vector<1x1024xf32> to vector<64x1024xf32>
    %mul3A_1484 = arith.mulf %convert_element_type3A_1454, %mul3A_1483 : vector<64x1024xf32>
    %mul3A_1485 = vector.broadcast %convert_element_type3A_1445 : vector<1x1024xf32> to vector<64x1024xf32>
    %mul3A_1486 = arith.mulf %convert_element_type3A_1458, %mul3A_1485 : vector<64x1024xf32>
    %add3A_1487 = arith.addf %mul3A_1484, %mul3A_1486 : vector<64x1024xf32>
    %mul3A_1488 = vector.broadcast %convert_element_type3A_1450 : vector<1x1024xf32> to vector<64x1024xf32>
    %mul3A_1489 = arith.mulf %convert_element_type3A_1462, %mul3A_1488 : vector<64x1024xf32>
    %add3A_1490 = arith.addf %add3A_1487, %mul3A_1489 : vector<64x1024xf32>
    %add3A_1491 = vector.broadcast %slice3A_1376 : vector<1x1024xf32> to vector<64x1024xf32>
    %add3A_1492 = arith.addf %add3A_1490, %add3A_1491 : vector<64x1024xf32>
    %ge3A_1493 = arith.constant 13 : i32
    %ge3A_1494 = vector.broadcast %ge3A_1493 : i32 to vector<64x1024xi32>
    %ge3A_1495 = arith.cmpi sge, %iota3A, %ge3A_1494 : vector<64x1024xi32>
    %select_n3A_1496 = arith.select %ge3A_1495, %add3A_1472, %select_n3A_1371 : vector<64x1024xi1>, vector<64x1024xf32>
    %select_n3A_1497 = arith.select %ge3A_1495, %add3A_1482, %select_n3A_1372 : vector<64x1024xi1>, vector<64x1024xf32>
    %select_n3A_1498 = arith.select %ge3A_1495, %add3A_1492, %select_n3A_1373 : vector<64x1024xi1>, vector<64x1024xf32>
    %slice3A_1499 = vector.extract_strided_slice %select_n3A_1496 {offsets = [12, 0], sizes = [1, 1024], strides = [1, 1]} : vector<64x1024xf32> to vector<1x1024xf32>
    %slice3A_1500 = vector.extract_strided_slice %select_n3A_1497 {offsets = [12, 0], sizes = [1, 1024], strides = [1, 1]} : vector<64x1024xf32> to vector<1x1024xf32>
    %slice3A_1501 = vector.extract_strided_slice %select_n3A_1498 {offsets = [12, 0], sizes = [1, 1024], strides = [1, 1]} : vector<64x1024xf32> to vector<1x1024xf32>
    %slice3A_1502 = vector.extract_strided_slice %select_n3A_1496 {offsets = [13, 0], sizes = [1, 1024], strides = [1, 1]} : vector<64x1024xf32> to vector<1x1024xf32>
    %sub3A_1503 = arith.subf %slice3A_1502, %slice3A_1499 : vector<1x1024xf32>
    %slice3A_1504 = vector.extract_strided_slice %select_n3A_1497 {offsets = [13, 0], sizes = [1, 1024], strides = [1, 1]} : vector<64x1024xf32> to vector<1x1024xf32>
    %sub3A_1505 = arith.subf %slice3A_1504, %slice3A_1500 : vector<1x1024xf32>
    %slice3A_1506 = vector.extract_strided_slice %select_n3A_1498 {offsets = [13, 0], sizes = [1, 1024], strides = [1, 1]} : vector<64x1024xf32> to vector<1x1024xf32>
    %sub3A_1507 = arith.subf %slice3A_1506, %slice3A_1501 : vector<1x1024xf32>
    %mul3A_1508 = arith.mulf %sub3A_1503, %sub3A_1503 : vector<1x1024xf32>
    %mul3A_1509 = arith.mulf %sub3A_1505, %sub3A_1505 : vector<1x1024xf32>
    %add3A_1510 = arith.addf %mul3A_1508, %mul3A_1509 : vector<1x1024xf32>
    %mul3A_1511 = arith.mulf %sub3A_1507, %sub3A_1507 : vector<1x1024xf32>
    %add3A_1512 = arith.addf %add3A_1510, %mul3A_1511 : vector<1x1024xf32>
    %sqrt3A_1513 = math.sqrt %add3A_1512 : vector<1x1024xf32>
    %max3A_1514 = arith.constant 9.99999996E-13 : f32
    %max3A_1515 = vector.broadcast %max3A_1514 : f32 to vector<1x1024xf32>
    %max3A_1516 = arith.maximumf %sqrt3A_1513, %max3A_1515 : vector<1x1024xf32>
    %div3A_1517 = arith.divf %sub3A_1503, %max3A_1516 : vector<1x1024xf32>
    %div3A_1518 = arith.divf %sub3A_1505, %max3A_1516 : vector<1x1024xf32>
    %div3A_1519 = arith.divf %sub3A_1507, %max3A_1516 : vector<1x1024xf32>
    %slice3A_1520 = vector.extract_strided_slice %sin3A {offsets = [12, 0], sizes = [1, 1024], strides = [1, 1]} : vector<16x1024xf32> to vector<1x1024xf32>
    %slice3A_1521 = vector.extract_strided_slice %cos3A {offsets = [12, 0], sizes = [1, 1024], strides = [1, 1]} : vector<16x1024xf32> to vector<1x1024xf32>
    %sub3A_1522 = arith.constant 1.000000e+00 : f32
    %sub3A_1523 = vector.broadcast %sub3A_1522 : f32 to vector<1x1024xf32>
    %sub3A_1524 = arith.subf %sub3A_1523, %slice3A_1521 : vector<1x1024xf32>
    %mul3A_1525 = arith.mulf %div3A_1517, %div3A_1517 : vector<1x1024xf32>
    %mul3A_1526 = arith.mulf %mul3A_1525, %sub3A_1524 : vector<1x1024xf32>
    %add3A_1527 = arith.addf %slice3A_1521, %mul3A_1526 : vector<1x1024xf32>
    %convert_element_type3A_1528 = arith.truncf %add3A_1527 : vector<1x1024xf32> to vector<1x1024xbf16>
    %convert_element_type3A_1529 = arith.extf %convert_element_type3A_1528 : vector<1x1024xbf16> to vector<1x1024xf32>
    %mul3A_1530 = arith.mulf %div3A_1517, %div3A_1518 : vector<1x1024xf32>
    %mul3A_1531 = arith.mulf %mul3A_1530, %sub3A_1524 : vector<1x1024xf32>
    %mul3A_1532 = arith.mulf %div3A_1519, %slice3A_1520 : vector<1x1024xf32>
    %sub3A_1533 = arith.subf %mul3A_1531, %mul3A_1532 : vector<1x1024xf32>
    %convert_element_type3A_1534 = arith.truncf %sub3A_1533 : vector<1x1024xf32> to vector<1x1024xbf16>
    %convert_element_type3A_1535 = arith.extf %convert_element_type3A_1534 : vector<1x1024xbf16> to vector<1x1024xf32>
    %mul3A_1536 = arith.mulf %div3A_1517, %div3A_1519 : vector<1x1024xf32>
    %mul3A_1537 = arith.mulf %mul3A_1536, %sub3A_1524 : vector<1x1024xf32>
    %mul3A_1538 = arith.mulf %div3A_1518, %slice3A_1520 : vector<1x1024xf32>
    %add3A_1539 = arith.addf %mul3A_1537, %mul3A_1538 : vector<1x1024xf32>
    %convert_element_type3A_1540 = arith.truncf %add3A_1539 : vector<1x1024xf32> to vector<1x1024xbf16>
    %convert_element_type3A_1541 = arith.extf %convert_element_type3A_1540 : vector<1x1024xbf16> to vector<1x1024xf32>
    %mul3A_1542 = arith.mulf %div3A_1517, %div3A_1518 : vector<1x1024xf32>
    %mul3A_1543 = arith.mulf %mul3A_1542, %sub3A_1524 : vector<1x1024xf32>
    %mul3A_1544 = arith.mulf %div3A_1519, %slice3A_1520 : vector<1x1024xf32>
    %add3A_1545 = arith.addf %mul3A_1543, %mul3A_1544 : vector<1x1024xf32>
    %convert_element_type3A_1546 = arith.truncf %add3A_1545 : vector<1x1024xf32> to vector<1x1024xbf16>
    %convert_element_type3A_1547 = arith.extf %convert_element_type3A_1546 : vector<1x1024xbf16> to vector<1x1024xf32>
    %mul3A_1548 = arith.mulf %div3A_1518, %div3A_1518 : vector<1x1024xf32>
    %mul3A_1549 = arith.mulf %mul3A_1548, %sub3A_1524 : vector<1x1024xf32>
    %add3A_1550 = arith.addf %slice3A_1521, %mul3A_1549 : vector<1x1024xf32>
    %convert_element_type3A_1551 = arith.truncf %add3A_1550 : vector<1x1024xf32> to vector<1x1024xbf16>
    %convert_element_type3A_1552 = arith.extf %convert_element_type3A_1551 : vector<1x1024xbf16> to vector<1x1024xf32>
    %mul3A_1553 = arith.mulf %div3A_1518, %div3A_1519 : vector<1x1024xf32>
    %mul3A_1554 = arith.mulf %mul3A_1553, %sub3A_1524 : vector<1x1024xf32>
    %mul3A_1555 = arith.mulf %div3A_1517, %slice3A_1520 : vector<1x1024xf32>
    %sub3A_1556 = arith.subf %mul3A_1554, %mul3A_1555 : vector<1x1024xf32>
    %convert_element_type3A_1557 = arith.truncf %sub3A_1556 : vector<1x1024xf32> to vector<1x1024xbf16>
    %convert_element_type3A_1558 = arith.extf %convert_element_type3A_1557 : vector<1x1024xbf16> to vector<1x1024xf32>
    %mul3A_1559 = arith.mulf %div3A_1517, %div3A_1519 : vector<1x1024xf32>
    %mul3A_1560 = arith.mulf %mul3A_1559, %sub3A_1524 : vector<1x1024xf32>
    %mul3A_1561 = arith.mulf %div3A_1518, %slice3A_1520 : vector<1x1024xf32>
    %sub3A_1562 = arith.subf %mul3A_1560, %mul3A_1561 : vector<1x1024xf32>
    %convert_element_type3A_1563 = arith.truncf %sub3A_1562 : vector<1x1024xf32> to vector<1x1024xbf16>
    %convert_element_type3A_1564 = arith.extf %convert_element_type3A_1563 : vector<1x1024xbf16> to vector<1x1024xf32>
    %mul3A_1565 = arith.mulf %div3A_1518, %div3A_1519 : vector<1x1024xf32>
    %mul3A_1566 = arith.mulf %mul3A_1565, %sub3A_1524 : vector<1x1024xf32>
    %mul3A_1567 = arith.mulf %div3A_1517, %slice3A_1520 : vector<1x1024xf32>
    %add3A_1568 = arith.addf %mul3A_1566, %mul3A_1567 : vector<1x1024xf32>
    %convert_element_type3A_1569 = arith.truncf %add3A_1568 : vector<1x1024xf32> to vector<1x1024xbf16>
    %convert_element_type3A_1570 = arith.extf %convert_element_type3A_1569 : vector<1x1024xbf16> to vector<1x1024xf32>
    %mul3A_1571 = arith.mulf %div3A_1519, %div3A_1519 : vector<1x1024xf32>
    %mul3A_1572 = arith.mulf %mul3A_1571, %sub3A_1524 : vector<1x1024xf32>
    %add3A_1573 = arith.addf %slice3A_1521, %mul3A_1572 : vector<1x1024xf32>
    %convert_element_type3A_1574 = arith.truncf %add3A_1573 : vector<1x1024xf32> to vector<1x1024xbf16>
    %convert_element_type3A_1575 = arith.extf %convert_element_type3A_1574 : vector<1x1024xbf16> to vector<1x1024xf32>
    %sub3A_1576 = vector.broadcast %slice3A_1499 : vector<1x1024xf32> to vector<64x1024xf32>
    %sub3A_1577 = arith.subf %select_n3A_1496, %sub3A_1576 : vector<64x1024xf32>
    %convert_element_type3A_1578 = arith.truncf %sub3A_1577 : vector<64x1024xf32> to vector<64x1024xbf16>
    %convert_element_type3A_1579 = arith.extf %convert_element_type3A_1578 : vector<64x1024xbf16> to vector<64x1024xf32>
    %sub3A_1580 = vector.broadcast %slice3A_1500 : vector<1x1024xf32> to vector<64x1024xf32>
    %sub3A_1581 = arith.subf %select_n3A_1497, %sub3A_1580 : vector<64x1024xf32>
    %convert_element_type3A_1582 = arith.truncf %sub3A_1581 : vector<64x1024xf32> to vector<64x1024xbf16>
    %convert_element_type3A_1583 = arith.extf %convert_element_type3A_1582 : vector<64x1024xbf16> to vector<64x1024xf32>
    %sub3A_1584 = vector.broadcast %slice3A_1501 : vector<1x1024xf32> to vector<64x1024xf32>
    %sub3A_1585 = arith.subf %select_n3A_1498, %sub3A_1584 : vector<64x1024xf32>
    %convert_element_type3A_1586 = arith.truncf %sub3A_1585 : vector<64x1024xf32> to vector<64x1024xbf16>
    %convert_element_type3A_1587 = arith.extf %convert_element_type3A_1586 : vector<64x1024xbf16> to vector<64x1024xf32>
    %mul3A_1588 = vector.broadcast %convert_element_type3A_1529 : vector<1x1024xf32> to vector<64x1024xf32>
    %mul3A_1589 = arith.mulf %convert_element_type3A_1579, %mul3A_1588 : vector<64x1024xf32>
    %mul3A_1590 = vector.broadcast %convert_element_type3A_1535 : vector<1x1024xf32> to vector<64x1024xf32>
    %mul3A_1591 = arith.mulf %convert_element_type3A_1583, %mul3A_1590 : vector<64x1024xf32>
    %add3A_1592 = arith.addf %mul3A_1589, %mul3A_1591 : vector<64x1024xf32>
    %mul3A_1593 = vector.broadcast %convert_element_type3A_1541 : vector<1x1024xf32> to vector<64x1024xf32>
    %mul3A_1594 = arith.mulf %convert_element_type3A_1587, %mul3A_1593 : vector<64x1024xf32>
    %add3A_1595 = arith.addf %add3A_1592, %mul3A_1594 : vector<64x1024xf32>
    %add3A_1596 = vector.broadcast %slice3A_1499 : vector<1x1024xf32> to vector<64x1024xf32>
    %add3A_1597 = arith.addf %add3A_1595, %add3A_1596 : vector<64x1024xf32>
    %mul3A_1598 = vector.broadcast %convert_element_type3A_1547 : vector<1x1024xf32> to vector<64x1024xf32>
    %mul3A_1599 = arith.mulf %convert_element_type3A_1579, %mul3A_1598 : vector<64x1024xf32>
    %mul3A_1600 = vector.broadcast %convert_element_type3A_1552 : vector<1x1024xf32> to vector<64x1024xf32>
    %mul3A_1601 = arith.mulf %convert_element_type3A_1583, %mul3A_1600 : vector<64x1024xf32>
    %add3A_1602 = arith.addf %mul3A_1599, %mul3A_1601 : vector<64x1024xf32>
    %mul3A_1603 = vector.broadcast %convert_element_type3A_1558 : vector<1x1024xf32> to vector<64x1024xf32>
    %mul3A_1604 = arith.mulf %convert_element_type3A_1587, %mul3A_1603 : vector<64x1024xf32>
    %add3A_1605 = arith.addf %add3A_1602, %mul3A_1604 : vector<64x1024xf32>
    %add3A_1606 = vector.broadcast %slice3A_1500 : vector<1x1024xf32> to vector<64x1024xf32>
    %add3A_1607 = arith.addf %add3A_1605, %add3A_1606 : vector<64x1024xf32>
    %mul3A_1608 = vector.broadcast %convert_element_type3A_1564 : vector<1x1024xf32> to vector<64x1024xf32>
    %mul3A_1609 = arith.mulf %convert_element_type3A_1579, %mul3A_1608 : vector<64x1024xf32>
    %mul3A_1610 = vector.broadcast %convert_element_type3A_1570 : vector<1x1024xf32> to vector<64x1024xf32>
    %mul3A_1611 = arith.mulf %convert_element_type3A_1583, %mul3A_1610 : vector<64x1024xf32>
    %add3A_1612 = arith.addf %mul3A_1609, %mul3A_1611 : vector<64x1024xf32>
    %mul3A_1613 = vector.broadcast %convert_element_type3A_1575 : vector<1x1024xf32> to vector<64x1024xf32>
    %mul3A_1614 = arith.mulf %convert_element_type3A_1587, %mul3A_1613 : vector<64x1024xf32>
    %add3A_1615 = arith.addf %add3A_1612, %mul3A_1614 : vector<64x1024xf32>
    %add3A_1616 = vector.broadcast %slice3A_1501 : vector<1x1024xf32> to vector<64x1024xf32>
    %add3A_1617 = arith.addf %add3A_1615, %add3A_1616 : vector<64x1024xf32>
    %ge3A_1618 = arith.constant 14 : i32
    %ge3A_1619 = vector.broadcast %ge3A_1618 : i32 to vector<64x1024xi32>
    %ge3A_1620 = arith.cmpi sge, %iota3A, %ge3A_1619 : vector<64x1024xi32>
    %select_n3A_1621 = arith.select %ge3A_1620, %add3A_1597, %select_n3A_1496 : vector<64x1024xi1>, vector<64x1024xf32>
    %select_n3A_1622 = arith.select %ge3A_1620, %add3A_1607, %select_n3A_1497 : vector<64x1024xi1>, vector<64x1024xf32>
    %select_n3A_1623 = arith.select %ge3A_1620, %add3A_1617, %select_n3A_1498 : vector<64x1024xi1>, vector<64x1024xf32>
    %slice3A_1624 = vector.extract_strided_slice %select_n3A_1621 {offsets = [13, 0], sizes = [1, 1024], strides = [1, 1]} : vector<64x1024xf32> to vector<1x1024xf32>
    %slice3A_1625 = vector.extract_strided_slice %select_n3A_1622 {offsets = [13, 0], sizes = [1, 1024], strides = [1, 1]} : vector<64x1024xf32> to vector<1x1024xf32>
    %slice3A_1626 = vector.extract_strided_slice %select_n3A_1623 {offsets = [13, 0], sizes = [1, 1024], strides = [1, 1]} : vector<64x1024xf32> to vector<1x1024xf32>
    %slice3A_1627 = vector.extract_strided_slice %select_n3A_1621 {offsets = [14, 0], sizes = [1, 1024], strides = [1, 1]} : vector<64x1024xf32> to vector<1x1024xf32>
    %sub3A_1628 = arith.subf %slice3A_1627, %slice3A_1624 : vector<1x1024xf32>
    %slice3A_1629 = vector.extract_strided_slice %select_n3A_1622 {offsets = [14, 0], sizes = [1, 1024], strides = [1, 1]} : vector<64x1024xf32> to vector<1x1024xf32>
    %sub3A_1630 = arith.subf %slice3A_1629, %slice3A_1625 : vector<1x1024xf32>
    %slice3A_1631 = vector.extract_strided_slice %select_n3A_1623 {offsets = [14, 0], sizes = [1, 1024], strides = [1, 1]} : vector<64x1024xf32> to vector<1x1024xf32>
    %sub3A_1632 = arith.subf %slice3A_1631, %slice3A_1626 : vector<1x1024xf32>
    %mul3A_1633 = arith.mulf %sub3A_1628, %sub3A_1628 : vector<1x1024xf32>
    %mul3A_1634 = arith.mulf %sub3A_1630, %sub3A_1630 : vector<1x1024xf32>
    %add3A_1635 = arith.addf %mul3A_1633, %mul3A_1634 : vector<1x1024xf32>
    %mul3A_1636 = arith.mulf %sub3A_1632, %sub3A_1632 : vector<1x1024xf32>
    %add3A_1637 = arith.addf %add3A_1635, %mul3A_1636 : vector<1x1024xf32>
    %sqrt3A_1638 = math.sqrt %add3A_1637 : vector<1x1024xf32>
    %max3A_1639 = arith.constant 9.99999996E-13 : f32
    %max3A_1640 = vector.broadcast %max3A_1639 : f32 to vector<1x1024xf32>
    %max3A_1641 = arith.maximumf %sqrt3A_1638, %max3A_1640 : vector<1x1024xf32>
    %div3A_1642 = arith.divf %sub3A_1628, %max3A_1641 : vector<1x1024xf32>
    %div3A_1643 = arith.divf %sub3A_1630, %max3A_1641 : vector<1x1024xf32>
    %div3A_1644 = arith.divf %sub3A_1632, %max3A_1641 : vector<1x1024xf32>
    %slice3A_1645 = vector.extract_strided_slice %sin3A {offsets = [13, 0], sizes = [1, 1024], strides = [1, 1]} : vector<16x1024xf32> to vector<1x1024xf32>
    %slice3A_1646 = vector.extract_strided_slice %cos3A {offsets = [13, 0], sizes = [1, 1024], strides = [1, 1]} : vector<16x1024xf32> to vector<1x1024xf32>
    %sub3A_1647 = arith.constant 1.000000e+00 : f32
    %sub3A_1648 = vector.broadcast %sub3A_1647 : f32 to vector<1x1024xf32>
    %sub3A_1649 = arith.subf %sub3A_1648, %slice3A_1646 : vector<1x1024xf32>
    %mul3A_1650 = arith.mulf %div3A_1642, %div3A_1642 : vector<1x1024xf32>
    %mul3A_1651 = arith.mulf %mul3A_1650, %sub3A_1649 : vector<1x1024xf32>
    %add3A_1652 = arith.addf %slice3A_1646, %mul3A_1651 : vector<1x1024xf32>
    %convert_element_type3A_1653 = arith.truncf %add3A_1652 : vector<1x1024xf32> to vector<1x1024xbf16>
    %convert_element_type3A_1654 = arith.extf %convert_element_type3A_1653 : vector<1x1024xbf16> to vector<1x1024xf32>
    %mul3A_1655 = arith.mulf %div3A_1642, %div3A_1643 : vector<1x1024xf32>
    %mul3A_1656 = arith.mulf %mul3A_1655, %sub3A_1649 : vector<1x1024xf32>
    %mul3A_1657 = arith.mulf %div3A_1644, %slice3A_1645 : vector<1x1024xf32>
    %sub3A_1658 = arith.subf %mul3A_1656, %mul3A_1657 : vector<1x1024xf32>
    %convert_element_type3A_1659 = arith.truncf %sub3A_1658 : vector<1x1024xf32> to vector<1x1024xbf16>
    %convert_element_type3A_1660 = arith.extf %convert_element_type3A_1659 : vector<1x1024xbf16> to vector<1x1024xf32>
    %mul3A_1661 = arith.mulf %div3A_1642, %div3A_1644 : vector<1x1024xf32>
    %mul3A_1662 = arith.mulf %mul3A_1661, %sub3A_1649 : vector<1x1024xf32>
    %mul3A_1663 = arith.mulf %div3A_1643, %slice3A_1645 : vector<1x1024xf32>
    %add3A_1664 = arith.addf %mul3A_1662, %mul3A_1663 : vector<1x1024xf32>
    %convert_element_type3A_1665 = arith.truncf %add3A_1664 : vector<1x1024xf32> to vector<1x1024xbf16>
    %convert_element_type3A_1666 = arith.extf %convert_element_type3A_1665 : vector<1x1024xbf16> to vector<1x1024xf32>
    %mul3A_1667 = arith.mulf %div3A_1642, %div3A_1643 : vector<1x1024xf32>
    %mul3A_1668 = arith.mulf %mul3A_1667, %sub3A_1649 : vector<1x1024xf32>
    %mul3A_1669 = arith.mulf %div3A_1644, %slice3A_1645 : vector<1x1024xf32>
    %add3A_1670 = arith.addf %mul3A_1668, %mul3A_1669 : vector<1x1024xf32>
    %convert_element_type3A_1671 = arith.truncf %add3A_1670 : vector<1x1024xf32> to vector<1x1024xbf16>
    %convert_element_type3A_1672 = arith.extf %convert_element_type3A_1671 : vector<1x1024xbf16> to vector<1x1024xf32>
    %mul3A_1673 = arith.mulf %div3A_1643, %div3A_1643 : vector<1x1024xf32>
    %mul3A_1674 = arith.mulf %mul3A_1673, %sub3A_1649 : vector<1x1024xf32>
    %add3A_1675 = arith.addf %slice3A_1646, %mul3A_1674 : vector<1x1024xf32>
    %convert_element_type3A_1676 = arith.truncf %add3A_1675 : vector<1x1024xf32> to vector<1x1024xbf16>
    %convert_element_type3A_1677 = arith.extf %convert_element_type3A_1676 : vector<1x1024xbf16> to vector<1x1024xf32>
    %mul3A_1678 = arith.mulf %div3A_1643, %div3A_1644 : vector<1x1024xf32>
    %mul3A_1679 = arith.mulf %mul3A_1678, %sub3A_1649 : vector<1x1024xf32>
    %mul3A_1680 = arith.mulf %div3A_1642, %slice3A_1645 : vector<1x1024xf32>
    %sub3A_1681 = arith.subf %mul3A_1679, %mul3A_1680 : vector<1x1024xf32>
    %convert_element_type3A_1682 = arith.truncf %sub3A_1681 : vector<1x1024xf32> to vector<1x1024xbf16>
    %convert_element_type3A_1683 = arith.extf %convert_element_type3A_1682 : vector<1x1024xbf16> to vector<1x1024xf32>
    %mul3A_1684 = arith.mulf %div3A_1642, %div3A_1644 : vector<1x1024xf32>
    %mul3A_1685 = arith.mulf %mul3A_1684, %sub3A_1649 : vector<1x1024xf32>
    %mul3A_1686 = arith.mulf %div3A_1643, %slice3A_1645 : vector<1x1024xf32>
    %sub3A_1687 = arith.subf %mul3A_1685, %mul3A_1686 : vector<1x1024xf32>
    %convert_element_type3A_1688 = arith.truncf %sub3A_1687 : vector<1x1024xf32> to vector<1x1024xbf16>
    %convert_element_type3A_1689 = arith.extf %convert_element_type3A_1688 : vector<1x1024xbf16> to vector<1x1024xf32>
    %mul3A_1690 = arith.mulf %div3A_1643, %div3A_1644 : vector<1x1024xf32>
    %mul3A_1691 = arith.mulf %mul3A_1690, %sub3A_1649 : vector<1x1024xf32>
    %mul3A_1692 = arith.mulf %div3A_1642, %slice3A_1645 : vector<1x1024xf32>
    %add3A_1693 = arith.addf %mul3A_1691, %mul3A_1692 : vector<1x1024xf32>
    %convert_element_type3A_1694 = arith.truncf %add3A_1693 : vector<1x1024xf32> to vector<1x1024xbf16>
    %convert_element_type3A_1695 = arith.extf %convert_element_type3A_1694 : vector<1x1024xbf16> to vector<1x1024xf32>
    %mul3A_1696 = arith.mulf %div3A_1644, %div3A_1644 : vector<1x1024xf32>
    %mul3A_1697 = arith.mulf %mul3A_1696, %sub3A_1649 : vector<1x1024xf32>
    %add3A_1698 = arith.addf %slice3A_1646, %mul3A_1697 : vector<1x1024xf32>
    %convert_element_type3A_1699 = arith.truncf %add3A_1698 : vector<1x1024xf32> to vector<1x1024xbf16>
    %convert_element_type3A_1700 = arith.extf %convert_element_type3A_1699 : vector<1x1024xbf16> to vector<1x1024xf32>
    %sub3A_1701 = vector.broadcast %slice3A_1624 : vector<1x1024xf32> to vector<64x1024xf32>
    %sub3A_1702 = arith.subf %select_n3A_1621, %sub3A_1701 : vector<64x1024xf32>
    %convert_element_type3A_1703 = arith.truncf %sub3A_1702 : vector<64x1024xf32> to vector<64x1024xbf16>
    %convert_element_type3A_1704 = arith.extf %convert_element_type3A_1703 : vector<64x1024xbf16> to vector<64x1024xf32>
    %sub3A_1705 = vector.broadcast %slice3A_1625 : vector<1x1024xf32> to vector<64x1024xf32>
    %sub3A_1706 = arith.subf %select_n3A_1622, %sub3A_1705 : vector<64x1024xf32>
    %convert_element_type3A_1707 = arith.truncf %sub3A_1706 : vector<64x1024xf32> to vector<64x1024xbf16>
    %convert_element_type3A_1708 = arith.extf %convert_element_type3A_1707 : vector<64x1024xbf16> to vector<64x1024xf32>
    %sub3A_1709 = vector.broadcast %slice3A_1626 : vector<1x1024xf32> to vector<64x1024xf32>
    %sub3A_1710 = arith.subf %select_n3A_1623, %sub3A_1709 : vector<64x1024xf32>
    %convert_element_type3A_1711 = arith.truncf %sub3A_1710 : vector<64x1024xf32> to vector<64x1024xbf16>
    %convert_element_type3A_1712 = arith.extf %convert_element_type3A_1711 : vector<64x1024xbf16> to vector<64x1024xf32>
    %mul3A_1713 = vector.broadcast %convert_element_type3A_1654 : vector<1x1024xf32> to vector<64x1024xf32>
    %mul3A_1714 = arith.mulf %convert_element_type3A_1704, %mul3A_1713 : vector<64x1024xf32>
    %mul3A_1715 = vector.broadcast %convert_element_type3A_1660 : vector<1x1024xf32> to vector<64x1024xf32>
    %mul3A_1716 = arith.mulf %convert_element_type3A_1708, %mul3A_1715 : vector<64x1024xf32>
    %add3A_1717 = arith.addf %mul3A_1714, %mul3A_1716 : vector<64x1024xf32>
    %mul3A_1718 = vector.broadcast %convert_element_type3A_1666 : vector<1x1024xf32> to vector<64x1024xf32>
    %mul3A_1719 = arith.mulf %convert_element_type3A_1712, %mul3A_1718 : vector<64x1024xf32>
    %add3A_1720 = arith.addf %add3A_1717, %mul3A_1719 : vector<64x1024xf32>
    %add3A_1721 = vector.broadcast %slice3A_1624 : vector<1x1024xf32> to vector<64x1024xf32>
    %add3A_1722 = arith.addf %add3A_1720, %add3A_1721 : vector<64x1024xf32>
    %mul3A_1723 = vector.broadcast %convert_element_type3A_1672 : vector<1x1024xf32> to vector<64x1024xf32>
    %mul3A_1724 = arith.mulf %convert_element_type3A_1704, %mul3A_1723 : vector<64x1024xf32>
    %mul3A_1725 = vector.broadcast %convert_element_type3A_1677 : vector<1x1024xf32> to vector<64x1024xf32>
    %mul3A_1726 = arith.mulf %convert_element_type3A_1708, %mul3A_1725 : vector<64x1024xf32>
    %add3A_1727 = arith.addf %mul3A_1724, %mul3A_1726 : vector<64x1024xf32>
    %mul3A_1728 = vector.broadcast %convert_element_type3A_1683 : vector<1x1024xf32> to vector<64x1024xf32>
    %mul3A_1729 = arith.mulf %convert_element_type3A_1712, %mul3A_1728 : vector<64x1024xf32>
    %add3A_1730 = arith.addf %add3A_1727, %mul3A_1729 : vector<64x1024xf32>
    %add3A_1731 = vector.broadcast %slice3A_1625 : vector<1x1024xf32> to vector<64x1024xf32>
    %add3A_1732 = arith.addf %add3A_1730, %add3A_1731 : vector<64x1024xf32>
    %mul3A_1733 = vector.broadcast %convert_element_type3A_1689 : vector<1x1024xf32> to vector<64x1024xf32>
    %mul3A_1734 = arith.mulf %convert_element_type3A_1704, %mul3A_1733 : vector<64x1024xf32>
    %mul3A_1735 = vector.broadcast %convert_element_type3A_1695 : vector<1x1024xf32> to vector<64x1024xf32>
    %mul3A_1736 = arith.mulf %convert_element_type3A_1708, %mul3A_1735 : vector<64x1024xf32>
    %add3A_1737 = arith.addf %mul3A_1734, %mul3A_1736 : vector<64x1024xf32>
    %mul3A_1738 = vector.broadcast %convert_element_type3A_1700 : vector<1x1024xf32> to vector<64x1024xf32>
    %mul3A_1739 = arith.mulf %convert_element_type3A_1712, %mul3A_1738 : vector<64x1024xf32>
    %add3A_1740 = arith.addf %add3A_1737, %mul3A_1739 : vector<64x1024xf32>
    %add3A_1741 = vector.broadcast %slice3A_1626 : vector<1x1024xf32> to vector<64x1024xf32>
    %add3A_1742 = arith.addf %add3A_1740, %add3A_1741 : vector<64x1024xf32>
    %ge3A_1743 = arith.constant 15 : i32
    %ge3A_1744 = vector.broadcast %ge3A_1743 : i32 to vector<64x1024xi32>
    %ge3A_1745 = arith.cmpi sge, %iota3A, %ge3A_1744 : vector<64x1024xi32>
    %select_n3A_1746 = arith.select %ge3A_1745, %add3A_1722, %select_n3A_1621 : vector<64x1024xi1>, vector<64x1024xf32>
    %select_n3A_1747 = arith.select %ge3A_1745, %add3A_1732, %select_n3A_1622 : vector<64x1024xi1>, vector<64x1024xf32>
    %select_n3A_1748 = arith.select %ge3A_1745, %add3A_1742, %select_n3A_1623 : vector<64x1024xi1>, vector<64x1024xf32>
    %slice3A_1749 = vector.extract_strided_slice %select_n3A_1746 {offsets = [14, 0], sizes = [1, 1024], strides = [1, 1]} : vector<64x1024xf32> to vector<1x1024xf32>
    %slice3A_1750 = vector.extract_strided_slice %select_n3A_1747 {offsets = [14, 0], sizes = [1, 1024], strides = [1, 1]} : vector<64x1024xf32> to vector<1x1024xf32>
    %slice3A_1751 = vector.extract_strided_slice %select_n3A_1748 {offsets = [14, 0], sizes = [1, 1024], strides = [1, 1]} : vector<64x1024xf32> to vector<1x1024xf32>
    %slice3A_1752 = vector.extract_strided_slice %select_n3A_1746 {offsets = [15, 0], sizes = [1, 1024], strides = [1, 1]} : vector<64x1024xf32> to vector<1x1024xf32>
    %sub3A_1753 = arith.subf %slice3A_1752, %slice3A_1749 : vector<1x1024xf32>
    %slice3A_1754 = vector.extract_strided_slice %select_n3A_1747 {offsets = [15, 0], sizes = [1, 1024], strides = [1, 1]} : vector<64x1024xf32> to vector<1x1024xf32>
    %sub3A_1755 = arith.subf %slice3A_1754, %slice3A_1750 : vector<1x1024xf32>
    %slice3A_1756 = vector.extract_strided_slice %select_n3A_1748 {offsets = [15, 0], sizes = [1, 1024], strides = [1, 1]} : vector<64x1024xf32> to vector<1x1024xf32>
    %sub3A_1757 = arith.subf %slice3A_1756, %slice3A_1751 : vector<1x1024xf32>
    %mul3A_1758 = arith.mulf %sub3A_1753, %sub3A_1753 : vector<1x1024xf32>
    %mul3A_1759 = arith.mulf %sub3A_1755, %sub3A_1755 : vector<1x1024xf32>
    %add3A_1760 = arith.addf %mul3A_1758, %mul3A_1759 : vector<1x1024xf32>
    %mul3A_1761 = arith.mulf %sub3A_1757, %sub3A_1757 : vector<1x1024xf32>
    %add3A_1762 = arith.addf %add3A_1760, %mul3A_1761 : vector<1x1024xf32>
    %sqrt3A_1763 = math.sqrt %add3A_1762 : vector<1x1024xf32>
    %max3A_1764 = arith.constant 9.99999996E-13 : f32
    %max3A_1765 = vector.broadcast %max3A_1764 : f32 to vector<1x1024xf32>
    %max3A_1766 = arith.maximumf %sqrt3A_1763, %max3A_1765 : vector<1x1024xf32>
    %div3A_1767 = arith.divf %sub3A_1753, %max3A_1766 : vector<1x1024xf32>
    %div3A_1768 = arith.divf %sub3A_1755, %max3A_1766 : vector<1x1024xf32>
    %div3A_1769 = arith.divf %sub3A_1757, %max3A_1766 : vector<1x1024xf32>
    %slice3A_1770 = vector.extract_strided_slice %sin3A {offsets = [14, 0], sizes = [1, 1024], strides = [1, 1]} : vector<16x1024xf32> to vector<1x1024xf32>
    %slice3A_1771 = vector.extract_strided_slice %cos3A {offsets = [14, 0], sizes = [1, 1024], strides = [1, 1]} : vector<16x1024xf32> to vector<1x1024xf32>
    %sub3A_1772 = arith.constant 1.000000e+00 : f32
    %sub3A_1773 = vector.broadcast %sub3A_1772 : f32 to vector<1x1024xf32>
    %sub3A_1774 = arith.subf %sub3A_1773, %slice3A_1771 : vector<1x1024xf32>
    %mul3A_1775 = arith.mulf %div3A_1767, %div3A_1767 : vector<1x1024xf32>
    %mul3A_1776 = arith.mulf %mul3A_1775, %sub3A_1774 : vector<1x1024xf32>
    %add3A_1777 = arith.addf %slice3A_1771, %mul3A_1776 : vector<1x1024xf32>
    %convert_element_type3A_1778 = arith.truncf %add3A_1777 : vector<1x1024xf32> to vector<1x1024xbf16>
    %convert_element_type3A_1779 = arith.extf %convert_element_type3A_1778 : vector<1x1024xbf16> to vector<1x1024xf32>
    %mul3A_1780 = arith.mulf %div3A_1767, %div3A_1768 : vector<1x1024xf32>
    %mul3A_1781 = arith.mulf %mul3A_1780, %sub3A_1774 : vector<1x1024xf32>
    %mul3A_1782 = arith.mulf %div3A_1769, %slice3A_1770 : vector<1x1024xf32>
    %sub3A_1783 = arith.subf %mul3A_1781, %mul3A_1782 : vector<1x1024xf32>
    %convert_element_type3A_1784 = arith.truncf %sub3A_1783 : vector<1x1024xf32> to vector<1x1024xbf16>
    %convert_element_type3A_1785 = arith.extf %convert_element_type3A_1784 : vector<1x1024xbf16> to vector<1x1024xf32>
    %mul3A_1786 = arith.mulf %div3A_1767, %div3A_1769 : vector<1x1024xf32>
    %mul3A_1787 = arith.mulf %mul3A_1786, %sub3A_1774 : vector<1x1024xf32>
    %mul3A_1788 = arith.mulf %div3A_1768, %slice3A_1770 : vector<1x1024xf32>
    %add3A_1789 = arith.addf %mul3A_1787, %mul3A_1788 : vector<1x1024xf32>
    %convert_element_type3A_1790 = arith.truncf %add3A_1789 : vector<1x1024xf32> to vector<1x1024xbf16>
    %convert_element_type3A_1791 = arith.extf %convert_element_type3A_1790 : vector<1x1024xbf16> to vector<1x1024xf32>
    %mul3A_1792 = arith.mulf %div3A_1767, %div3A_1768 : vector<1x1024xf32>
    %mul3A_1793 = arith.mulf %mul3A_1792, %sub3A_1774 : vector<1x1024xf32>
    %mul3A_1794 = arith.mulf %div3A_1769, %slice3A_1770 : vector<1x1024xf32>
    %add3A_1795 = arith.addf %mul3A_1793, %mul3A_1794 : vector<1x1024xf32>
    %convert_element_type3A_1796 = arith.truncf %add3A_1795 : vector<1x1024xf32> to vector<1x1024xbf16>
    %convert_element_type3A_1797 = arith.extf %convert_element_type3A_1796 : vector<1x1024xbf16> to vector<1x1024xf32>
    %mul3A_1798 = arith.mulf %div3A_1768, %div3A_1768 : vector<1x1024xf32>
    %mul3A_1799 = arith.mulf %mul3A_1798, %sub3A_1774 : vector<1x1024xf32>
    %add3A_1800 = arith.addf %slice3A_1771, %mul3A_1799 : vector<1x1024xf32>
    %convert_element_type3A_1801 = arith.truncf %add3A_1800 : vector<1x1024xf32> to vector<1x1024xbf16>
    %convert_element_type3A_1802 = arith.extf %convert_element_type3A_1801 : vector<1x1024xbf16> to vector<1x1024xf32>
    %mul3A_1803 = arith.mulf %div3A_1768, %div3A_1769 : vector<1x1024xf32>
    %mul3A_1804 = arith.mulf %mul3A_1803, %sub3A_1774 : vector<1x1024xf32>
    %mul3A_1805 = arith.mulf %div3A_1767, %slice3A_1770 : vector<1x1024xf32>
    %sub3A_1806 = arith.subf %mul3A_1804, %mul3A_1805 : vector<1x1024xf32>
    %convert_element_type3A_1807 = arith.truncf %sub3A_1806 : vector<1x1024xf32> to vector<1x1024xbf16>
    %convert_element_type3A_1808 = arith.extf %convert_element_type3A_1807 : vector<1x1024xbf16> to vector<1x1024xf32>
    %mul3A_1809 = arith.mulf %div3A_1767, %div3A_1769 : vector<1x1024xf32>
    %mul3A_1810 = arith.mulf %mul3A_1809, %sub3A_1774 : vector<1x1024xf32>
    %mul3A_1811 = arith.mulf %div3A_1768, %slice3A_1770 : vector<1x1024xf32>
    %sub3A_1812 = arith.subf %mul3A_1810, %mul3A_1811 : vector<1x1024xf32>
    %convert_element_type3A_1813 = arith.truncf %sub3A_1812 : vector<1x1024xf32> to vector<1x1024xbf16>
    %convert_element_type3A_1814 = arith.extf %convert_element_type3A_1813 : vector<1x1024xbf16> to vector<1x1024xf32>
    %mul3A_1815 = arith.mulf %div3A_1768, %div3A_1769 : vector<1x1024xf32>
    %mul3A_1816 = arith.mulf %mul3A_1815, %sub3A_1774 : vector<1x1024xf32>
    %mul3A_1817 = arith.mulf %div3A_1767, %slice3A_1770 : vector<1x1024xf32>
    %add3A_1818 = arith.addf %mul3A_1816, %mul3A_1817 : vector<1x1024xf32>
    %convert_element_type3A_1819 = arith.truncf %add3A_1818 : vector<1x1024xf32> to vector<1x1024xbf16>
    %convert_element_type3A_1820 = arith.extf %convert_element_type3A_1819 : vector<1x1024xbf16> to vector<1x1024xf32>
    %mul3A_1821 = arith.mulf %div3A_1769, %div3A_1769 : vector<1x1024xf32>
    %mul3A_1822 = arith.mulf %mul3A_1821, %sub3A_1774 : vector<1x1024xf32>
    %add3A_1823 = arith.addf %slice3A_1771, %mul3A_1822 : vector<1x1024xf32>
    %convert_element_type3A_1824 = arith.truncf %add3A_1823 : vector<1x1024xf32> to vector<1x1024xbf16>
    %convert_element_type3A_1825 = arith.extf %convert_element_type3A_1824 : vector<1x1024xbf16> to vector<1x1024xf32>
    %sub3A_1826 = vector.broadcast %slice3A_1749 : vector<1x1024xf32> to vector<64x1024xf32>
    %sub3A_1827 = arith.subf %select_n3A_1746, %sub3A_1826 : vector<64x1024xf32>
    %convert_element_type3A_1828 = arith.truncf %sub3A_1827 : vector<64x1024xf32> to vector<64x1024xbf16>
    %convert_element_type3A_1829 = arith.extf %convert_element_type3A_1828 : vector<64x1024xbf16> to vector<64x1024xf32>
    %sub3A_1830 = vector.broadcast %slice3A_1750 : vector<1x1024xf32> to vector<64x1024xf32>
    %sub3A_1831 = arith.subf %select_n3A_1747, %sub3A_1830 : vector<64x1024xf32>
    %convert_element_type3A_1832 = arith.truncf %sub3A_1831 : vector<64x1024xf32> to vector<64x1024xbf16>
    %convert_element_type3A_1833 = arith.extf %convert_element_type3A_1832 : vector<64x1024xbf16> to vector<64x1024xf32>
    %sub3A_1834 = vector.broadcast %slice3A_1751 : vector<1x1024xf32> to vector<64x1024xf32>
    %sub3A_1835 = arith.subf %select_n3A_1748, %sub3A_1834 : vector<64x1024xf32>
    %convert_element_type3A_1836 = arith.truncf %sub3A_1835 : vector<64x1024xf32> to vector<64x1024xbf16>
    %convert_element_type3A_1837 = arith.extf %convert_element_type3A_1836 : vector<64x1024xbf16> to vector<64x1024xf32>
    %mul3A_1838 = vector.broadcast %convert_element_type3A_1779 : vector<1x1024xf32> to vector<64x1024xf32>
    %mul3A_1839 = arith.mulf %convert_element_type3A_1829, %mul3A_1838 : vector<64x1024xf32>
    %mul3A_1840 = vector.broadcast %convert_element_type3A_1785 : vector<1x1024xf32> to vector<64x1024xf32>
    %mul3A_1841 = arith.mulf %convert_element_type3A_1833, %mul3A_1840 : vector<64x1024xf32>
    %add3A_1842 = arith.addf %mul3A_1839, %mul3A_1841 : vector<64x1024xf32>
    %mul3A_1843 = vector.broadcast %convert_element_type3A_1791 : vector<1x1024xf32> to vector<64x1024xf32>
    %mul3A_1844 = arith.mulf %convert_element_type3A_1837, %mul3A_1843 : vector<64x1024xf32>
    %add3A_1845 = arith.addf %add3A_1842, %mul3A_1844 : vector<64x1024xf32>
    %add3A_1846 = vector.broadcast %slice3A_1749 : vector<1x1024xf32> to vector<64x1024xf32>
    %add3A_1847 = arith.addf %add3A_1845, %add3A_1846 : vector<64x1024xf32>
    %mul3A_1848 = vector.broadcast %convert_element_type3A_1797 : vector<1x1024xf32> to vector<64x1024xf32>
    %mul3A_1849 = arith.mulf %convert_element_type3A_1829, %mul3A_1848 : vector<64x1024xf32>
    %mul3A_1850 = vector.broadcast %convert_element_type3A_1802 : vector<1x1024xf32> to vector<64x1024xf32>
    %mul3A_1851 = arith.mulf %convert_element_type3A_1833, %mul3A_1850 : vector<64x1024xf32>
    %add3A_1852 = arith.addf %mul3A_1849, %mul3A_1851 : vector<64x1024xf32>
    %mul3A_1853 = vector.broadcast %convert_element_type3A_1808 : vector<1x1024xf32> to vector<64x1024xf32>
    %mul3A_1854 = arith.mulf %convert_element_type3A_1837, %mul3A_1853 : vector<64x1024xf32>
    %add3A_1855 = arith.addf %add3A_1852, %mul3A_1854 : vector<64x1024xf32>
    %add3A_1856 = vector.broadcast %slice3A_1750 : vector<1x1024xf32> to vector<64x1024xf32>
    %add3A_1857 = arith.addf %add3A_1855, %add3A_1856 : vector<64x1024xf32>
    %mul3A_1858 = vector.broadcast %convert_element_type3A_1814 : vector<1x1024xf32> to vector<64x1024xf32>
    %mul3A_1859 = arith.mulf %convert_element_type3A_1829, %mul3A_1858 : vector<64x1024xf32>
    %mul3A_1860 = vector.broadcast %convert_element_type3A_1820 : vector<1x1024xf32> to vector<64x1024xf32>
    %mul3A_1861 = arith.mulf %convert_element_type3A_1833, %mul3A_1860 : vector<64x1024xf32>
    %add3A_1862 = arith.addf %mul3A_1859, %mul3A_1861 : vector<64x1024xf32>
    %mul3A_1863 = vector.broadcast %convert_element_type3A_1825 : vector<1x1024xf32> to vector<64x1024xf32>
    %mul3A_1864 = arith.mulf %convert_element_type3A_1837, %mul3A_1863 : vector<64x1024xf32>
    %add3A_1865 = arith.addf %add3A_1862, %mul3A_1864 : vector<64x1024xf32>
    %add3A_1866 = vector.broadcast %slice3A_1751 : vector<1x1024xf32> to vector<64x1024xf32>
    %add3A_1867 = arith.addf %add3A_1865, %add3A_1866 : vector<64x1024xf32>
    %ge3A_1868 = arith.constant 16 : i32
    %ge3A_1869 = vector.broadcast %ge3A_1868 : i32 to vector<64x1024xi32>
    %ge3A_1870 = arith.cmpi sge, %iota3A, %ge3A_1869 : vector<64x1024xi32>
    %select_n3A_1871 = arith.select %ge3A_1870, %add3A_1847, %select_n3A_1746 : vector<64x1024xi1>, vector<64x1024xf32>
    %select_n3A_1872 = arith.select %ge3A_1870, %add3A_1857, %select_n3A_1747 : vector<64x1024xi1>, vector<64x1024xf32>
    %select_n3A_1873 = arith.select %ge3A_1870, %add3A_1867, %select_n3A_1748 : vector<64x1024xi1>, vector<64x1024xf32>
    %slice3A_1874 = vector.extract_strided_slice %select_n3A_1871 {offsets = [15, 0], sizes = [1, 1024], strides = [1, 1]} : vector<64x1024xf32> to vector<1x1024xf32>
    %slice3A_1875 = vector.extract_strided_slice %select_n3A_1872 {offsets = [15, 0], sizes = [1, 1024], strides = [1, 1]} : vector<64x1024xf32> to vector<1x1024xf32>
    %slice3A_1876 = vector.extract_strided_slice %select_n3A_1873 {offsets = [15, 0], sizes = [1, 1024], strides = [1, 1]} : vector<64x1024xf32> to vector<1x1024xf32>
    %slice3A_1877 = vector.extract_strided_slice %select_n3A_1871 {offsets = [16, 0], sizes = [1, 1024], strides = [1, 1]} : vector<64x1024xf32> to vector<1x1024xf32>
    %sub3A_1878 = arith.subf %slice3A_1877, %slice3A_1874 : vector<1x1024xf32>
    %slice3A_1879 = vector.extract_strided_slice %select_n3A_1872 {offsets = [16, 0], sizes = [1, 1024], strides = [1, 1]} : vector<64x1024xf32> to vector<1x1024xf32>
    %sub3A_1880 = arith.subf %slice3A_1879, %slice3A_1875 : vector<1x1024xf32>
    %slice3A_1881 = vector.extract_strided_slice %select_n3A_1873 {offsets = [16, 0], sizes = [1, 1024], strides = [1, 1]} : vector<64x1024xf32> to vector<1x1024xf32>
    %sub3A_1882 = arith.subf %slice3A_1881, %slice3A_1876 : vector<1x1024xf32>
    %mul3A_1883 = arith.mulf %sub3A_1878, %sub3A_1878 : vector<1x1024xf32>
    %mul3A_1884 = arith.mulf %sub3A_1880, %sub3A_1880 : vector<1x1024xf32>
    %add3A_1885 = arith.addf %mul3A_1883, %mul3A_1884 : vector<1x1024xf32>
    %mul3A_1886 = arith.mulf %sub3A_1882, %sub3A_1882 : vector<1x1024xf32>
    %add3A_1887 = arith.addf %add3A_1885, %mul3A_1886 : vector<1x1024xf32>
    %sqrt3A_1888 = math.sqrt %add3A_1887 : vector<1x1024xf32>
    %max3A_1889 = arith.constant 9.99999996E-13 : f32
    %max3A_1890 = vector.broadcast %max3A_1889 : f32 to vector<1x1024xf32>
    %max3A_1891 = arith.maximumf %sqrt3A_1888, %max3A_1890 : vector<1x1024xf32>
    %div3A_1892 = arith.divf %sub3A_1878, %max3A_1891 : vector<1x1024xf32>
    %div3A_1893 = arith.divf %sub3A_1880, %max3A_1891 : vector<1x1024xf32>
    %div3A_1894 = arith.divf %sub3A_1882, %max3A_1891 : vector<1x1024xf32>
    %slice3A_1895 = vector.extract_strided_slice %sin3A {offsets = [15, 0], sizes = [1, 1024], strides = [1, 1]} : vector<16x1024xf32> to vector<1x1024xf32>
    %slice3A_1896 = vector.extract_strided_slice %cos3A {offsets = [15, 0], sizes = [1, 1024], strides = [1, 1]} : vector<16x1024xf32> to vector<1x1024xf32>
    %sub3A_1897 = arith.constant 1.000000e+00 : f32
    %sub3A_1898 = vector.broadcast %sub3A_1897 : f32 to vector<1x1024xf32>
    %sub3A_1899 = arith.subf %sub3A_1898, %slice3A_1896 : vector<1x1024xf32>
    %mul3A_1900 = arith.mulf %div3A_1892, %div3A_1892 : vector<1x1024xf32>
    %mul3A_1901 = arith.mulf %mul3A_1900, %sub3A_1899 : vector<1x1024xf32>
    %add3A_1902 = arith.addf %slice3A_1896, %mul3A_1901 : vector<1x1024xf32>
    %convert_element_type3A_1903 = arith.truncf %add3A_1902 : vector<1x1024xf32> to vector<1x1024xbf16>
    %convert_element_type3A_1904 = arith.extf %convert_element_type3A_1903 : vector<1x1024xbf16> to vector<1x1024xf32>
    %mul3A_1905 = arith.mulf %div3A_1892, %div3A_1893 : vector<1x1024xf32>
    %mul3A_1906 = arith.mulf %mul3A_1905, %sub3A_1899 : vector<1x1024xf32>
    %mul3A_1907 = arith.mulf %div3A_1894, %slice3A_1895 : vector<1x1024xf32>
    %sub3A_1908 = arith.subf %mul3A_1906, %mul3A_1907 : vector<1x1024xf32>
    %convert_element_type3A_1909 = arith.truncf %sub3A_1908 : vector<1x1024xf32> to vector<1x1024xbf16>
    %convert_element_type3A_1910 = arith.extf %convert_element_type3A_1909 : vector<1x1024xbf16> to vector<1x1024xf32>
    %mul3A_1911 = arith.mulf %div3A_1892, %div3A_1894 : vector<1x1024xf32>
    %mul3A_1912 = arith.mulf %mul3A_1911, %sub3A_1899 : vector<1x1024xf32>
    %mul3A_1913 = arith.mulf %div3A_1893, %slice3A_1895 : vector<1x1024xf32>
    %add3A_1914 = arith.addf %mul3A_1912, %mul3A_1913 : vector<1x1024xf32>
    %convert_element_type3A_1915 = arith.truncf %add3A_1914 : vector<1x1024xf32> to vector<1x1024xbf16>
    %convert_element_type3A_1916 = arith.extf %convert_element_type3A_1915 : vector<1x1024xbf16> to vector<1x1024xf32>
    %mul3A_1917 = arith.mulf %div3A_1892, %div3A_1893 : vector<1x1024xf32>
    %mul3A_1918 = arith.mulf %mul3A_1917, %sub3A_1899 : vector<1x1024xf32>
    %mul3A_1919 = arith.mulf %div3A_1894, %slice3A_1895 : vector<1x1024xf32>
    %add3A_1920 = arith.addf %mul3A_1918, %mul3A_1919 : vector<1x1024xf32>
    %convert_element_type3A_1921 = arith.truncf %add3A_1920 : vector<1x1024xf32> to vector<1x1024xbf16>
    %convert_element_type3A_1922 = arith.extf %convert_element_type3A_1921 : vector<1x1024xbf16> to vector<1x1024xf32>
    %mul3A_1923 = arith.mulf %div3A_1893, %div3A_1893 : vector<1x1024xf32>
    %mul3A_1924 = arith.mulf %mul3A_1923, %sub3A_1899 : vector<1x1024xf32>
    %add3A_1925 = arith.addf %slice3A_1896, %mul3A_1924 : vector<1x1024xf32>
    %convert_element_type3A_1926 = arith.truncf %add3A_1925 : vector<1x1024xf32> to vector<1x1024xbf16>
    %convert_element_type3A_1927 = arith.extf %convert_element_type3A_1926 : vector<1x1024xbf16> to vector<1x1024xf32>
    %mul3A_1928 = arith.mulf %div3A_1893, %div3A_1894 : vector<1x1024xf32>
    %mul3A_1929 = arith.mulf %mul3A_1928, %sub3A_1899 : vector<1x1024xf32>
    %mul3A_1930 = arith.mulf %div3A_1892, %slice3A_1895 : vector<1x1024xf32>
    %sub3A_1931 = arith.subf %mul3A_1929, %mul3A_1930 : vector<1x1024xf32>
    %convert_element_type3A_1932 = arith.truncf %sub3A_1931 : vector<1x1024xf32> to vector<1x1024xbf16>
    %convert_element_type3A_1933 = arith.extf %convert_element_type3A_1932 : vector<1x1024xbf16> to vector<1x1024xf32>
    %mul3A_1934 = arith.mulf %div3A_1892, %div3A_1894 : vector<1x1024xf32>
    %mul3A_1935 = arith.mulf %mul3A_1934, %sub3A_1899 : vector<1x1024xf32>
    %mul3A_1936 = arith.mulf %div3A_1893, %slice3A_1895 : vector<1x1024xf32>
    %sub3A_1937 = arith.subf %mul3A_1935, %mul3A_1936 : vector<1x1024xf32>
    %convert_element_type3A_1938 = arith.truncf %sub3A_1937 : vector<1x1024xf32> to vector<1x1024xbf16>
    %convert_element_type3A_1939 = arith.extf %convert_element_type3A_1938 : vector<1x1024xbf16> to vector<1x1024xf32>
    %mul3A_1940 = arith.mulf %div3A_1893, %div3A_1894 : vector<1x1024xf32>
    %mul3A_1941 = arith.mulf %mul3A_1940, %sub3A_1899 : vector<1x1024xf32>
    %mul3A_1942 = arith.mulf %div3A_1892, %slice3A_1895 : vector<1x1024xf32>
    %add3A_1943 = arith.addf %mul3A_1941, %mul3A_1942 : vector<1x1024xf32>
    %convert_element_type3A_1944 = arith.truncf %add3A_1943 : vector<1x1024xf32> to vector<1x1024xbf16>
    %convert_element_type3A_1945 = arith.extf %convert_element_type3A_1944 : vector<1x1024xbf16> to vector<1x1024xf32>
    %mul3A_1946 = arith.mulf %div3A_1894, %div3A_1894 : vector<1x1024xf32>
    %mul3A_1947 = arith.mulf %mul3A_1946, %sub3A_1899 : vector<1x1024xf32>
    %add3A_1948 = arith.addf %slice3A_1896, %mul3A_1947 : vector<1x1024xf32>
    %convert_element_type3A_1949 = arith.truncf %add3A_1948 : vector<1x1024xf32> to vector<1x1024xbf16>
    %convert_element_type3A_1950 = arith.extf %convert_element_type3A_1949 : vector<1x1024xbf16> to vector<1x1024xf32>
    %sub3A_1951 = vector.broadcast %slice3A_1874 : vector<1x1024xf32> to vector<64x1024xf32>
    %sub3A_1952 = arith.subf %select_n3A_1871, %sub3A_1951 : vector<64x1024xf32>
    %convert_element_type3A_1953 = arith.truncf %sub3A_1952 : vector<64x1024xf32> to vector<64x1024xbf16>
    %convert_element_type3A_1954 = arith.extf %convert_element_type3A_1953 : vector<64x1024xbf16> to vector<64x1024xf32>
    %sub3A_1955 = vector.broadcast %slice3A_1875 : vector<1x1024xf32> to vector<64x1024xf32>
    %sub3A_1956 = arith.subf %select_n3A_1872, %sub3A_1955 : vector<64x1024xf32>
    %convert_element_type3A_1957 = arith.truncf %sub3A_1956 : vector<64x1024xf32> to vector<64x1024xbf16>
    %convert_element_type3A_1958 = arith.extf %convert_element_type3A_1957 : vector<64x1024xbf16> to vector<64x1024xf32>
    %sub3A_1959 = vector.broadcast %slice3A_1876 : vector<1x1024xf32> to vector<64x1024xf32>
    %sub3A_1960 = arith.subf %select_n3A_1873, %sub3A_1959 : vector<64x1024xf32>
    %convert_element_type3A_1961 = arith.truncf %sub3A_1960 : vector<64x1024xf32> to vector<64x1024xbf16>
    %convert_element_type3A_1962 = arith.extf %convert_element_type3A_1961 : vector<64x1024xbf16> to vector<64x1024xf32>
    %mul3A_1963 = vector.broadcast %convert_element_type3A_1904 : vector<1x1024xf32> to vector<64x1024xf32>
    %mul3A_1964 = arith.mulf %convert_element_type3A_1954, %mul3A_1963 : vector<64x1024xf32>
    %mul3A_1965 = vector.broadcast %convert_element_type3A_1910 : vector<1x1024xf32> to vector<64x1024xf32>
    %mul3A_1966 = arith.mulf %convert_element_type3A_1958, %mul3A_1965 : vector<64x1024xf32>
    %add3A_1967 = arith.addf %mul3A_1964, %mul3A_1966 : vector<64x1024xf32>
    %mul3A_1968 = vector.broadcast %convert_element_type3A_1916 : vector<1x1024xf32> to vector<64x1024xf32>
    %mul3A_1969 = arith.mulf %convert_element_type3A_1962, %mul3A_1968 : vector<64x1024xf32>
    %add3A_1970 = arith.addf %add3A_1967, %mul3A_1969 : vector<64x1024xf32>
    %add3A_1971 = vector.broadcast %slice3A_1874 : vector<1x1024xf32> to vector<64x1024xf32>
    %add3A_1972 = arith.addf %add3A_1970, %add3A_1971 : vector<64x1024xf32>
    %mul3A_1973 = vector.broadcast %convert_element_type3A_1922 : vector<1x1024xf32> to vector<64x1024xf32>
    %mul3A_1974 = arith.mulf %convert_element_type3A_1954, %mul3A_1973 : vector<64x1024xf32>
    %mul3A_1975 = vector.broadcast %convert_element_type3A_1927 : vector<1x1024xf32> to vector<64x1024xf32>
    %mul3A_1976 = arith.mulf %convert_element_type3A_1958, %mul3A_1975 : vector<64x1024xf32>
    %add3A_1977 = arith.addf %mul3A_1974, %mul3A_1976 : vector<64x1024xf32>
    %mul3A_1978 = vector.broadcast %convert_element_type3A_1933 : vector<1x1024xf32> to vector<64x1024xf32>
    %mul3A_1979 = arith.mulf %convert_element_type3A_1962, %mul3A_1978 : vector<64x1024xf32>
    %add3A_1980 = arith.addf %add3A_1977, %mul3A_1979 : vector<64x1024xf32>
    %add3A_1981 = vector.broadcast %slice3A_1875 : vector<1x1024xf32> to vector<64x1024xf32>
    %add3A_1982 = arith.addf %add3A_1980, %add3A_1981 : vector<64x1024xf32>
    %mul3A_1983 = vector.broadcast %convert_element_type3A_1939 : vector<1x1024xf32> to vector<64x1024xf32>
    %mul3A_1984 = arith.mulf %convert_element_type3A_1954, %mul3A_1983 : vector<64x1024xf32>
    %mul3A_1985 = vector.broadcast %convert_element_type3A_1945 : vector<1x1024xf32> to vector<64x1024xf32>
    %mul3A_1986 = arith.mulf %convert_element_type3A_1958, %mul3A_1985 : vector<64x1024xf32>
    %add3A_1987 = arith.addf %mul3A_1984, %mul3A_1986 : vector<64x1024xf32>
    %mul3A_1988 = vector.broadcast %convert_element_type3A_1950 : vector<1x1024xf32> to vector<64x1024xf32>
    %mul3A_1989 = arith.mulf %convert_element_type3A_1962, %mul3A_1988 : vector<64x1024xf32>
    %add3A_1990 = arith.addf %add3A_1987, %mul3A_1989 : vector<64x1024xf32>
    %add3A_1991 = vector.broadcast %slice3A_1876 : vector<1x1024xf32> to vector<64x1024xf32>
    %add3A_1992 = arith.addf %add3A_1990, %add3A_1991 : vector<64x1024xf32>
    %ge3A_1993 = arith.constant 17 : i32
    %ge3A_1994 = vector.broadcast %ge3A_1993 : i32 to vector<64x1024xi32>
    %ge3A_1995 = arith.cmpi sge, %iota3A, %ge3A_1994 : vector<64x1024xi32>
    %select_n3A_1996 = arith.select %ge3A_1995, %add3A_1972, %select_n3A_1871 : vector<64x1024xi1>, vector<64x1024xf32>
    %select_n3A_1997 = arith.select %ge3A_1995, %add3A_1982, %select_n3A_1872 : vector<64x1024xi1>, vector<64x1024xf32>
    %select_n3A_1998 = arith.select %ge3A_1995, %add3A_1992, %select_n3A_1873 : vector<64x1024xi1>, vector<64x1024xf32>
    %concatenate3A = tpu.concatenate %select_n3A_1996, %select_n3A_1997, %select_n3A_1998 in 0 : vector<64x1024xf32>, vector<64x1024xf32>, vector<64x1024xf32> -> vector<192x1024xf32>
    %transpose3A_1999 = tpu.transpose %concatenate3A, [1, 0] : vector<192x1024xf32> -> vector<1024x192xf32>
    %swap3A = arith.constant 0 : index
    %swap3A_2000 = arith.constant 0 : index
    %swap3A_2001 = vector.load %arg3[%swap3A, %swap3A_2000] : memref<1024x192xf32, #tpu.memory_space<vmem>>, vector<1024x192xf32>
    tpu.vector_store %arg3[%swap3A, %swap3A_2000], %transpose3A_1999 {strides = array<i32>} : memref<1024x192xf32, #tpu.memory_space<vmem>>, vector<1024x192xf32>,
    return
  }
  func.func @transform_0(%arg0: i32) -> (i32, i32) {
    %c0_i32 = arith.constant 0 : i32
    %c0_i32_0 = arith.constant 0 : i32
    return %arg0, %c0_i32 : i32, i32
  }
  func.func @transform_1(%arg0: i32) -> (i32, i32) {
    %c0_i32 = arith.constant 0 : i32
    %c0_i32_0 = arith.constant 0 : i32
    return %arg0, %c0_i32 : i32, i32
  }
  func.func @transform_2(%arg0: i32) -> (i32, i32) {
    %c0_i32 = arith.constant 0 : i32
    %c0_i32_0 = arith.constant 0 : i32
    return %arg0, %c0_i32 : i32, i32
  }
}

</mosaic_0001>

<sc_bundles>
// kernel: kernel.5.cloned.1.call-start
scs
__scs_entry_jumppad:
0x0: {  	(pc) =	sbr.rel $0x88, $3  }
0x1: {  	(tag) =	ssettag $0x0;
	lr =	simm.s32 $0x1  }
0x2: {  	[smem:$0x3F9F] =	sst lr;
	_ =	strace $0xD0000000  }
0x3: {  	_ = 	snop  }
0x4: {  	_ = 	snop  }
0x5: {  	_ = 	snop  }
0x6: {  	_ = 	snop  }
0x7: {  	_ = 	snop  }
__scs_overlays_trampoline_lowered:
0x8: {  	[smem:$0x3FAE] =	sst s0  }
0x9: {  	[smem:$0x3FAF] =	sst s1  }
0xa: {  	[smem:$0x3FB0] =	sst s2  }
0xb: {  	[smem:$0x3FB1] =	sst s3  }
0xc: {  	[smem:$0x3FB2] =	sst s4  }
0xd: {  	[smem:$0x3FB3] =	sst s5  }
0xe: {  	[smem:$0x3FB4] =	sst s6  }
0xf: {  	[smem:$0x3FB5] =	sst s7  }
0x10: {  	[smem:$0x3FB6] =	sst s8  }
0x11: {  	[smem:$0x3FB7] =	sst s9;
	s0 =	simm.s32 @!p0 $0x0  }
0x12: {  	s1 =	sld [smem:$0x3F9D];
	s0 =	simm.s32 @p0 $0x1  }
0x13: {  	[smem:$0x3FB8] =	sst s0;
	s0 =	simm.s32 @!p1 $0x0  }
0x14: {  	s2 =	sld [smem:$0x3F9C];
	s0 =	simm.s32 @p1 $0x1  }
0x15: {  	[smem:$0x3FB9] =	sst s0;
	s0 =	simm.s32 @!p2 $0x0  }
0x16: {  	s3 =	sld [smem:$0x3FDB];
	s0 =	simm.s32 @p2 $0x1  }
0x17: {  	s4 =	simm.s32 $0x1BF5;
	[smem:$0x3FBB] =	sst s0  }
0x18: {  	s0 =	sld [smem:$0x3F9E];
	_ =	swait.ge [sflag:s4], $0x0  }
0x19: {  	s7 =	sld [smem:$0x3F9F]  }
0x1a: {  	s8 =	sadd.s32 $0xFFFFE003, lr  }
0x1b: {  	s9 =	sadd.s32 $0xFFFFFEF7, lr;
	s5 =	simm.s32 $0xFFFFFFFF;
	p2 =	slt.u32 s8, $0xFFFFF086  }
0x1c: {  	p1 =	slt.u32 s9, $0xF7A;
	s5 =	simm.s32 @!p2 $0x0  }
0x1d: {  	s5 =	simm.s32 @p1 $0x1;
	p0 =	seq.s32 s7, s2  }
0x1e: {  	s7 =	smul.u32 @!p0 $0xF7A, s2;
	p2 =	seq.s32 @!p0 s5, $0x0  }
0x1f: {  	s9 =	smul.u32 $0xF7A, s1;
	s8 =	simm.s32 @!p0 $0x1BF5;
	p2 =	por !p2, p0  }
0x20: {  	[sflag:s8] =	ssyncset.s32 @!p0 $0xFFFFF086;
	s6 =	sadd.s32 @!p0 s3, s7;
	s7 =	simm.s32 @!p0 $0x108  }
0x21: {  	s3 =	sadd.s32 s3, s9;
	s6 =	sadd.s32 @!p0 $0x88, s6;
	s7 =	simm.s32 @p2 $0x1082  }
0x22: {  	[simem:s7], [sflag:s8] =	dma.local @!p0 [hbm:s6], $0xF7A  }
0x23: {  	s9 =	sor.u32 $0xD0000000, s2;
	s6 =	simm.s32 $0x108;
	_ =	swait.ge @!p0 [sflag:s8], $0x0  }
0x24: {  	s3 =	sadd.s32 $0x88, s3;
	s6 =	simm.s32 @!p1 $0x1082;
	[sflag:s4] =	ssyncset.s32 $0xFFFFF086  }
0x25: {  	[simem:s6], [sflag:s4] =	dma.local [hbm:s3], $0xF7A  }
0x26: {  	[smem:$0x3F9F] =	sst s1;
	(tag) =	ssettag s2;
	_ =	strace s9  }
0x27: {  	s1 =	sld [smem:$0x3FAF]  }
0x28: {  	s2 =	sld [smem:$0x3FB0]  }
0x29: {  	s4 =	sld [smem:$0x3FB2]  }
0x2a: {  	p0 =	seq.s32 s5, $0x0;
	s5 =	sld [smem:$0x3FB3]  }
0x2b: {  	s6 =	sld [smem:$0x3FB4]  }
0x2c: {  	s7 =	sld [smem:$0x3FB5]  }
0x2d: {  	s3 =	simm.s32 $0x108;
	s8 =	sld [smem:$0x3FB6]  }
0x2e: {  	s3 =	simm.s32 @!p0 $0x1082;
	s9 =	sld [smem:$0x3FB7]  }
0x2f: {  	lr =	sadd.s32 s0, s3;
	s0 =	sld [smem:$0x3FAE]  }
0x30: {  	s3 =	sld [smem:$0x3FB1]  }
0x31: {  	[smem:$0x3FBA] =	sst s10  }
0x32: {  	s10 =	sld [smem:$0x3FB8];
	_ =	sdelay $0x3  }
0x33: {  	p0 =	seq.s32 s10, $0x1;
	s10 =	sld [smem:$0x3FBA];
	_ =	sdelay $0x3  }
0x34: {  	[smem:$0x3FBA] =	sst s10  }
0x35: {  	s10 =	sld [smem:$0x3FB9];
	_ =	sdelay $0x3  }
0x36: {  	p1 =	seq.s32 s10, $0x1;
	s10 =	sld [smem:$0x3FBA];
	_ =	sdelay $0x3  }
0x37: {  	[smem:$0x3FBA] =	sst s10  }
0x38: {  	s10 =	sld [smem:$0x3FBB]  }
0x39: {  	_ = 	snop;
	(pc) =	sbr.ind lr, $3  }
0x3a: {  	_ = 	snop  }
0x3b: {  	_ = 	snop  }
0x3c: {  	p2 =	seq.s32 s10, $0x1;
	s10 =	sld [smem:$0x3FBA]  }
0x3d: {  	_ =	shalt  }
0x3e: {  	_ =	shalt  }
0x3f: {  	_ =	shalt  }
0x40: {  	_ =	shalt  }
0x41: {  	_ =	shalt  }
0x42: {  	_ =	shalt  }
0x43: {  	_ =	shalt  }
0x44: {  	_ =	shalt  }
0x45: {  	_ =	shalt  }
0x46: {  	_ =	shalt  }
0x47: {  	_ =	shalt  }
0x48: {  	_ =	shalt  }
0x49: {  	_ =	shalt  }
0x4a: {  	_ =	shalt  }
0x4b: {  	_ =	shalt  }
0x4c: {  	_ =	shalt  }
0x4d: {  	_ =	shalt  }
0x4e: {  	_ =	shalt  }
0x4f: {  	_ =	shalt  }
0x50: {  	_ =	shalt  }
0x51: {  	_ =	shalt  }
0x52: {  	_ =	shalt  }
0x53: {  	_ =	shalt  }
0x54: {  	_ =	shalt  }
0x55: {  	_ =	shalt  }
0x56: {  	_ =	shalt  }
0x57: {  	_ =	shalt  }
0x58: {  	_ =	shalt  }
0x59: {  	_ =	shalt  }
0x5a: {  	_ =	shalt  }
0x5b: {  	_ =	shalt  }
0x5c: {  	_ =	shalt  }
0x5d: {  	_ =	shalt  }
0x5e: {  	_ =	shalt  }
0x5f: {  	_ =	shalt  }
0x60: {  	_ =	shalt  }
0x61: {  	_ =	shalt  }
0x62: {  	_ =	shalt  }
0x63: {  	_ =	shalt  }
0x64: {  	_ =	shalt  }
0x65: {  	_ =	shalt  }
0x66: {  	_ =	shalt  }
0x67: {  	_ =	shalt  }
0x68: {  	_ =	shalt  }
0x69: {  	_ =	shalt  }
0x6a: {  	_ =	shalt  }
0x6b: {  	_ =	shalt  }
0x6c: {  	_ =	shalt  }
0x6d: {  	_ =	shalt  }
0x6e: {  	_ =	shalt  }
0x6f: {  	_ =	shalt  }
0x70: {  	_ =	shalt  }
0x71: {  	_ =	shalt  }
0x72: {  	_ =	shalt  }
0x73: {  	_ =	shalt  }
0x74: {  	_ =	shalt  }
0x75: {  	_ =	shalt  }
0x76: {  	_ =	shalt  }
0x77: {  	_ =	shalt  }
0x78: {  	_ =	shalt  }
0x79: {  	_ =	shalt  }
0x7a: {  	_ =	shalt  }
0x7b: {  	_ =	shalt  }
0x7c: {  	_ =	shalt  }
0x7d: {  	_ =	shalt  }
0x7e: {  	_ =	shalt  }
0x7f: {  	_ =	shalt  }
0x80: {  	_ =	shalt  }
0x81: {  	_ =	shalt  }
0x82: {  	_ =	shalt  }
0x83: {  	_ =	shalt  }
0x84: {  	_ =	shalt  }
0x85: {  	_ =	shalt  }
0x86: {  	_ =	shalt  }
0x87: {  	_ =	shalt  }
.Lfunc_end0:
.L_simem_size_0:
called_computation_lowered:
.L_overlay_start_0:
0x88: {  	s2 =	sld [smem:$0x3FD9]  }
0x89: {  	s3 =	sld [smem:$0x3FFE];
	_ =	sdelay $0x1  }
0x8a: {  	s1 =	srdreg.scid  }
0x8b: {  	s0 =	sand.u32 $0x1, s1  }
0x8c: {  	s17 =	sshll.u32 s0, $0xA;
	s2 =	sadd.s32 s3, s2  }
0x8d: {  	s2 =	sadd.s32 s2, s17  }
0x8e: {  	[smem:$0x3FC6] =	sst s2  }
0x8f: {  	_ = 	snop  }
0x90: {  	s2 =	sld [smem:$0x3FD0];
	(tm) =	ssettm $0x1  }
0x91: {  	s18 =	sld [smem:$0x3FFB];
	_ =	sdelay $0x3  }
0x92: {  	_ =	strace s18  }
0x93: {  	s3 =	sld [smem:$0x3FFC];
	_ =	sdelay $0x3  }
0x94: {  	_ =	strace s3  }
0x95: {  	s3 =	sld [smem:$0x3FFD];
	_ =	sdelay $0x3  }
0x96: {  	_ =	strace s3  }
0x97: {  	_ =	strace $0x8FFFFFFF  }
0x98: {  	s19 =	sld [smem:$0x3FDB];
	_ =	sdelay $0x1  }
0x99: {  	s4 =	simm.s32 $_scs_section_size  }
0x9a: {  	s5 =	simm.s32 $_size__tile_overlayer_lowered;
	s6 =	simm.s32 $_tile_overlayer_lowered  }
0x9b: {  	s22 =	simm.s32 $0x1BFF;
	s21 =	sshll.u32 s6, $0x1;
	s3 =	sadd.s32 s4, s19  }
0x9c: {  	s7 =	simm.s32 $0x0;
	s20 =	sshll.u32 s5, $0x1;
	s5 =	sadd.s32 s21, s3  }
0x9d: {  	[timem:s7], [sflag:s22] =	dma.local [hbm:s5], s20  }
0x9e: {  	_ =	swait.ge [sflag:s22], s20  }
0x9f: {  	s4 =	ssub.s32 $0x0, s20;
	[sflag:s22] =	ssyncset.done $0x0  }
0xa0: {  	[sflag:s22] =	ssyncadd.s32 s4;
	_ =	sdelay $0x1  }
0xa1: {  	s23 =	simm.s32 $0x1B8B  }
0xa2: {  	_ =	swait.ge [sflag:s23], $0x1  }
0xa3: {  	[sflag:s23] =	ssyncset.done $0x0  }
0xa4: {  	s25 =	simm.s32 $0x1B8E;
	s24 =	sld [smem:$0x3FFE];
	[sflag:s23] =	ssyncadd.s32 $0xFFFFFFFF  }
0xa5: {  	s26 =	simm.s32 $execute0_lowered;
	[smem:$0x3FD2] =	sst s25  }
0xa6: {  	s5 =	sshll.u32 s26, $0x1;
	_ =	strace $0x80000046;
	[dreg:$0x1] =	wrdreg $0xFFFFFFFF  }
0xa7: {  	s28 =	simm.s32 $_size_execute0_lowered;
	s3 =	sadd.s32 s3, s5;
	[dreg:$0x0] =	wrdreg $0x0  }
0xa8: {  	s5 =	sshll.u32 s28, $0x1;
	[dreg:$0x2] =	wrdreg s3  }
0xa9: {  	[dreg:$0x3] =	wrdreg s5  }
0xaa: {  	[dreg:$0x4] =	wrdreg $0xC0  }
0xab: {  	_ =	task [dreg:s7], $0x5FFFF  }
0xac: {  	[dreg:$0x1] =	wrdreg $0xFFFFFFFF  }
0xad: {  	[dreg:$0x0] =	wrdreg $0x60  }
0xae: {  	[dreg:$0x2] =	wrdreg s2  }
0xaf: {  	[dreg:$0x3] =	wrdreg s24  }
0xb0: {  	[dreg:$0x4] =	wrdreg $0x9  }
0xb1: {  	_ =	task.clear_ibuf [dreg:s7], $0x5FFFF;
	_ =	strace $0x90000046  }
0xb2: {  	s29 =	simm.s32 $0x9;
	_ =	strace $0x80000048  }
0xb3: {  	_ =	swait.ge [sflag:s29], $0x1  }
0xb4: {  	[sflag:s29] =	ssyncadd.s32 $0xFFFFFFFF  }
0xb5: {  	_ =	strace $0x90000048  }
0xb6: {  	_ =	sfence  }
0xb7: {  	s30 =	sld [smem:$0x0];
	_ =	sdelay $0x2  }
0xb8: {  	s31 =	sshll.u32 s1, $0xD;
	s1 =	sshrl.u32 s1, $0x2  }
0xb9: {  	s3 =	sand.u32 $0x4000, s31;
	s1 =	sadd.s32 s1, s30  }
0xba: {  	s0 =	sor.u32 s3, s0;
	s1 =	sshll.u32 s1, $0x11  }
0xbb: {  	s0 =	sor.u32 s1, s0  }
0xbc: {  	s0 =	sadd.s32 $0x8F2B, s0  }
0xbd: {  	[sflag:s0] =	ssyncadd.remote.s32 $0x1  }
0xbe: {  	_ =	sfence.sel $0xFFFF  }
0xbf: {  	[dreg:$0x0] =	wrdreg $0xFFFFFFFF;
	(pc) =	sbr.abs _section_cstart, $3  }
0xc0: {  	[dreg:$0x1] =	wrdreg $0xFFFFFFFF  }
0xc1: {  	_ =	task.clear_ibuf [dreg:s7], $0x2FFFF;
	_ =	strace $0x9FFFFFFF  }
0xc2: {  	(tm) =	ssettm $0x7FFFFFFF  }
0xc3: {  	_ =	shalt  }
tec
execute0_lowered:
.L_overlay_start_1:
0x0: {  	(tag) =	ssettag $0x1  }
0x1: {  	s1 =	rddreg [dreg:$0x0]  }
0x2: {  	s3 =	rddreg [dreg:$0x1]  }
0x3: {  	s0 =	rddreg [dreg:$0x2]  }
0x4: {  	s2 =	simm.s32 $0x0;
	s4 =	srdreg.scid;
	s10 =	simm.s32 $0xD00  }
0x5: {  	s11 =	simm.s32 $0x1;
	s12 =	simm.s32 $0x0;
	[smem:$0x7FF] =	sst s2  }
.Ltmp0:
0x6: {  	s7 =	sand.u32 $0x1, s4;
	s4 =	sadd.s32 $0x1600, s3;
	(pc) =	sbr.rel .LBB2_1-.Ltmp0, $4  }
0x7: {  	s5 =	sadd.s32 $0x2600, s3;
	s6 =	sadd.s32 $0x3600, s3;
	s8 =	ssub.s32 $0x2, s7  }
0x8: {  	v1 =	vlaneseq.u32;
	s3 =	stileid.u32;
	_ =	strace $0x80000047;
	s9 =	sshrl.u32 s8, $0x1  }
0x9: {  	v0 =	vmul.u32 $0xC0, v1;
	s31 =	sshll.u32 s3, $0x7;
	s7 =	sshll.u32 s7, $0x6;
	s8 =	ssub.s32 s8, s9  }
0xa: {  	v1 =	vmul.u32 $0x10, v1;
	s7 =	sor.u32 s7, s31;
	s9 =	simm.s32 $0xC00;
	s8 =	smax.u32 s8, $0x1  }
.LBB2_9:
0xb: {  	s12 =	sadd.s32 $0x1, s12  }
0xc: {  	p0 =	sne.s32 s12, s8  }
.Ltmp1:
0xd: {  	_ = 	snop;
	(pc) =	sbr.rel @!p0 .LBB2_10-.Ltmp1, $1  }
0xe: {  	_ =	sdelay $0x3  }
.LBB2_1:
.Ltmp2:
0xf: {  	(pc) =	sbr.rel .LBB2_2-.Ltmp2, $2  }
0x10: {  	_ =	sdelay $0x2  }
0x11: {  	s13 =	simm.s32 $0x0  }
.LBB2_8:
0x12: {  	s13 =	sadd.s32 $0x1, s13  }
0x13: {  	p0 =	sne.s32 s13, $0x4  }
.Ltmp3:
0x14: {  	s14 =	sadd.s32 s6, s14;
	(pc) =	sbr.rel @!p0 .LBB2_9-.Ltmp3, $4  }
0x15: {  	[hbm4b:s14+s2] =	stream.linear.scatter [tilespmem:s2], [sflag:$0x1], $0xC00, $0x38;
	[tilespmem:$0xE00] =	vst v63  }
0x16: {  	_ =	swait.ge [sflag:s11], $0xC00  }
0x17: {  	[sflag:s11] =	ssyncset.done $0x0  }
0x18: {  	[sflag:s11] =	ssyncadd.s32 $0xFFFFF400  }
.LBB2_2:
0x19: {  	s14 =	sshll.u32 s13, $0x4  }
0x1a: {  	s17 =	sadd.s32 s7, s14  }
0x1b: {  	s14 =	smul.u32 $0x18, s17;
	_ =	sdelay $0x1  }
0x1c: {  	s15 =	simm.s32 $0x0;
	s16 =	sadd.s32 s1, s14  }
0x1d: {  	[tilespmem:s15], [sflag:$0x1] =	stream.linear.gather [hbm4b:s16+s15], $0xC00, $0x38;
	[tilespmem:$0xE00] =	vst v63  }
0x1e: {  	s16 =	simm.s32 $0x1  }
0x1f: {  	_ =	swait.ge [sflag:s16], $0xC00  }
0x20: {  	s17 =	sshll.u32 s17, $0x1;
	[sflag:s16] =	ssyncset.done $0x0  }
0x21: {  	s18 =	sadd.s32 s4, s17;
	[sflag:s16] =	ssyncadd.s32 $0xFFFFF400  }
0x22: {  	[tilespmem:s9], [sflag:$0x1] =	stream.linear.gather [hbm4b:s18+s15], $0x100, $0x38;
	[tilespmem:$0xE00] =	vst v63  }
0x23: {  	_ =	swait.ge [sflag:s16], $0x100  }
0x24: {  	[sflag:s16] =	ssyncset.done $0x0  }
.Ltmp4:
0x25: {  	s17 =	sadd.s32 s5, s17;
	[sflag:s16] =	ssyncadd.s32 $0xFFFFFF00;
	(pc) =	sbr.rel .LBB2_3-.Ltmp4, $4  }
0x26: {  	[tilespmem:s10], [sflag:$0x1] =	stream.linear.gather [hbm4b:s17+s15], $0x100, $0x38;
	[tilespmem:$0xE00] =	vst v63  }
0x27: {  	_ =	swait.ge [sflag:s16], $0x100  }
0x28: {  	s19 =	simm.s32 $0x0;
	[sflag:s16] =	ssyncset.done $0x0  }
0x29: {  	s18 =	simm.s32 $0x3E;
	s17 =	simm.s32 $0x11;
	[sflag:s16] =	ssyncadd.s32 $0xFFFFFF00  }
.LBB2_7:
0x2a: {  	s19 =	sadd.s32 $0x1, s19  }
0x2b: {  	p0 =	sne.s32 s19, $0x10  }
.Ltmp5:
0x2c: {  	_ = 	snop;
	(pc) =	sbr.rel @!p0 .LBB2_8-.Ltmp5, $3  }
0x2d: {  	_ =	sdelay $0x1  }
0x2e: {  	s17 =	sadd.s32 $0x3, s17  }
0x2f: {  	s16 =	sadd.s32 $0x1, s16;
	s18 =	sadd.s32 $0xFFFFFFFF, s18;
	s15 =	sadd.s32 $0x3, s15  }
.LBB2_3:
0x30: {  	s20 =	smul.u32 $0x3, s19;
	_ =	sdelay $0x1  }
0x31: {  	v2 =	vor.u32 s20, v0;
	s21 =	sadd.s32 $0x1, s20  }
0x32: {  	s29 =	sadd.s32 $0x3, s20;
	v3 =	vadd.s32 s21, v0  }
0x33: {  	s30 =	sadd.s32 $0x4, s20;
	v4 =	vadd.s32 s29, v0  }
0x34: {  	s22 =	sadd.s32 $0x2, s20;
	v5 =	vadd.s32 s30, v0  }
0x35: {  	s20 =	sadd.s32 $0x5, s20;
	v6 =	vadd.s32 s22, v0  }
0x36: {  	v7 =	vadd.s32 s20, v0;
	v2 =	vld.idx.msk [tilespmem:v2+s2+$0x0], $0xffff  }
0x37: {  	v3 =	vld.idx.msk [tilespmem:v3+s2+$0x0], $0xffff  }
0x38: {  	v8 =	vld.idx.msk [tilespmem:v4+s2+$0x0], $0xffff  }
0x39: {  	v5 =	vld.idx.msk [tilespmem:v5+s2+$0x0], $0xffff  }
0x3a: {  	v4 =	vld.idx.msk [tilespmem:v6+s2+$0x0], $0xffff  }
0x3b: {  	v6 =	vld.idx.msk [tilespmem:v7+s2+$0x0], $0xffff;
	_ =	sdelay $0x2  }
0x3c: {  	v7 =	vsub.f32 v8, v2;
	v5 =	vsub.f32 v5, v3;
	_ =	sdelay $0x1  }
0x3d: {  	v6 =	vsub.f32 v6, v4;
	v8 =	vmul.f32 v7, v7;
	v9 =	vmul.f32 v5, v5;
	_ =	sdelay $0x1  }
0x3e: {  	v8 =	vadd.f32 v9, v8;
	v9 =	vmul.f32 v6, v6;
	_ =	sdelay $0x1  }
0x3f: {  	v8 =	vadd.f32 v9, v8;
	_ =	sdelay $0x1  }
0x40: {  	v9 =	vmax.f32 v8, $9.999999350e-39  }
0x41: {  	v10 =	vshra.s32 v9, $0x1;
	v9 =	vmul.f32 $5.000000000e-01, v9  }
0x42: {  	v10 =	vsub.s32 $0x5F3759DF, v10  }
0x43: {  	v11 =	vmul.f32 v10, v9;
	_ =	sdelay $0x1  }
0x44: {  	v11 =	vmul.f32 v10, v11;
	_ =	sdelay $0x1  }
0x45: {  	v11 =	vsub.f32 $1.500000000e+00, v11;
	_ =	sdelay $0x1  }
0x46: {  	v10 =	vmul.f32 v10, v11;
	_ =	sdelay $0x1  }
0x47: {  	v11 =	vmul.f32 v10, v9;
	_ =	sdelay $0x1  }
0x48: {  	v11 =	vmul.f32 v11, v10;
	_ =	sdelay $0x1  }
0x49: {  	v11 =	vsub.f32 $1.500000000e+00, v11;
	_ =	sdelay $0x1  }
0x4a: {  	v10 =	vmul.f32 v11, v10;
	_ =	sdelay $0x1  }
0x4b: {  	v9 =	vmul.f32 v10, v9;
	_ =	sdelay $0x1  }
0x4c: {  	v9 =	vmul.f32 v9, v10;
	_ =	sdelay $0x1  }
0x4d: {  	v9 =	vsub.f32 $1.500000000e+00, v9;
	_ =	sdelay $0x1  }
0x4e: {  	v9 =	vmul.f32 v9, v10;
	_ =	sdelay $0x1  }
0x4f: {  	v8 =	vmul.f32 v9, v8;
	_ =	sdelay $0x1  }
0x50: {  	v8 =	vmax.f32 v8, $9.999999960e-13  }
0x51: {  	(erf) = vrcp.f32 v8;
	v8 =	vor.u32 s19, v1;
	_ =	sdelay $0x4  }
0x52: {  	v9 =	vld.idx.msk [tilespmem:v8+s10+$0x0], $0xffff;
	_ =	sdelay $0x2  }
0x53: {  	v8 =	vld.idx.msk [tilespmem:v8+s9+$0x0], $0xffff  }
0x54: {  	v10 =	vpop (erf)  }
0x55: {  	v7 =	vmul.f32 v10, v7;
	v11 =	vsub.f32 $1.000000000e+00, v9;
	v12 =	vmul.f32 v10, v5  }
0x56: {  	v10 =	vmul.f32 v10, v6  }
0x57: {  	v5 =	vmul.f32 v7, v11;
	v13 =	vmul.f32 v12, v11  }
0x58: {  	v15 =	vmul.f32 v10, v8;
	v11 =	vmul.f32 v10, v11  }
0x59: {  	v19 =	vmul.f32 v12, v8;
	v8 =	vmul.f32 v7, v8  }
0x5a: {  	v5 =	vmul.f32 v5, v7;
	v14 =	vmul.f32 v13, v7  }
0x5b: {  	v18 =	vmul.f32 v11, v7;
	v13 =	vmul.f32 v13, v12  }
0x5c: {  	v12 =	vmul.f32 v11, v12;
	v5 =	vadd.f32 v5, v9;
	v6 =	vsub.f32 v14, v15  }
0x5d: {  	v10 =	vmul.f32 v11, v10;
	v59 =	vadd.f32 v18, v19;
	v14 =	vadd.f32 v14, v15  }
0x5e: {  	v13 =	vadd.f32 v13, v9;
	v61 =	vsub.f32 v12, v8  }
0x5f: {  	v12 =	vadd.f32 v12, v8;
	v63 =	vadd.f32 v10, v9;
	v16 =	vshrl.u32 v5, $0x10  }
0x60: {  	v17 =	vshrl.u32 v6, $0x10;
	v60 =	vshrl.u32 v59, $0x10;
	v62 =	vshrl.u32 v61, $0x10  }
0x61: {  	v16 =	vand.u32 $0x1, v16;
	v17 =	vand.u32 $0x1, v17;
	v15 =	vand.u32 $0x1, v60  }
0x62: {  	v5 =	vadd.s32 v16, v5;
	v6 =	vadd.s32 v17, v6;
	v7 =	vadd.s32 v15, v59  }
0x63: {  	v15 =	vshrl.u32 v14, $0x10;
	v5 =	vadd.s32 $0x7FFF, v5;
	v6 =	vadd.s32 $0x7FFF, v6  }
0x64: {  	v7 =	vadd.s32 $0x7FFF, v7;
	v15 =	vand.u32 $0x1, v15;
	v5 =	vand.u32 $0xFFFF0000, v5  }
0x65: {  	v6 =	vand.u32 $0xFFFF0000, v6;
	v14 =	vadd.s32 v15, v14;
	v15 =	vshrl.u32 v13, $0x10  }
0x66: {  	v7 =	vand.u32 $0xFFFF0000, v7;
	v14 =	vadd.s32 $0x7FFF, v14;
	v15 =	vand.u32 $0x1, v15  }
0x67: {  	s31 =	ssub.s32 $0x3E, s19;
	v13 =	vadd.s32 v15, v13;
	v15 =	vand.u32 $0x1, v62;
	v8 =	vand.u32 $0xFFFF0000, v14  }
0x68: {  	s20 =	sand.u32 $0x3C, s31;
	v11 =	vadd.s32 $0x7FFF, v13;
	v13 =	vadd.s32 v15, v61;
	v15 =	vsub.f32 v18, v19  }
0x69: {  	p0 =	seq.s32 s20, $0x0;
	v14 =	vshrl.u32 v63, $0x10;
	v13 =	vadd.s32 $0x7FFF, v13;
	v9 =	vand.u32 $0xFFFF0000, v11  }
.Ltmp6:
0x6a: {  	v10 =	vand.u32 $0xFFFF0000, v13;
	v11 =	vshrl.u32 v15, $0x10;
	v13 =	vshrl.u32 v12, $0x10;
	(pc) =	sbr.rel @p0 .LBB2_4-.Ltmp6, $4  }
0x6b: {  	v14 =	vand.u32 $0x1, v14;
	v11 =	vand.u32 $0x1, v11;
	v13 =	vand.u32 $0x1, v13  }
0x6c: {  	v11 =	vadd.s32 v11, v15;
	v12 =	vadd.s32 v13, v12;
	v13 =	vadd.s32 v14, v63  }
0x6d: {  	s21 =	sadd.s32 $0x2, s19;
	v11 =	vadd.s32 $0x7FFF, v11;
	v12 =	vadd.s32 $0x7FFF, v12;
	v13 =	vadd.s32 $0x7FFF, v13  }
0x6e: {  	s20 =	sadd.s32 s21, s20;
	v11 =	vand.u32 $0xFFFF0000, v11;
	v12 =	vand.u32 $0xFFFF0000, v12;
	v13 =	vand.u32 $0xFFFF0000, v13  }
0x6f: {  	s22 =	sadd.s32 $0xFFFFFFF5, s17;
	v14 =	vadd.s32 s17, v0  }
0x70: {  	s23 =	sadd.s32 $0xFFFFFFF6, s17;
	v16 =	vadd.s32 s22, v0  }
0x71: {  	s24 =	sadd.s32 $0xFFFFFFFD, s17;
	v15 =	vadd.s32 s23, v0  }
0x72: {  	s25 =	sadd.s32 $0xFFFFFFF9, s17;
	v18 =	vadd.s32 s24, v0  }
0x73: {  	s26 =	sadd.s32 $0xFFFFFFFB, s17;
	v23 =	vadd.s32 s25, v0  }
0x74: {  	s28 =	sadd.s32 $0xFFFFFFFF, s17;
	v21 =	vadd.s32 s26, v0;
	v19 =	vld.idx.msk [tilespmem:v14+s2+$0x0], $0xffff  }
0x75: {  	s29 =	sadd.s32 $0xFFFFFFFA, s17;
	v22 =	vadd.s32 s28, v0;
	v24 =	vld.idx.msk [tilespmem:v16+s2+$0x0], $0xffff  }
0x76: {  	s23 =	sadd.s32 $0xFFFFFFF8, s17;
	v17 =	vadd.s32 s29, v0;
	v25 =	vld.idx.msk [tilespmem:v15+s2+$0x0], $0xffff  }
0x77: {  	v20 =	vadd.s32 s23, v0;
	v27 =	vld.idx.msk [tilespmem:v18+s2+$0x0], $0xffff  }
0x78: {  	v31 =	vld.idx.msk [tilespmem:v23+s2+$0x0], $0xffff  }
0x79: {  	v32 =	vld.idx.msk [tilespmem:v21+s2+$0x0], $0xffff  }
0x7a: {  	v36 =	vld.idx.msk [tilespmem:v22+s2+$0x0], $0xffff  }
0x7b: {  	v37 =	vld.idx.msk [tilespmem:v17+s2+$0x0], $0xffff  }
0x7c: {  	v26 =	vld.idx.msk [tilespmem:v20+s2+$0x0], $0xffff  }
0x7d: {  	s24 =	sadd.s32 $0xFFFFFFF7, s17;
	v29 =	vsub.f32 v19, v4  }
0x7e: {  	s30 =	sadd.s32 $0xFFFFFFFC, s17;
	v19 =	vadd.s32 s24, v0;
	v28 =	vsub.f32 v24, v2;
	v30 =	vsub.f32 v25, v3  }
0x7f: {  	s31 =	sadd.s32 $0xFFFFFFFE, s17;
	v25 =	vadd.s32 s30, v0;
	v63 =	vsub.f32 v27, v4;
	v49 =	vsub.f32 v31, v3  }
0x80: {  	v24 =	vadd.s32 s31, v0;
	v32 =	vsub.f32 v32, v2;
	v36 =	vsub.f32 v36, v3  }
0x81: {  	v37 =	vsub.f32 v37, v4;
	v34 =	vshrl.u32 v29, $0x10;
	v38 =	vsub.f32 v26, v2  }
0x82: {  	v33 =	vshrl.u32 v28, $0x10;
	v35 =	vshrl.u32 v30, $0x10;
	v34 =	vand.u32 $0x1, v34  }
0x83: {  	v41 =	vshrl.u32 v32, $0x10;
	v52 =	vshrl.u32 v37, $0x10;
	v44 =	vshrl.u32 v36, $0x10  }
0x84: {  	v33 =	vand.u32 $0x1, v33;
	v50 =	vshrl.u32 v38, $0x10;
	v56 =	vand.u32 $0x1, v44  }
0x85: {  	v26 =	vadd.s32 v33, v28;
	v28 =	vadd.s32 v34, v29;
	v29 =	vand.u32 $0x1, v35  }
0x86: {  	v35 =	vand.u32 $0x1, v50;
	v36 =	vadd.s32 v56, v36;
	v26 =	vadd.s32 $0x7FFF, v26  }
0x87: {  	v42 =	vadd.s32 v29, v30;
	v28 =	vadd.s32 $0x7FFF, v28;
	v35 =	vadd.s32 v35, v38  }
0x88: {  	v29 =	vand.u32 $0x1, v41;
	v30 =	vshrl.u32 v49, $0x10;
	v38 =	vand.u32 $0x1, v52  }
0x89: {  	v36 =	vadd.s32 $0x7FFF, v36;
	v26 =	vand.u32 $0xFFFF0000, v26;
	v29 =	vadd.s32 v29, v32  }
0x8a: {  	v28 =	vand.u32 $0xFFFF0000, v28;
	v43 =	vand.u32 $0x1, v30;
	v42 =	vadd.s32 $0x7FFF, v42  }
0x8b: {  	v39 =	vld.idx.msk [tilespmem:v19+s2+$0x0], $0xffff;
	v35 =	vadd.s32 $0x7FFF, v35;
	v37 =	vadd.s32 v38, v37;
	v36 =	vand.u32 $0xFFFF0000, v36  }
0x8c: {  	v31 =	vld.idx.msk [tilespmem:v25+s2+$0x0], $0xffff;
	v27 =	vmul.f32 v26, v5;
	v40 =	vmul.f32 v26, v11;
	v54 =	vadd.s32 $0x7FFF, v29  }
0x8d: {  	v53 =	vld.idx.msk [tilespmem:v24+s2+$0x0], $0xffff;
	v29 =	vmul.f32 v28, v13;
	v34 =	vadd.s32 v43, v49;
	v35 =	vand.u32 $0xFFFF0000, v35  }
0x8e: {  	v37 =	vadd.s32 $0x7FFF, v37;
	v33 =	vmul.f32 v36, v12;
	v42 =	vand.u32 $0xFFFF0000, v42  }
0x8f: {  	v44 =	vmul.f32 v35, v11;
	v57 =	vmul.f32 v35, v5;
	v34 =	vadd.s32 $0x7FFF, v34  }
0x90: {  	v35 =	vmul.f32 v35, v8;
	v52 =	vmul.f32 v42, v12;
	v45 =	vsub.f32 v39, v4  }
0x91: {  	v39 =	vand.u32 $0xFFFF0000, v54;
	v54 =	vmul.f32 v36, v6;
	v51 =	vsub.f32 v31, v3  }
0x92: {  	v31 =	vshrl.u32 v63, $0x10;
	v50 =	vmul.f32 v39, v8;
	v41 =	vsub.f32 v53, v2  }
0x93: {  	v48 =	vmul.f32 v39, v11;
	v47 =	vand.u32 $0x1, v31;
	v31 =	vmul.f32 v39, v5  }
0x94: {  	v49 =	vshrl.u32 v45, $0x10;
	v30 =	vshrl.u32 v51, $0x10;
	v55 =	vshrl.u32 v41, $0x10  }
0x95: {  	v59 =	vadd.s32 v47, v63;
	v47 =	vand.u32 $0xFFFF0000, v34;
	v34 =	vmul.f32 v36, v9  }
0x96: {  	v46 =	vand.u32 $0x1, v30;
	v30 =	vmul.f32 v28, v10;
	v28 =	vmul.f32 v28, v7  }
0x97: {  	v58 =	vand.u32 $0x1, v55;
	v61 =	vmul.f32 v47, v6;
	v62 =	vadd.s32 $0x7FFF, v59  }
0x98: {  	v63 =	vmul.f32 v47, v9;
	v32 =	vadd.s32 v46, v51;
	v60 =	vadd.s32 v58, v41  }
0x99: {  	v51 =	vand.u32 $0xFFFF0000, v37;
	v41 =	vand.u32 $0xFFFF0000, v62;
	v37 =	vadd.f32 v52, v40  }
0x9a: {  	v62 =	vmul.f32 v47, v12;
	v32 =	vadd.s32 $0x7FFF, v32;
	v38 =	vadd.s32 $0x7FFF, v60  }
0x9b: {  	v39 =	vmul.f32 v41, v13;
	v56 =	vadd.f32 v61, v57;
	v57 =	vmul.f32 v51, v7  }
0x9c: {  	v60 =	vand.u32 $0x1, v49;
	v49 =	vmul.f32 v41, v10;
	v43 =	vmul.f32 v51, v13  }
0x9d: {  	s21 =	sadd.s32 $0x4, s21;
	v32 =	vand.u32 $0xFFFF0000, v32;
	v55 =	vand.u32 $0xFFFF0000, v38;
	v38 =	vmul.f32 v51, v10  }
0x9e: {  	p0 =	slt.u32 s21, s20;
	v61 =	vadd.s32 v60, v45;
	v51 =	vadd.f32 v63, v35;
	v53 =	vmul.f32 v32, v9  }
.Ltmp7:
0x9f: {  	v46 =	vmul.f32 v32, v6;
	v32 =	vmul.f32 v32, v12;
	v63 =	vadd.s32 $0x7FFF, v61;
	(pc) =	sbr.rel @!p0 .LBB2_13-.Ltmp7, $4  }
0xa0: {  	v47 =	vadd.f32 v62, v44;
	v52 =	vmul.f32 v55, v8;
	v40 =	vand.u32 $0xFFFF0000, v63  }
0xa1: {  	v45 =	vadd.f32 v32, v48;
	v48 =	vmul.f32 v55, v11;
	v55 =	vmul.f32 v55, v5  }
0xa2: {  	v53 =	vadd.f32 v53, v50;
	v32 =	vmul.f32 v40, v7;
	v35 =	vmul.f32 v40, v10  }
0xa3: {  	s22 =	sadd.s32 $0xC, s17;
	v50 =	vadd.f32 v57, v56;
	v40 =	vmul.f32 v40, v13;
	v44 =	vadd.f32 v54, v55  }
.LBB2_12:
0xa4: {  	s23 =	sadd.s32 $0xFFFFFFF5, s22;
	s24 =	sadd.s32 $0xFFFFFFF6, s22;
	s25 =	sadd.s32 $0xFFFFFFF8, s22;
	v36 =	vadd.s32 s22, v0;
	v51 =	vadd.f32 v38, v51;
	v52 =	vadd.f32 v34, v52  }
0xa5: {  	s26 =	sadd.s32 $0xFFFFFFFF, s22;
	v49 =	vadd.f32 v49, v53;
	v38 =	vadd.s32 s23, v0;
	v34 =	vadd.s32 s24, v0;
	s23 =	sadd.s32 $0xFFFFFFF9, s22;
	s24 =	sadd.s32 $0xFFFFFFFB, s22  }
0xa6: {  	s28 =	sadd.s32 $0xFFFFFFFE, s22;
	v55 =	vadd.f32 v40, v37;
	v53 =	vadd.s32 s23, v0;
	s23 =	sadd.s32 $0xFFFFFFFA, s22;
	v54 =	vadd.s32 s24, v0;
	s24 =	sadd.s32 $0xFFFFFFFC, s22  }
0xa7: {  	s29 =	sadd.s32 $0xFFFFFFFD, s22;
	s21 =	sadd.s32 $0x4, s21;
	v40 =	vadd.s32 s28, v0;
	v37 =	vadd.s32 s26, v0;
	v49 =	vadd.f32 v49, v3  }
0xa8: {  	v58 =	vmul.f32 v42, v9;
	v56 =	vadd.s32 s25, v0;
	v57 =	vadd.s32 s29, v0;
	p0 =	slt.u32 s21, s20  }
0xa9: {  	v42 =	vmul.f32 v42, v6;
	v50 =	vadd.f32 v50, v2;
	v30 =	vadd.f32 v30, v52;
	v59 =	vld.idx.msk [tilespmem:v36+s2+$0x0], $0xffff  }
0xaa: {  	v31 =	vadd.f32 v46, v31;
	v41 =	vmul.f32 v41, v7;
	v33 =	vadd.f32 v33, v48;
	v52 =	vld.idx.msk [tilespmem:v34+s2+$0x0], $0xffff  }
0xab: {  	v27 =	vadd.f32 v42, v27;
	v30 =	vadd.f32 v30, v3;
	v46 =	vld.idx.msk [tilespmem:v38+s2+$0x0], $0xffff;
	[tilespmem:v20+s2+$0x0] =	vst.idx.msk $0xffff, v50  }
0xac: {  	v26 =	vmul.f32 v26, v8;
	v31 =	vadd.f32 v41, v31;
	v29 =	vadd.f32 v29, v33;
	v20 =	vmovc v56  }
0xad: {  	v39 =	vadd.f32 v39, v45;
	v42 =	vadd.f32 v43, v47;
	v41 =	vadd.s32 s23, v0;
	v33 =	vld.idx.msk [tilespmem:v56+s2+$0x0], $0xffff  }
0xae: {  	s23 =	sadd.s32 $0xFFFFFFF7, s22;
	v31 =	vadd.f32 v31, v2;
	v29 =	vadd.f32 v29, v4;
	v43 =	vld.idx.msk [tilespmem:v40+s2+$0x0], $0xffff  }
0xaf: {  	v26 =	vadd.f32 v58, v26;
	v45 =	vadd.s32 s23, v0;
	v48 =	vsub.f32 v59, v4;
	v47 =	vld.idx.msk [tilespmem:v57+s2+$0x0], $0xffff  }
0xb0: {  	v39 =	vadd.f32 v39, v4;
	v56 =	vadd.s32 s24, v0;
	v50 =	vsub.f32 v52, v3;
	v52 =	vld.idx.msk [tilespmem:v53+s2+$0x0], $0xffff  }
0xb1: {  	v51 =	vadd.f32 v51, v3;
	v46 =	vsub.f32 v46, v2;
	v59 =	vshrl.u32 v48, $0x10;
	v58 =	vld.idx.msk [tilespmem:v54+s2+$0x0], $0xffff  }
0xb2: {  	v42 =	vadd.f32 v42, v4;
	v60 =	vshrl.u32 v50, $0x10;
	v59 =	vand.u32 $0x1, v59;
	v61 =	vld.idx.msk [tilespmem:v41+s2+$0x0], $0xffff;
	[tilespmem:v21+s2+$0x0] =	vst.idx.msk $0xffff, v31  }
0xb3: {  	v28 =	vadd.f32 v28, v44;
	v31 =	vshrl.u32 v46, $0x10;
	v33 =	vsub.f32 v33, v2;
	v21 =	vmovc v54;
	v62 =	vld.idx.msk [tilespmem:v37+s2+$0x0], $0xffff  }
0xb4: {  	v35 =	vadd.f32 v35, v26;
	v44 =	vadd.s32 v59, v48;
	v31 =	vand.u32 $0x1, v31;
	[tilespmem:v23+s2+$0x0] =	vst.idx.msk $0xffff, v51  }
0xb5: {  	v51 =	vadd.s32 v31, v46;
	v31 =	vand.u32 $0x1, v60;
	v46 =	vsub.f32 v47, v4;
	[tilespmem:v25+s2+$0x0] =	vst.idx.msk $0xffff, v49  }
0xb6: {  	v28 =	vadd.f32 v28, v2;
	v51 =	vadd.s32 $0x7FFF, v51;
	v47 =	vsub.f32 v52, v3;
	[tilespmem:v18+s2+$0x0] =	vst.idx.msk $0xffff, v39  }
0xb7: {  	v32 =	vadd.f32 v32, v27;
	v23 =	vmovc v53;
	v26 =	vand.u32 $0xFFFF0000, v51;
	v48 =	vsub.f32 v58, v2;
	v39 =	vld.idx.msk [tilespmem:v56+s2+$0x0], $0xffff  }
0xb8: {  	v25 =	vmovc v56;
	v18 =	vmov v57;
	v27 =	vmul.f32 v26, v5;
	v49 =	vmul.f32 v26, v11  }
0xb9: {  	v32 =	vadd.f32 v32, v2;
	v52 =	vshrl.u32 v33, $0x10;
	v53 =	vsub.f32 v62, v3;
	v51 =	vld.idx.msk [tilespmem:v45+s2+$0x0], $0xffff  }
0xba: {  	v35 =	vadd.f32 v35, v3;
	v52 =	vand.u32 $0x1, v52;
	v54 =	vshrl.u32 v48, $0x10;
	[tilespmem:v17+s2+$0x0] =	vst.idx.msk $0xffff, v42;
	v17 =	vmovc v41  }
0xbb: {  	v41 =	vadd.s32 v31, v50;
	v42 =	vsub.f32 v61, v4;
	v31 =	vadd.s32 $0x7FFF, v44;
	[tilespmem:v16+s2+$0x0] =	vst.idx.msk $0xffff, v32  }
0xbc: {  	v32 =	vadd.s32 v52, v33;
	v52 =	vand.u32 $0x1, v54;
	v33 =	vadd.f32 v55, v4;
	[tilespmem:v24+s2+$0x0] =	vst.idx.msk $0xffff, v28  }
0xbd: {  	v54 =	vshrl.u32 v47, $0x10;
	v28 =	vadd.s32 v52, v48;
	v39 =	vsub.f32 v39, v3;
	[tilespmem:v22+s2+$0x0] =	vst.idx.msk $0xffff, v30  }
0xbe: {  	v50 =	vand.u32 $0xFFFF0000, v31;
	v16 =	vmovc v38;
	v44 =	vshrl.u32 v42, $0x10;
	v48 =	vshrl.u32 v46, $0x10;
	[tilespmem:v14+s2+$0x0] =	vst.idx.msk $0xffff, v29;
	v14 =	vmovc v36  }
0xbf: {  	v38 =	vshrl.u32 v53, $0x10;
	v24 =	vmovc v40;
	v36 =	vand.u32 $0x1, v54;
	v31 =	vshrl.u32 v39, $0x10;
	[tilespmem:v15+s2+$0x0] =	vst.idx.msk $0xffff, v35;
	v15 =	vmovc v34  }
0xc0: {  	v28 =	vadd.s32 $0x7FFF, v28;
	v29 =	vmul.f32 v50, v13;
	v35 =	vsub.f32 v51, v4;
	[tilespmem:v19+s2+$0x0] =	vst.idx.msk $0xffff, v33  }
0xc1: {  	v30 =	vmul.f32 v50, v10;
	v22 =	vmovc v37;
	v34 =	vand.u32 $0x1, v31;
	v33 =	vand.u32 $0xFFFF0000, v28;
	v19 =	vmovc v45  }
0xc2: {  	v37 =	vand.u32 $0x1, v48;
	v28 =	vmul.f32 v50, v7;
	v31 =	vmul.f32 v33, v5  }
0xc3: {  	v36 =	vadd.s32 v36, v47;
	v34 =	vadd.s32 v34, v39;
	v40 =	vmul.f32 v33, v8  }
0xc4: {  	v32 =	vadd.s32 $0x7FFF, v32;
	v39 =	vadd.s32 $0x7FFF, v41;
	v41 =	vsub.f32 v43, v2  }
0xc5: {  	v32 =	vand.u32 $0xFFFF0000, v32;
	v34 =	vadd.s32 $0x7FFF, v34;
	v45 =	vmul.f32 v33, v11  }
0xc6: {  	v38 =	vand.u32 $0x1, v38;
	v33 =	vand.u32 $0x1, v44;
	v43 =	vshrl.u32 v41, $0x10  }
0xc7: {  	v38 =	vadd.s32 v38, v53;
	v44 =	vmul.f32 v32, v11;
	v33 =	vadd.s32 v33, v42  }
0xc8: {  	v47 =	vmul.f32 v32, v5;
	v33 =	vadd.s32 $0x7FFF, v33;
	v42 =	vand.u32 $0x1, v43  }
0xc9: {  	v37 =	vadd.s32 v37, v46;
	v38 =	vadd.s32 $0x7FFF, v38;
	v41 =	vadd.s32 v42, v41  }
0xca: {  	v38 =	vand.u32 $0xFFFF0000, v38;
	v36 =	vadd.s32 $0x7FFF, v36;
	v41 =	vadd.s32 $0x7FFF, v41  }
0xcb: {  	v54 =	vmul.f32 v38, v6;
	v36 =	vand.u32 $0xFFFF0000, v36;
	v48 =	vand.u32 $0xFFFF0000, v34  }
0xcc: {  	v50 =	vmul.f32 v48, v9;
	v43 =	vand.u32 $0xFFFF0000, v33;
	v33 =	vmul.f32 v38, v12  }
0xcd: {  	v46 =	vmul.f32 v36, v6;
	v34 =	vadd.s32 $0x7FFF, v37;
	v55 =	vand.u32 $0xFFFF0000, v41  }
0xce: {  	v32 =	vmul.f32 v32, v8;
	v41 =	vand.u32 $0xFFFF0000, v34;
	v34 =	vmul.f32 v38, v9  }
0xcf: {  	v51 =	vmul.f32 v36, v9;
	v42 =	vand.u32 $0xFFFF0000, v39;
	v38 =	vmul.f32 v43, v10  }
0xd0: {  	v37 =	vshrl.u32 v35, $0x10;
	v52 =	vmul.f32 v42, v12;
	v39 =	vmul.f32 v41, v13  }
0xd1: {  	v47 =	vadd.f32 v46, v47;
	v46 =	vmul.f32 v48, v6;
	v56 =	vmul.f32 v43, v7  }
0xd2: {  	v53 =	vand.u32 $0x1, v37;
	v37 =	vadd.f32 v52, v49;
	v49 =	vmul.f32 v41, v10  }
0xd3: {  	v35 =	vadd.s32 v53, v35;
	v48 =	vmul.f32 v48, v12;
	v43 =	vmul.f32 v43, v13  }
.Ltmp8:
0xd4: {  	v36 =	vmul.f32 v36, v12;
	v51 =	vadd.f32 v51, v32;
	v52 =	vmul.f32 v55, v8;
	(pc) =	sbr.rel @p0 .LBB2_12-.Ltmp8, $4  }
0xd5: {  	v32 =	vadd.s32 $0x7FFF, v35;
	v45 =	vadd.f32 v48, v45;
	v48 =	vmul.f32 v55, v11  }
0xd6: {  	v53 =	vadd.f32 v50, v40;
	v57 =	vand.u32 $0xFFFF0000, v32;
	v55 =	vmul.f32 v55, v5  }
0xd7: {  	v32 =	vmul.f32 v57, v7;
	v35 =	vmul.f32 v57, v10;
	v50 =	vadd.f32 v56, v47  }
0xd8: {  	s22 =	sadd.s32 $0xC, s22;
	v40 =	vmul.f32 v57, v13;
	v47 =	vadd.f32 v36, v44;
	v44 =	vadd.f32 v54, v55  }
.LBB2_13:
0xd9: {  	v36 =	vadd.f32 v49, v53;
	v38 =	vadd.f32 v38, v51  }
0xda: {  	v31 =	vadd.f32 v46, v31;
	v41 =	vmul.f32 v41, v7;
	v34 =	vadd.f32 v34, v52  }
0xdb: {  	v62 =	vmul.f32 v42, v6;
	v33 =	vadd.f32 v33, v48;
	v63 =	vadd.f32 v50, v2  }
0xdc: {  	v48 =	vmul.f32 v42, v9;
	v50 =	vadd.f32 v39, v45;
	v51 =	vadd.f32 v43, v47  }
0xdd: {  	v26 =	vmul.f32 v26, v8;
	v54 =	vadd.f32 v28, v44;
	v38 =	vadd.f32 v38, v3  }
0xde: {  	v31 =	vadd.f32 v41, v31;
	[tilespmem:v20+s2+$0x0] =	vst.idx.msk $0xffff, v63;
	v53 =	vadd.f32 v51, v4  }
0xdf: {  	v30 =	vadd.f32 v30, v34;
	v58 =	vadd.f32 v54, v2;
	[tilespmem:v23+s2+$0x0] =	vst.idx.msk $0xffff, v38  }
0xe0: {  	v27 =	vadd.f32 v62, v27;
	v31 =	vadd.f32 v31, v2;
	[tilespmem:v17+s2+$0x0] =	vst.idx.msk $0xffff, v53  }
0xe1: {  	v57 =	vadd.f32 v29, v33;
	v59 =	vadd.f32 v30, v3;
	[tilespmem:v24+s2+$0x0] =	vst.idx.msk $0xffff, v58  }
0xe2: {  	v36 =	vadd.f32 v36, v3;
	v55 =	vadd.f32 v48, v26;
	[tilespmem:v21+s2+$0x0] =	vst.idx.msk $0xffff, v31  }
0xe3: {  	v52 =	vadd.f32 v32, v27;
	v62 =	vadd.f32 v57, v4;
	[tilespmem:v22+s2+$0x0] =	vst.idx.msk $0xffff, v59  }
0xe4: {  	v20 =	vadd.f32 v50, v4;
	v60 =	vadd.f32 v35, v55;
	[tilespmem:v25+s2+$0x0] =	vst.idx.msk $0xffff, v36  }
0xe5: {  	v61 =	vadd.f32 v40, v37;
	v56 =	vadd.f32 v52, v2;
	[tilespmem:v14+s2+$0x0] =	vst.idx.msk $0xffff, v62  }
0xe6: {  	v63 =	vadd.f32 v60, v3;
	[tilespmem:v18+s2+$0x0] =	vst.idx.msk $0xffff, v20  }
0xe7: {  	[tilespmem:v16+s2+$0x0] =	vst.idx.msk $0xffff, v56;
	v16 =	vadd.f32 v61, v4  }
0xe8: {  	[tilespmem:v15+s2+$0x0] =	vst.idx.msk $0xffff, v63  }
0xe9: {  	[tilespmem:v19+s2+$0x0] =	vst.idx.msk $0xffff, v16  }
.LBB2_4:
0xea: {  	p0 =	sgt.u32 s20, $0x3F  }
.Ltmp9:
0xeb: {  	_ = 	snop;
	(pc) =	sbr.rel @p0 .LBB2_7-.Ltmp9, $1  }
0xec: {  	_ =	sdelay $0x3  }
0xed: {  	s20 =	sshrl.u32 s18, $0x2  }
0xee: {  	s21 =	smul.u32 $0xC, s20  }
0xef: {  	s31 =	sand.u32 $0xFFFFFFFC, s18  }
0xf0: {  	s20 =	sadd.s32 s31, s16;
	s21 =	sadd.s32 s21, s15  }
.LBB2_6:
0xf1: {  	s22 =	sadd.s32 $0x6, s21  }
0xf2: {  	s30 =	sadd.s32 $0x7, s21;
	v14 =	vadd.s32 s22, v0  }
0xf3: {  	s31 =	sadd.s32 $0x8, s21;
	v15 =	vadd.s32 s30, v0  }
0xf4: {  	v16 =	vadd.s32 s31, v0;
	_ =	sdelay $0x2  }
0xf5: {  	v17 =	vld.idx.msk [tilespmem:v14+s2+$0x0], $0xffff  }
0xf6: {  	v18 =	vld.idx.msk [tilespmem:v15+s2+$0x0], $0xffff  }
0xf7: {  	v19 =	vld.idx.msk [tilespmem:v16+s2+$0x0], $0xffff;
	_ =	sdelay $0x3  }
0xf8: {  	v17 =	vsub.f32 v17, v2  }
0xf9: {  	v18 =	vsub.f32 v18, v3;
	v19 =	vsub.f32 v19, v4  }
0xfa: {  	v20 =	vshrl.u32 v17, $0x10  }
0xfb: {  	v21 =	vshrl.u32 v18, $0x10;
	v22 =	vshrl.u32 v19, $0x10;
	v20 =	vand.u32 $0x1, v20  }
0xfc: {  	v54 =	vand.u32 $0x1, v21;
	v55 =	vand.u32 $0x1, v22;
	v17 =	vadd.s32 v20, v17  }
0xfd: {  	v18 =	vadd.s32 v54, v18;
	v19 =	vadd.s32 v55, v19;
	v17 =	vadd.s32 $0x7FFF, v17  }
0xfe: {  	v18 =	vadd.s32 $0x7FFF, v18;
	v19 =	vadd.s32 $0x7FFF, v19;
	v17 =	vand.u32 $0xFFFF0000, v17  }
0xff: {  	v18 =	vand.u32 $0xFFFF0000, v18;
	v19 =	vand.u32 $0xFFFF0000, v19;
	v56 =	vmul.f32 v17, v5  }
0x100: {  	v57 =	vmul.f32 v18, v6;
	v58 =	vmul.f32 v19, v7  }
0x101: {  	v23 =	vmul.f32 v17, v8;
	v24 =	vmul.f32 v18, v9  }
0x102: {  	v17 =	vmul.f32 v17, v11;
	v18 =	vmul.f32 v18, v12;
	v20 =	vadd.f32 v57, v56  }
0x103: {  	v60 =	vmul.f32 v19, v10;
	v59 =	vadd.f32 v24, v23  }
0x104: {  	s20 =	sadd.s32 $0x1, s20;
	v61 =	vmul.f32 v19, v13;
	v17 =	vadd.f32 v18, v17;
	v20 =	vadd.f32 v58, v20  }
0x105: {  	p0 =	slt.u32 s20, $0x3F;
	v62 =	vadd.f32 v60, v59  }
.Ltmp10:
0x106: {  	v17 =	vadd.f32 v61, v17;
	v20 =	vadd.f32 v20, v2;
	(pc) =	sbr.rel @p0 .LBB2_6-.Ltmp10, $4  }
0x107: {  	v63 =	vadd.f32 v62, v3  }
0x108: {  	v17 =	vadd.f32 v17, v4;
	[tilespmem:v14+s2+$0x0] =	vst.idx.msk $0xffff, v20  }
0x109: {  	[tilespmem:v15+s2+$0x0] =	vst.idx.msk $0xffff, v63  }
0x10a: {  	s21 =	sadd.s32 $0x3, s21;
	[tilespmem:v16+s2+$0x0] =	vst.idx.msk $0xffff, v17  }
.Ltmp11:
0x10b: {  	_ = 	snop;
	(pc) =	sbr.rel .LBB2_7-.Ltmp11, $1  }
0x10c: {  	_ =	sdelay $0x3  }
.LBB2_10:
0x10d: {  	_ =	sfence.sel $0x180000  }
0x10e: {  	[bflag:$0x0] =	sbarrier.arrive $0xFFFF  }
0x10f: {  	p0 =	sne.s32 s3, $0x0;
	_ =	strace $0x90000047  }
0x110: {  	s0 =	sadd.s32 @!p0 $0x100000, s0;
	[bflag:$0x2] =	sbarrier.arrive $0xFFFF  }
0x111: {  	[sflag:s0] =	ssyncadd.tile.s32 @!p0 $0x1;
	_ =	shalt  }
.Lfunc_end2:
_tile_overlayer_lowered:
.L_overlay_start_2:
0x112: {  	(tag) =	ssettag $0x2  }
0x113: {  	s0 =	rddreg [dreg:$0x0];
	s2 =	stileid.u32  }
0x114: {  	s1 =	rddreg [dreg:$0x1];
	p0 =	sne.s32 s2, $0x0  }
0x115: {  	s3 =	rddreg [dreg:$0x2];
	[bflag:$0x3] =	sbarrier.arrive $0xFFFF;
	s2 =	simm.s32 @!p0 $0x1C01  }
0x116: {  	[timem:s3], [sflag:s2] =	dma.local @!p0 [hbm:s0], s1  }
0x117: {  	s0 =	simm.s32 @!p0 $0x1  }
0x118: {  	_ =	swait.ge @!p0 [sflag:s0], s1  }
0x119: {  	s1 =	ssub.s32 @!p0 $0x0, s1;
	[sflag:s0] =	ssyncset.done @!p0 $0x0  }
0x11a: {  	[sflag:s0] =	ssyncadd.s32 @!p0 s1  }
0x11b: {  	[bflag:$0x3] =	sbarrier.arrive $0xFFFF  }
0x11c: {  	_ =	shalt  }

</sc_bundles>
